<compile_context>
chip_gen: v7x
topology: tpu7x:2x2x1
jax: 0.10.2.dev20260603
libtpu: 0.0.44.dev20260713+nightly
codegen_flags: <defaults>
</compile_context>

<pallas_src>
import jax
import jax.numpy as jnp
from jax import lax
from jax.experimental import pallas as pl
from jax.experimental.pallas import tpu as pltpu
from jax.experimental.pallas import tpu_sc as plsc

_N = 20000
_NP = 20480
_NT = 16
_P = _NP // _NT
_R = _P // 16
_RF = _NP // 16
_MAX_OUT = 300
_OUT_ROWS = 304
_NEG = -1e30
_BIGI = 1 << 30


def _nms_sc(b0, b1, b2, b3, s_in, out_hbm,
            shr0, shr1, x1v, y1v, x2v, y2v, arv, alv, lcv, bsb, redf,
            redi, outv):
    cid = lax.axis_index("c")
    sid = lax.axis_index("s")
    off = sid * _P
    li = lax.iota(jnp.int32, 16)
    zi = jnp.zeros((16,), jnp.int32)
    zf = jnp.zeros((16,), jnp.float32)
    negv = jnp.full((16,), _NEG, jnp.float32)
    bigv = jnp.full((16,), _BIGI, jnp.int32)
    fifteen = jnp.full((16,), 15, jnp.int32)

    def maxsplat_f(x):
        redf[...] = plsc.cummax(x)
        return plsc.load_gather(redf, [fifteen])

    def minsplat_i(x):
        redi[...] = plsc.cummax(-x)
        return -plsc.load_gather(redi, [fifteen])

    pltpu.sync_copy(b0, x1v)
    pltpu.sync_copy(b1, y1v)
    pltpu.sync_copy(b2, x2v)
    pltpu.sync_copy(b3, y2v)
    pltpu.sync_copy(s_in.at[pl.ds(off, _P)], alv)

    def canon(r):
        d = pl.ds(r * 16, 16)
        a, b = x1v[d], x2v[d]
        lo, hi = jnp.minimum(a, b), jnp.maximum(a, b)
        x1v[d] = lo
        x2v[d] = hi
        p, q = y1v[d], y2v[d]
        lo2, hi2 = jnp.minimum(p, q), jnp.maximum(p, q)
        y1v[d] = lo2
        y2v[d] = hi2
        arv[d] = (hi - lo) * (hi2 - lo2)

    plsc.parallel_loop(0, _RF, unroll=8)(canon)

    def stage(b1s, i1s, b2s, i2s, wsh):
        t1 = maxsplat_f(b1s)
        k1 = minsplat_i(jnp.where(b1s == t1, i1s, bigv))
        selm = (b1s == t1) & (i1s == k1)
        xx = jnp.where(selm, b2s, b1s)
        ixx = jnp.where(selm, i2s, i1s)
        t2 = maxsplat_f(xx)
        k2 = minsplat_i(jnp.where(xx == t2, ixx, bigv))
        row = jnp.where(li == 0, t1, zf)
        row = jnp.where(li == 1, plsc.bitcast(k1, jnp.float32), row)
        row = jnp.where(li == 2, t2, row)
        row = jnp.where(li == 3, plsc.bitcast(k2, jnp.float32), row)
        bsb[...] = row
        pltpu.sync_copy(bsb, wsh.at[pl.ds(sid * 16, 16)])

    def top2upd(carry, a2, idx):
        c1, j1, c2, j2 = carry
        u1 = a2 > c1
        u2 = a2 > c2
        nb2 = jnp.where(u1, c1, jnp.where(u2, a2, c2))
        ni2 = jnp.where(u1, j1, jnp.where(u2, idx, j2))
        return (jnp.where(u1, a2, c1), jnp.where(u1, idx, j1), nb2, ni2)

    def prescan(r, carry):
        d = pl.ds(r * 16, 16)
        a = alv[d]
        idx = off + r * 16 + li
        return top2upd(carry, a, idx)

    c0 = plsc.parallel_loop(0, _R, unroll=4,
                            carry=(negv, bigv, negv, bigv))(prescan)
    stage(*c0, shr0)

    def zout(r):
        outv[pl.ds(r * 16, 16)] = zf

    plsc.parallel_loop(0, _OUT_ROWS, unroll=4)(zout)
    plsc.subcore_barrier()

    def iou_vs(ax1, ay1, ax2, ay2, aar, ux1, uy1, ux2, uy2, uar):
        iw = jnp.maximum(jnp.minimum(ax2, ux2) - jnp.maximum(ax1, ux1), 0.0)
        ih = jnp.maximum(jnp.minimum(ay2, uy2) - jnp.maximum(ay1, uy1), 0.0)
        inter = iw * ih
        return inter / (aar + uar - inter + jnp.float32(1e-8))

    def gath5(g):
        return (plsc.load_gather(x1v, [g]), plsc.load_gather(y1v, [g]),
                plsc.load_gather(x2v, [g]), plsc.load_gather(y2v, [g]),
                plsc.load_gather(arv, [g]))

    def one_iter(rsh, wsh, cnt):
        pltpu.sync_copy(rsh, lcv)
        l16 = li * 16
        s1v = plsc.load_gather(lcv, [l16])
        i1v = plsc.bitcast(plsc.load_gather(lcv, [l16 + 1]), jnp.int32)
        s2v = plsc.load_gather(lcv, [l16 + 2])
        i2v = plsc.bitcast(plsc.load_gather(lcv, [l16 + 3]), jnp.int32)
        m = maxsplat_f(jnp.maximum(s1v, s2v))
        mi = minsplat_i(jnp.minimum(jnp.where(s1v == m, i1v, bigv),
                                    jnp.where(s2v == m, i2v, bigv)))
        valid = m[0] > jnp.float32(-5e29)
        w1 = gath5(jnp.clip(mi, 0, _NP - 1))
        e1 = gath5(jnp.clip(i1v, 0, _NP - 1))
        e2 = gath5(jnp.clip(i2v, 0, _NP - 1))
        al1 = ((s1v > jnp.float32(-5e29)) & (i1v != mi)
               & jnp.logical_not(iou_vs(*e1, *w1) > jnp.float32(0.5)))
        al2 = ((s2v > jnp.float32(-5e29)) & (i2v != mi)
               & jnp.logical_not(iou_vs(*e2, *w1) > jnp.float32(0.5)))
        has = s1v > jnp.float32(-5e29)
        okv = jnp.where(jnp.logical_not(has) | al1 | al2,
                        jnp.full((16,), 1, jnp.int32), zi)
        allok = minsplat_i(okv)
        c1 = jnp.where(al1, s1v, negv)
        c2 = jnp.where(al2, s2v, negv)
        m2 = maxsplat_f(jnp.maximum(c1, c2))
        mi2 = minsplat_i(jnp.minimum(jnp.where(al1 & (c1 == m2), i1v, bigv),
                                     jnp.where(al2 & (c2 == m2), i2v, bigv)))
        w2ok = valid & (allok[0] > 0) & (m2[0] > jnp.float32(-5e29))
        w2f = (zi + jnp.where(w2ok, jnp.int32(1), jnp.int32(0))) > 0
        v = gath5(jnp.clip(mi2, 0, _NP - 1))
        nop = jnp.full((16,), -5.0, jnp.float32)
        w2 = (jnp.where(w2f, v[0], nop), jnp.where(w2f, v[1], nop),
              jnp.where(w2f, v[2], nop), jnp.where(w2f, v[3], nop), v[4])

        @pl.when((cid == 0) & (sid == 0) & valid & (cnt < _MAX_OUT))
        def _():
            row = jnp.where(li == 0, w1[0], zf)
            row = jnp.where(li == 1, w1[1], row)
            row = jnp.where(li == 2, w1[2], row)
            row = jnp.where(li == 3, w1[3], row)
            row = jnp.where(li == 4, m, row)
            outv[pl.ds(cnt * 16, 16)] = row

        @pl.when((cid == 0) & (sid == 0) & w2ok & (cnt + 1 < _MAX_OUT))
        def _():
            row = jnp.where(li == 0, w2[0], zf)
            row = jnp.where(li == 1, w2[1], row)
            row = jnp.where(li == 2, w2[2], row)
            row = jnp.where(li == 3, w2[3], row)
            row = jnp.where(li == 4, m2, row)
            outv[pl.ds((cnt + 1) * 16, 16)] = row

        @pl.when(valid)
        def _():
            offv = jnp.full((16,), off, jnp.int32)
            mlw = mi - offv
            inb = (mlw >= 0) & (mlw < _P) & (li == 0)
            plsc.store_scatter(alv, [jnp.clip(mlw, 0, _P - 1)], negv,
                               mask=inb)
            mlw2 = mi2 - offv
            inb2 = (mlw2 >= 0) & (mlw2 < _P) & (li == 0) & w2f
            plsc.store_scatter(alv, [jnp.clip(mlw2, 0, _P - 1)], negv,
                               mask=inb2)

            def supp(r, carry):
                d = pl.ds(r * 16, 16)
                df = pl.ds(off + r * 16, 16)
                a = alv[d]
                e = (x1v[df], y1v[df], x2v[df], y2v[df], arv[df])
                kill = ((iou_vs(*e, *w1) > jnp.float32(0.5))
                        | (iou_vs(*e, *w2) > jnp.float32(0.5)))
                a2 = jnp.where(kill, negv, a)
                alv[d] = a2
                idx = off + r * 16 + li
                return top2upd(carry, a2, idx)

            c = plsc.parallel_loop(0, _R, unroll=4,
                                   carry=(negv, bigv, negv, bigv))(supp)
            stage(*c, wsh)

        @pl.when(jnp.logical_not(valid))
        def _():
            stage(negv, bigv, negv, bigv, wsh)

        plsc.subcore_barrier()
        ncnt = cnt + jnp.where(valid, jnp.int32(1), jnp.int32(0)) \
            + jnp.where(w2ok, jnp.int32(1), jnp.int32(0))
        return ncnt, valid

    def pair_body(carry):
        k, cnt, _ = carry
        cnt, _ = one_iter(shr0, shr1, cnt)
        cnt, cont = one_iter(shr1, shr0, cnt)
        return (k + jnp.int32(1), cnt, cont)

    def pair_cond(carry):
        k, cnt, cont = carry
        return (k < _MAX_OUT // 2) & cont & (cnt < _MAX_OUT)

    lax.while_loop(pair_cond, pair_body,
                   (jnp.int32(0), jnp.int32(0), jnp.bool_(True)))

    @pl.when((cid == 0) & (sid == 0))
    def _():
        pltpu.sync_copy(outv, out_hbm)


@jax.jit
def _run(b0, b1, b2, b3, sp):
    mesh = plsc.VectorSubcoreMesh(core_axis_name="c", subcore_axis_name="s",
                                  num_cores=2, num_subcores=16)
    f = pl.kernel(
        _nms_sc,
        out_type=jax.ShapeDtypeStruct((_OUT_ROWS * 16,), jnp.float32),
        mesh=mesh,
        compiler_params=pltpu.CompilerParams(needs_layout_passes=False),
        scratch_types=[
            pltpu.VMEM_SHARED((256,), jnp.float32),
            pltpu.VMEM_SHARED((256,), jnp.float32),
            pltpu.VMEM((_NP,), jnp.float32),
            pltpu.VMEM((_NP,), jnp.float32),
            pltpu.VMEM((_NP,), jnp.float32),
            pltpu.VMEM((_NP,), jnp.float32),
            pltpu.VMEM((_NP,), jnp.float32),
            pltpu.VMEM((_P,), jnp.float32),
            pltpu.VMEM((256,), jnp.float32),
            pltpu.VMEM((16,), jnp.float32),
            pltpu.VMEM((16,), jnp.float32),
            pltpu.VMEM((16,), jnp.int32),
            pltpu.VMEM((_OUT_ROWS * 16,), jnp.float32),
        ],
    )
    return f(b0, b1, b2, b3, sp)


def kernel(boxes, scores):
    bT = jnp.zeros((4, _NP), jnp.float32).at[:, :_N].set(boxes.T)
    sp = jnp.full((_NP,), _NEG, jnp.float32).at[:_N].set(scores)
    out = _run(bT[0], bT[1], bT[2], bT[3], sp)
    return out.reshape(_OUT_ROWS, 16)[:_MAX_OUT, :5]

# --- scband reference (transcript-rebuilt; emitter-appended) ---
"""Pipeline reference for scband-network-16587163698006 (READ-ONLY COPY).

The authoritative reference and input builder live on the scoring server;
editing this copy changes nothing except your own understanding.
"""

import jax, jax.numpy as jnp
import numpy as np

N = 20000
IOU_THRESH = 0.5
MAX_OUT = 300


def setup_inputs(seed: int = 0) -> dict:
    key = jax.random.key(seed)
    k1, k2 = jax.random.split(key)
    boxes = jax.random.uniform(k1, (N, 4), dtype=jnp.float32)
    scores = jax.random.uniform(k2, (N,), dtype=jnp.float32)
    return {"boxes": boxes, "scores": scores}


def _nms(boxes, scores, iou_thresh=IOU_THRESH, max_out=MAX_OUT):
    # Canonicalize corners so x1<=x2, y1<=y2 (boxes are raw uniform floats).
    x1 = jnp.minimum(boxes[:, 0], boxes[:, 2])
    y1 = jnp.minimum(boxes[:, 1], boxes[:, 3])
    x2 = jnp.maximum(boxes[:, 0], boxes[:, 2])
    y2 = jnp.maximum(boxes[:, 1], boxes[:, 3])
    areas = (x2 - x1) * (y2 - y1)
    n = scores.shape[0]
    neg_inf = jnp.float32(-1e30)

    def step(mask, _):
        ms = jnp.where(mask, scores, neg_inf)
        idx = jnp.argmax(ms)
        is_valid = ms[idx] > neg_inf / 2
        ix1 = jnp.maximum(x1, x1[idx])
        iy1 = jnp.maximum(y1, y1[idx])
        ix2 = jnp.minimum(x2, x2[idx])
        iy2 = jnp.minimum(y2, y2[idx])
        iw = jnp.maximum(ix2 - ix1, 0.0)
        ih = jnp.maximum(iy2 - iy1, 0.0)
        inter = iw * ih
        iou = inter / (areas + areas[idx] - inter + 1e-8)
        keep = mask & (iou <= iou_thresh)
        keep = keep.at[idx].set(False)
        new_mask = jnp.where(is_valid, keep, mask)
        return new_mask, (idx.astype(jnp.int32), is_valid)

    mask0 = jnp.ones((n,), dtype=bool)
    _, (sel, valid) = jax.lax.scan(step, mask0, None, length=max_out)
    sel = jnp.where(valid, sel, 0)
    b4 = jnp.stack([x1, y1, x2, y2], axis=1)
    out_boxes = jnp.take(b4, sel, axis=0)
    out_scores = jnp.take(scores, sel)
    out = jnp.concatenate([out_boxes, out_scores[:, None]], axis=1)
    out = out * valid[:, None].astype(out.dtype)
    return out


def reference(boxes, scores):
    # Greedy hard-NMS: repeatedly take highest-scoring surviving box and
    # suppress all boxes with IoU > threshold. Output: [MAX_OUT, 5]
    # rows = (x1, y1, x2, y2, score), zero-padded past the number of keeps.
    return _nms(boxes, scores)

if __name__ == "__main__":
    import jax
    _d = setup_inputs()
    print(jax.jit(kernel)(*tuple(_d.values())))

</pallas_src>

<mosaic_0001>
#map = affine_map<(d0, d1) -> (0)>
module attributes {stable_mosaic.version = 14 : i64} {
  func.func @_nms_sc(%arg0: i32, %arg1: i32, %arg2: memref<20480xf32, #tpu.memory_space<hbm>>, %arg3: memref<20480xf32, #tpu.memory_space<hbm>>, %arg4: memref<20480xf32, #tpu.memory_space<hbm>>, %arg5: memref<20480xf32, #tpu.memory_space<hbm>>, %arg6: memref<20480xf32, #tpu.memory_space<hbm>>, %arg7: memref<4864xf32, #tpu.memory_space<hbm>>, %arg8: memref<256xf32, #tpu.memory_space<vmem_shared>>, %arg9: memref<256xf32, #tpu.memory_space<vmem_shared>>, %arg10: memref<20480xf32, #tpu.memory_space<vmem>>, %arg11: memref<20480xf32, #tpu.memory_space<vmem>>, %arg12: memref<20480xf32, #tpu.memory_space<vmem>>, %arg13: memref<20480xf32, #tpu.memory_space<vmem>>, %arg14: memref<20480xf32, #tpu.memory_space<vmem>>, %arg15: memref<1280xf32, #tpu.memory_space<vmem>>, %arg16: memref<256xf32, #tpu.memory_space<vmem>>, %arg17: memref<16xf32, #tpu.memory_space<vmem>>, %arg18: memref<16xf32, #tpu.memory_space<vmem>>, %arg19: memref<16xi32, #tpu.memory_space<vmem>>, %arg20: memref<4864xf32, #tpu.memory_space<vmem>>) attributes {dimension_semantics = [#tpu.dimension_semantics<core_parallel>, #tpu.dimension_semantics<subcore_parallel>], iteration_bounds = array<i64: 2, 16>, scalar_prefetch = 0 : i64, scratch_operands = 13 : i64, tpu.core_type = #tpu.core_type<sc_vector_subcore>, window_params = [{transform_indices = #map}, {transform_indices = #map}, {transform_indices = #map}, {transform_indices = #map}, {transform_indices = #map}, {transform_indices = #map}]} {
    %mul3A = arith.constant 1280 : i32
    %mul3A_0 = arith.muli %arg1, %mul3A : i32
    %iota3A = tpu.iota {dimensions = array<i32: 0>} : vector<16xi32>
    %broadcast_in_dim3A = arith.constant 0 : i32
    %broadcast_in_dim3A_1 = vector.broadcast %broadcast_in_dim3A : i32 to vector<16xi32>
    %broadcast_in_dim3A_2 = arith.constant 0.000000e+00 : f32
    %broadcast_in_dim3A_3 = vector.broadcast %broadcast_in_dim3A_2 : f32 to vector<16xf32>
    %broadcast_in_dim3A_4 = arith.constant -1.000000e+30 : f32
    %broadcast_in_dim3A_5 = vector.broadcast %broadcast_in_dim3A_4 : f32 to vector<16xf32>
    %broadcast_in_dim3A_6 = arith.constant 1073741824 : i32
    %broadcast_in_dim3A_7 = vector.broadcast %broadcast_in_dim3A_6 : i32 to vector<16xi32>
    %broadcast_in_dim3A_8 = arith.constant 15 : i32
    %broadcast_in_dim3A_9 = vector.broadcast %broadcast_in_dim3A_8 : i32 to vector<16xi32>
    "tpu.region"() ({
      %run_scoped3A = tpu.sem_alloc : memref<!tpu.dma_semaphore, #tpu.memory_space<semaphore_mem>>
      tpu.enqueue_dma source(%arg2 : memref<20480xf32, #tpu.memory_space<hbm>>) target(%arg10 : memref<20480xf32, #tpu.memory_space<vmem>>) target_semaphore(%run_scoped3A : memref<!tpu.dma_semaphore, #tpu.memory_space<semaphore_mem>>)
      tpu.wait_dma2 semaphore(%run_scoped3A : memref<!tpu.dma_semaphore, #tpu.memory_space<semaphore_mem>>) src(%arg2 : memref<20480xf32, #tpu.memory_space<hbm>>) dst(%arg10 : memref<20480xf32, #tpu.memory_space<vmem>>)
      tpu.yield
    }) : () -> ()
    "tpu.region"() ({
      %run_scoped3A = tpu.sem_alloc : memref<!tpu.dma_semaphore, #tpu.memory_space<semaphore_mem>>
      tpu.enqueue_dma source(%arg3 : memref<20480xf32, #tpu.memory_space<hbm>>) target(%arg11 : memref<20480xf32, #tpu.memory_space<vmem>>) target_semaphore(%run_scoped3A : memref<!tpu.dma_semaphore, #tpu.memory_space<semaphore_mem>>)
      tpu.wait_dma2 semaphore(%run_scoped3A : memref<!tpu.dma_semaphore, #tpu.memory_space<semaphore_mem>>) src(%arg3 : memref<20480xf32, #tpu.memory_space<hbm>>) dst(%arg11 : memref<20480xf32, #tpu.memory_space<vmem>>)
      tpu.yield
    }) : () -> ()
    "tpu.region"() ({
      %run_scoped3A = tpu.sem_alloc : memref<!tpu.dma_semaphore, #tpu.memory_space<semaphore_mem>>
      tpu.enqueue_dma source(%arg4 : memref<20480xf32, #tpu.memory_space<hbm>>) target(%arg12 : memref<20480xf32, #tpu.memory_space<vmem>>) target_semaphore(%run_scoped3A : memref<!tpu.dma_semaphore, #tpu.memory_space<semaphore_mem>>)
      tpu.wait_dma2 semaphore(%run_scoped3A : memref<!tpu.dma_semaphore, #tpu.memory_space<semaphore_mem>>) src(%arg4 : memref<20480xf32, #tpu.memory_space<hbm>>) dst(%arg12 : memref<20480xf32, #tpu.memory_space<vmem>>)
      tpu.yield
    }) : () -> ()
    "tpu.region"() ({
      %run_scoped3A = tpu.sem_alloc : memref<!tpu.dma_semaphore, #tpu.memory_space<semaphore_mem>>
      tpu.enqueue_dma source(%arg5 : memref<20480xf32, #tpu.memory_space<hbm>>) target(%arg13 : memref<20480xf32, #tpu.memory_space<vmem>>) target_semaphore(%run_scoped3A : memref<!tpu.dma_semaphore, #tpu.memory_space<semaphore_mem>>)
      tpu.wait_dma2 semaphore(%run_scoped3A : memref<!tpu.dma_semaphore, #tpu.memory_space<semaphore_mem>>) src(%arg5 : memref<20480xf32, #tpu.memory_space<hbm>>) dst(%arg13 : memref<20480xf32, #tpu.memory_space<vmem>>)
      tpu.yield
    }) : () -> ()
    "tpu.region"() ({
      %run_scoped3A = tpu.sem_alloc : memref<!tpu.dma_semaphore, #tpu.memory_space<semaphore_mem>>
      %dma_start3A = tpu.memref_slice %arg6[%mul3A_0] : memref<20480xf32, #tpu.memory_space<hbm>> -> memref<1280xf32, #tpu.memory_space<hbm>>
      %dma_start3A_95 = tpu.memref_slice %arg6[%mul3A_0] : memref<20480xf32, #tpu.memory_space<hbm>> -> memref<1280xf32, #tpu.memory_space<hbm>>
      tpu.enqueue_dma source(%dma_start3A_95 : memref<1280xf32, #tpu.memory_space<hbm>>) target(%arg15 : memref<1280xf32, #tpu.memory_space<vmem>>) target_semaphore(%run_scoped3A : memref<!tpu.dma_semaphore, #tpu.memory_space<semaphore_mem>>)
      %dma_wait3A = tpu.memref_slice %arg6[%mul3A_0] : memref<20480xf32, #tpu.memory_space<hbm>> -> memref<1280xf32, #tpu.memory_space<hbm>>
      %dma_wait3A_96 = tpu.memref_slice %arg6[%mul3A_0] : memref<20480xf32, #tpu.memory_space<hbm>> -> memref<1280xf32, #tpu.memory_space<hbm>>
      tpu.wait_dma2 semaphore(%run_scoped3A : memref<!tpu.dma_semaphore, #tpu.memory_space<semaphore_mem>>) src(%dma_wait3A_96 : memref<1280xf32, #tpu.memory_space<hbm>>) dst(%arg15 : memref<1280xf32, #tpu.memory_space<vmem>>)
      tpu.yield
    }) : () -> ()
    %parallel_loop3A = arith.constant 0 : i32
    %parallel_loop3A_10 = arith.constant 1280 : i32
    %parallel_loop3A_11 = arith.constant 1 : i32
    scf.for %parallel_loop3A_95 = %parallel_loop3A to %parallel_loop3A_10 step %parallel_loop3A_11  : i32 {
      %parallel_loop3A_96 = arith.constant 16 : i32
      %parallel_loop3A_97 = arith.muli %parallel_loop3A_95, %parallel_loop3A_96 : i32
      %parallel_loop3A_98 = arith.index_cast %parallel_loop3A_97 : i32 to index
      %parallel_loop3A_99 = tpu.vector_load %arg10[%parallel_loop3A_98] {strides = array<i32>} : memref<20480xf32, #tpu.memory_space<vmem>>, vector<16xf32>,
      %parallel_loop3A_100 = arith.index_cast %parallel_loop3A_97 : i32 to index
      %parallel_loop3A_101 = tpu.vector_load %arg12[%parallel_loop3A_100] {strides = array<i32>} : memref<20480xf32, #tpu.memory_space<vmem>>, vector<16xf32>,
      %parallel_loop3A_102 = arith.minimumf %parallel_loop3A_99, %parallel_loop3A_101 : vector<16xf32>
      %parallel_loop3A_103 = arith.maximumf %parallel_loop3A_99, %parallel_loop3A_101 : vector<16xf32>
      %parallel_loop3A_104 = arith.index_cast %parallel_loop3A_97 : i32 to index
      %parallel_loop3A_105 = tpu.vector_load %arg10[%parallel_loop3A_104] {strides = array<i32>} : memref<20480xf32, #tpu.memory_space<vmem>>, vector<16xf32>,
      tpu.vector_store %arg10[%parallel_loop3A_104], %parallel_loop3A_102 {strides = array<i32>} : memref<20480xf32, #tpu.memory_space<vmem>>, vector<16xf32>,
      %parallel_loop3A_106 = arith.index_cast %parallel_loop3A_97 : i32 to index
      %parallel_loop3A_107 = tpu.vector_load %arg12[%parallel_loop3A_106] {strides = array<i32>} : memref<20480xf32, #tpu.memory_space<vmem>>, vector<16xf32>,
      tpu.vector_store %arg12[%parallel_loop3A_106], %parallel_loop3A_103 {strides = array<i32>} : memref<20480xf32, #tpu.memory_space<vmem>>, vector<16xf32>,
      %parallel_loop3A_108 = arith.index_cast %parallel_loop3A_97 : i32 to index
      %parallel_loop3A_109 = tpu.vector_load %arg11[%parallel_loop3A_108] {strides = array<i32>} : memref<20480xf32, #tpu.memory_space<vmem>>, vector<16xf32>,
      %parallel_loop3A_110 = arith.index_cast %parallel_loop3A_97 : i32 to index
      %parallel_loop3A_111 = tpu.vector_load %arg13[%parallel_loop3A_110] {strides = array<i32>} : memref<20480xf32, #tpu.memory_space<vmem>>, vector<16xf32>,
      %parallel_loop3A_112 = arith.minimumf %parallel_loop3A_109, %parallel_loop3A_111 : vector<16xf32>
      %parallel_loop3A_113 = arith.maximumf %parallel_loop3A_109, %parallel_loop3A_111 : vector<16xf32>
      %parallel_loop3A_114 = arith.index_cast %parallel_loop3A_97 : i32 to index
      %parallel_loop3A_115 = tpu.vector_load %arg11[%parallel_loop3A_114] {strides = array<i32>} : memref<20480xf32, #tpu.memory_space<vmem>>, vector<16xf32>,
      tpu.vector_store %arg11[%parallel_loop3A_114], %parallel_loop3A_112 {strides = array<i32>} : memref<20480xf32, #tpu.memory_space<vmem>>, vector<16xf32>,
      %parallel_loop3A_116 = arith.index_cast %parallel_loop3A_97 : i32 to index
      %parallel_loop3A_117 = tpu.vector_load %arg13[%parallel_loop3A_116] {strides = array<i32>} : memref<20480xf32, #tpu.memory_space<vmem>>, vector<16xf32>,
      tpu.vector_store %arg13[%parallel_loop3A_116], %parallel_loop3A_113 {strides = array<i32>} : memref<20480xf32, #tpu.memory_space<vmem>>, vector<16xf32>,
      %parallel_loop3A_118 = arith.subf %parallel_loop3A_103, %parallel_loop3A_102 : vector<16xf32>
      %parallel_loop3A_119 = arith.subf %parallel_loop3A_113, %parallel_loop3A_112 : vector<16xf32>
      %parallel_loop3A_120 = arith.mulf %parallel_loop3A_118, %parallel_loop3A_119 : vector<16xf32>
      %parallel_loop3A_121 = arith.index_cast %parallel_loop3A_97 : i32 to index
      %parallel_loop3A_122 = tpu.vector_load %arg14[%parallel_loop3A_121] {strides = array<i32>} : memref<20480xf32, #tpu.memory_space<vmem>>, vector<16xf32>,
      tpu.vector_store %arg14[%parallel_loop3A_121], %parallel_loop3A_120 {strides = array<i32>} : memref<20480xf32, #tpu.memory_space<vmem>>, vector<16xf32>,
    } {sc.loop_unroll_factor = 8 : i64, sc.parallel_access}
    %parallel_loop3A_12 = arith.constant 0 : i32
    %parallel_loop3A_13 = arith.constant 80 : i32
    %parallel_loop3A_14 = arith.constant 1 : i32
    %parallel_loop3A_15:4 = scf.for %parallel_loop3A_95 = %parallel_loop3A_12 to %parallel_loop3A_13 step %parallel_loop3A_14 iter_args(%parallel_loop3A_96 = %broadcast_in_dim3A_5, %parallel_loop3A_97 = %broadcast_in_dim3A_7, %parallel_loop3A_98 = %broadcast_in_dim3A_5, %parallel_loop3A_99 = %broadcast_in_dim3A_7) -> (vector<16xf32>, vector<16xi32>, vector<16xf32>, vector<16xi32>)  : i32 {
      %parallel_loop3A_100 = arith.constant 16 : i32
      %parallel_loop3A_101 = arith.muli %parallel_loop3A_95, %parallel_loop3A_100 : i32
      %parallel_loop3A_102 = arith.index_cast %parallel_loop3A_101 : i32 to index
      %parallel_loop3A_103 = tpu.vector_load %arg15[%parallel_loop3A_102] {strides = array<i32>} : memref<1280xf32, #tpu.memory_space<vmem>>, vector<16xf32>,
      %parallel_loop3A_104 = arith.constant 16 : i32
      %parallel_loop3A_105 = arith.muli %parallel_loop3A_95, %parallel_loop3A_104 : i32
      %parallel_loop3A_106 = arith.addi %mul3A_0, %parallel_loop3A_105 : i32
      %parallel_loop3A_107 = vector.broadcast %parallel_loop3A_106 : i32 to vector<16xi32>
      %parallel_loop3A_108 = arith.addi %parallel_loop3A_107, %iota3A : vector<16xi32>
      %parallel_loop3A_109 = arith.cmpf ogt, %parallel_loop3A_103, %parallel_loop3A_96 : vector<16xf32>
      %parallel_loop3A_110 = arith.cmpf ogt, %parallel_loop3A_103, %parallel_loop3A_98 : vector<16xf32>
      %parallel_loop3A_111 = arith.select %parallel_loop3A_110, %parallel_loop3A_103, %parallel_loop3A_98 : vector<16xi1>, vector<16xf32>
      %parallel_loop3A_112 = arith.select %parallel_loop3A_109, %parallel_loop3A_96, %parallel_loop3A_111 : vector<16xi1>, vector<16xf32>
      %parallel_loop3A_113 = arith.select %parallel_loop3A_110, %parallel_loop3A_108, %parallel_loop3A_99 : vector<16xi1>, vector<16xi32>
      %parallel_loop3A_114 = arith.select %parallel_loop3A_109, %parallel_loop3A_97, %parallel_loop3A_113 : vector<16xi1>, vector<16xi32>
      %parallel_loop3A_115 = arith.select %parallel_loop3A_109, %parallel_loop3A_103, %parallel_loop3A_96 : vector<16xi1>, vector<16xf32>
      %parallel_loop3A_116 = arith.select %parallel_loop3A_109, %parallel_loop3A_108, %parallel_loop3A_97 : vector<16xi1>, vector<16xi32>
      scf.yield %parallel_loop3A_115, %parallel_loop3A_116, %parallel_loop3A_112, %parallel_loop3A_114 : vector<16xf32>, vector<16xi32>, vector<16xf32>, vector<16xi32>
    } {sc.loop_unroll_factor = 4 : i64, sc.parallel_access}
    %broadcast_in_dim3A_16 = arith.constant true
    %broadcast_in_dim3A_17 = vector.broadcast %broadcast_in_dim3A_16 : i1 to vector<16xi1>
    %masked_cummax3A = tpu.scan <max>, %parallel_loop3A_15#0 masked %broadcast_in_dim3A_17 : vector<16xf32>, vector<16xi1> -> vector<16xf32>
    %swap3A = arith.constant 0 : index
    %swap3A_18 = tpu.vector_load %arg18[%swap3A] {strides = array<i32>} : memref<16xf32, #tpu.memory_space<vmem>>, vector<16xf32>,
    tpu.vector_store %arg18[%swap3A], %masked_cummax3A {strides = array<i32>} : memref<16xf32, #tpu.memory_space<vmem>>, vector<16xf32>,
    %gather3A = tpu.vector_load_idx %arg18[%broadcast_in_dim3A_9] : memref<16xf32, #tpu.memory_space<vmem>>[vector<16xi32>], vector<16xf32>,
    %eq3A = arith.cmpf oeq, %parallel_loop3A_15#0, %gather3A : vector<16xf32>
    %select_n3A = arith.select %eq3A, %parallel_loop3A_15#1, %broadcast_in_dim3A_7 : vector<16xi1>, vector<16xi32>
    %neg3A = arith.constant 0 : i32
    %neg3A_19 = vector.broadcast %neg3A : i32 to vector<16xi32>
    %neg3A_20 = arith.subi %neg3A_19, %select_n3A : vector<16xi32>
    %broadcast_in_dim3A_21 = arith.constant true
    %broadcast_in_dim3A_22 = vector.broadcast %broadcast_in_dim3A_21 : i1 to vector<16xi1>
    %masked_cummax3A_23 = arith.constant -2147483648 : i32
    %masked_cummax3A_24 = vector.broadcast %masked_cummax3A_23 : i32 to vector<16xi32>
    %masked_cummax3A_25 = arith.xori %neg3A_20, %masked_cummax3A_24 : vector<16xi32>
    %masked_cummax3A_26 = tpu.scan <max>, %masked_cummax3A_25 masked %broadcast_in_dim3A_22 : vector<16xi32>, vector<16xi1> -> vector<16xi32>
    %masked_cummax3A_27 = arith.xori %masked_cummax3A_26, %masked_cummax3A_24 : vector<16xi32>
    %swap3A_28 = arith.constant 0 : index
    %swap3A_29 = tpu.vector_load %arg19[%swap3A_28] {strides = array<i32>} : memref<16xi32, #tpu.memory_space<vmem>>, vector<16xi32>,
    tpu.vector_store %arg19[%swap3A_28], %masked_cummax3A_27 {strides = array<i32>} : memref<16xi32, #tpu.memory_space<vmem>>, vector<16xi32>,
    %gather3A_30 = tpu.vector_load_idx %arg19[%broadcast_in_dim3A_9] : memref<16xi32, #tpu.memory_space<vmem>>[vector<16xi32>], vector<16xi32>,
    %neg3A_31 = arith.constant 0 : i32
    %neg3A_32 = vector.broadcast %neg3A_31 : i32 to vector<16xi32>
    %neg3A_33 = arith.subi %neg3A_32, %gather3A_30 : vector<16xi32>
    %eq3A_34 = arith.cmpf oeq, %parallel_loop3A_15#0, %gather3A : vector<16xf32>
    %eq3A_35 = arith.cmpi eq, %parallel_loop3A_15#1, %neg3A_33 : vector<16xi32>
    %and3A = arith.andi %eq3A_34, %eq3A_35 : vector<16xi1>
    %select_n3A_36 = arith.select %and3A, %parallel_loop3A_15#2, %parallel_loop3A_15#0 : vector<16xi1>, vector<16xf32>
    %select_n3A_37 = arith.select %and3A, %parallel_loop3A_15#3, %parallel_loop3A_15#1 : vector<16xi1>, vector<16xi32>
    %broadcast_in_dim3A_38 = arith.constant true
    %broadcast_in_dim3A_39 = vector.broadcast %broadcast_in_dim3A_38 : i1 to vector<16xi1>
    %masked_cummax3A_40 = tpu.scan <max>, %select_n3A_36 masked %broadcast_in_dim3A_39 : vector<16xf32>, vector<16xi1> -> vector<16xf32>
    %swap3A_41 = arith.constant 0 : index
    %swap3A_42 = tpu.vector_load %arg18[%swap3A_41] {strides = array<i32>} : memref<16xf32, #tpu.memory_space<vmem>>, vector<16xf32>,
    tpu.vector_store %arg18[%swap3A_41], %masked_cummax3A_40 {strides = array<i32>} : memref<16xf32, #tpu.memory_space<vmem>>, vector<16xf32>,
    %gather3A_43 = tpu.vector_load_idx %arg18[%broadcast_in_dim3A_9] : memref<16xf32, #tpu.memory_space<vmem>>[vector<16xi32>], vector<16xf32>,
    %eq3A_44 = arith.cmpf oeq, %select_n3A_36, %gather3A_43 : vector<16xf32>
    %select_n3A_45 = arith.select %eq3A_44, %select_n3A_37, %broadcast_in_dim3A_7 : vector<16xi1>, vector<16xi32>
    %neg3A_46 = arith.constant 0 : i32
    %neg3A_47 = vector.broadcast %neg3A_46 : i32 to vector<16xi32>
    %neg3A_48 = arith.subi %neg3A_47, %select_n3A_45 : vector<16xi32>
    %broadcast_in_dim3A_49 = arith.constant true
    %broadcast_in_dim3A_50 = vector.broadcast %broadcast_in_dim3A_49 : i1 to vector<16xi1>
    %masked_cummax3A_51 = arith.constant -2147483648 : i32
    %masked_cummax3A_52 = vector.broadcast %masked_cummax3A_51 : i32 to vector<16xi32>
    %masked_cummax3A_53 = arith.xori %neg3A_48, %masked_cummax3A_52 : vector<16xi32>
    %masked_cummax3A_54 = tpu.scan <max>, %masked_cummax3A_53 masked %broadcast_in_dim3A_50 : vector<16xi32>, vector<16xi1> -> vector<16xi32>
    %masked_cummax3A_55 = arith.xori %masked_cummax3A_54, %masked_cummax3A_52 : vector<16xi32>
    %swap3A_56 = arith.constant 0 : index
    %swap3A_57 = tpu.vector_load %arg19[%swap3A_56] {strides = array<i32>} : memref<16xi32, #tpu.memory_space<vmem>>, vector<16xi32>,
    tpu.vector_store %arg19[%swap3A_56], %masked_cummax3A_55 {strides = array<i32>} : memref<16xi32, #tpu.memory_space<vmem>>, vector<16xi32>,
    %gather3A_58 = tpu.vector_load_idx %arg19[%broadcast_in_dim3A_9] : memref<16xi32, #tpu.memory_space<vmem>>[vector<16xi32>], vector<16xi32>,
    %neg3A_59 = arith.constant 0 : i32
    %neg3A_60 = vector.broadcast %neg3A_59 : i32 to vector<16xi32>
    %neg3A_61 = arith.subi %neg3A_60, %gather3A_58 : vector<16xi32>
    %eq3A_62 = arith.constant 0 : i32
    %eq3A_63 = vector.broadcast %eq3A_62 : i32 to vector<16xi32>
    %eq3A_64 = arith.cmpi eq, %iota3A, %eq3A_63 : vector<16xi32>
    %select_n3A_65 = arith.select %eq3A_64, %gather3A, %broadcast_in_dim3A_3 : vector<16xi1>, vector<16xf32>
    %eq3A_66 = arith.constant 1 : i32
    %eq3A_67 = vector.broadcast %eq3A_66 : i32 to vector<16xi32>
    %eq3A_68 = arith.cmpi eq, %iota3A, %eq3A_67 : vector<16xi32>
    %bitcast3A = vector.bitcast %neg3A_33 : vector<16xi32> to vector<16xf32>
    %select_n3A_69 = arith.select %eq3A_68, %bitcast3A, %select_n3A_65 : vector<16xi1>, vector<16xf32>
    %eq3A_70 = arith.constant 2 : i32
    %eq3A_71 = vector.broadcast %eq3A_70 : i32 to vector<16xi32>
    %eq3A_72 = arith.cmpi eq, %iota3A, %eq3A_71 : vector<16xi32>
    %select_n3A_73 = arith.select %eq3A_72, %gather3A_43, %select_n3A_69 : vector<16xi1>, vector<16xf32>
    %eq3A_74 = arith.constant 3 : i32
    %eq3A_75 = vector.broadcast %eq3A_74 : i32 to vector<16xi32>
    %eq3A_76 = arith.cmpi eq, %iota3A, %eq3A_75 : vector<16xi32>
    %bitcast3A_77 = vector.bitcast %neg3A_61 : vector<16xi32> to vector<16xf32>
    %select_n3A_78 = arith.select %eq3A_76, %bitcast3A_77, %select_n3A_73 : vector<16xi1>, vector<16xf32>
    %swap3A_79 = arith.constant 0 : index
    %swap3A_80 = tpu.vector_load %arg17[%swap3A_79] {strides = array<i32>} : memref<16xf32, #tpu.memory_space<vmem>>, vector<16xf32>,
    tpu.vector_store %arg17[%swap3A_79], %select_n3A_78 {strides = array<i32>} : memref<16xf32, #tpu.memory_space<vmem>>, vector<16xf32>,
    %mul3A_81 = arith.constant 16 : i32
    %mul3A_82 = arith.muli %arg1, %mul3A_81 : i32
    "tpu.region"() ({
      %run_scoped3A = tpu.sem_alloc : memref<!tpu.dma_semaphore, #tpu.memory_space<semaphore_mem>>
      %dma_start3A = tpu.memref_slice %arg8[%mul3A_82] : memref<256xf32, #tpu.memory_space<vmem_shared>> -> memref<16xf32, #tpu.memory_space<vmem_shared>>
      %dma_start3A_95 = tpu.memref_slice %arg8[%mul3A_82] : memref<256xf32, #tpu.memory_space<vmem_shared>> -> memref<16xf32, #tpu.memory_space<vmem_shared>>
      tpu.enqueue_dma source(%arg17 : memref<16xf32, #tpu.memory_space<vmem>>) target(%dma_start3A_95 : memref<16xf32, #tpu.memory_space<vmem_shared>>) target_semaphore(%run_scoped3A : memref<!tpu.dma_semaphore, #tpu.memory_space<semaphore_mem>>)
      %dma_wait3A = tpu.memref_slice %arg8[%mul3A_82] : memref<256xf32, #tpu.memory_space<vmem_shared>> -> memref<16xf32, #tpu.memory_space<vmem_shared>>
      %dma_wait3A_96 = tpu.memref_slice %arg8[%mul3A_82] : memref<256xf32, #tpu.memory_space<vmem_shared>> -> memref<16xf32, #tpu.memory_space<vmem_shared>>
      tpu.wait_dma2 semaphore(%run_scoped3A : memref<!tpu.dma_semaphore, #tpu.memory_space<semaphore_mem>>) src(%arg17 : memref<16xf32, #tpu.memory_space<vmem>>) dst(%dma_wait3A_96 : memref<16xf32, #tpu.memory_space<vmem_shared>>)
      tpu.yield
    }) : () -> ()
    %parallel_loop3A_83 = arith.constant 0 : i32
    %parallel_loop3A_84 = arith.constant 304 : i32
    %parallel_loop3A_85 = arith.constant 1 : i32
    scf.for %parallel_loop3A_95 = %parallel_loop3A_83 to %parallel_loop3A_84 step %parallel_loop3A_85  : i32 {
      %parallel_loop3A_96 = arith.constant 16 : i32
      %parallel_loop3A_97 = arith.muli %parallel_loop3A_95, %parallel_loop3A_96 : i32
      %parallel_loop3A_98 = arith.index_cast %parallel_loop3A_97 : i32 to index
      %parallel_loop3A_99 = tpu.vector_load %arg20[%parallel_loop3A_98] {strides = array<i32>} : memref<4864xf32, #tpu.memory_space<vmem>>, vector<16xf32>,
      tpu.vector_store %arg20[%parallel_loop3A_98], %broadcast_in_dim3A_3 {strides = array<i32>} : memref<4864xf32, #tpu.memory_space<vmem>>, vector<16xf32>,
    } {sc.loop_unroll_factor = 4 : i64, sc.parallel_access}
    %barrier3A = arith.constant 0 : index
    tpu.barrier barrier_id(%barrier3A)
    %while3A = arith.constant 0 : i32
    %while3A_86 = arith.constant 0 : i32
    %while3A_87 = arith.constant true
    %while3A_88:3 = scf.while (%while3A_95 = %while3A, %while3A_96 = %while3A_86, %while3A_97 = %while3A_87) : (i32, i32, i1) -> (i32, i32, i1) {
      %lt3A = arith.constant 150 : i32
      %lt3A_98 = arith.cmpi slt, %while3A_95, %lt3A : i32
      %and3A_99 = arith.andi %lt3A_98, %while3A_97 : i1
      %lt3A_100 = arith.constant 300 : i32
      %lt3A_101 = arith.cmpi slt, %while3A_96, %lt3A_100 : i32
      %and3A_102 = arith.andi %and3A_99, %lt3A_101 : i1
      scf.condition(%and3A_102) %while3A_95, %while3A_96, %while3A_97 : i32, i32, i1
    } do {
    ^bb0(%while3A_95: i32, %while3A_96: i32, %while3A_97: i1):
      "tpu.region"() ({
        %run_scoped3A = tpu.sem_alloc : memref<!tpu.dma_semaphore, #tpu.memory_space<semaphore_mem>>
        tpu.enqueue_dma source(%arg8 : memref<256xf32, #tpu.memory_space<vmem_shared>>) target(%arg16 : memref<256xf32, #tpu.memory_space<vmem>>) target_semaphore(%run_scoped3A : memref<!tpu.dma_semaphore, #tpu.memory_space<semaphore_mem>>)
        tpu.wait_dma2 semaphore(%run_scoped3A : memref<!tpu.dma_semaphore, #tpu.memory_space<semaphore_mem>>) src(%arg8 : memref<256xf32, #tpu.memory_space<vmem_shared>>) dst(%arg16 : memref<256xf32, #tpu.memory_space<vmem>>)
        tpu.yield
      }) : () -> ()
      %mul3A_98 = arith.constant 16 : i32
      %mul3A_99 = vector.broadcast %mul3A_98 : i32 to vector<16xi32>
      %mul3A_100 = arith.muli %iota3A, %mul3A_99 : vector<16xi32>
      %gather3A_101 = tpu.vector_load_idx %arg16[%mul3A_100] : memref<256xf32, #tpu.memory_space<vmem>>[vector<16xi32>], vector<16xf32>,
      %add3A = arith.constant 1 : i32
      %add3A_102 = vector.broadcast %add3A : i32 to vector<16xi32>
      %add3A_103 = arith.addi %mul3A_100, %add3A_102 : vector<16xi32>
      %gather3A_104 = tpu.vector_load_idx %arg16[%add3A_103] : memref<256xf32, #tpu.memory_space<vmem>>[vector<16xi32>], vector<16xf32>,
      %bitcast3A_105 = vector.bitcast %gather3A_104 : vector<16xf32> to vector<16xi32>
      %add3A_106 = arith.constant 2 : i32
      %add3A_107 = vector.broadcast %add3A_106 : i32 to vector<16xi32>
      %add3A_108 = arith.addi %mul3A_100, %add3A_107 : vector<16xi32>
      %gather3A_109 = tpu.vector_load_idx %arg16[%add3A_108] : memref<256xf32, #tpu.memory_space<vmem>>[vector<16xi32>], vector<16xf32>,
      %add3A_110 = arith.constant 3 : i32
      %add3A_111 = vector.broadcast %add3A_110 : i32 to vector<16xi32>
      %add3A_112 = arith.addi %mul3A_100, %add3A_111 : vector<16xi32>
      %gather3A_113 = tpu.vector_load_idx %arg16[%add3A_112] : memref<256xf32, #tpu.memory_space<vmem>>[vector<16xi32>], vector<16xf32>,
      %bitcast3A_114 = vector.bitcast %gather3A_113 : vector<16xf32> to vector<16xi32>
      %max3A = arith.maximumf %gather3A_101, %gather3A_109 : vector<16xf32>
      %broadcast_in_dim3A_115 = arith.constant true
      %broadcast_in_dim3A_116 = vector.broadcast %broadcast_in_dim3A_115 : i1 to vector<16xi1>
      %masked_cummax3A_117 = tpu.scan <max>, %max3A masked %broadcast_in_dim3A_116 : vector<16xf32>, vector<16xi1> -> vector<16xf32>
      %swap3A_118 = arith.constant 0 : index
      %swap3A_119 = tpu.vector_load %arg18[%swap3A_118] {strides = array<i32>} : memref<16xf32, #tpu.memory_space<vmem>>, vector<16xf32>,
      tpu.vector_store %arg18[%swap3A_118], %masked_cummax3A_117 {strides = array<i32>} : memref<16xf32, #tpu.memory_space<vmem>>, vector<16xf32>,
      %gather3A_120 = tpu.vector_load_idx %arg18[%broadcast_in_dim3A_9] : memref<16xf32, #tpu.memory_space<vmem>>[vector<16xi32>], vector<16xf32>,
      %eq3A_121 = arith.cmpf oeq, %gather3A_101, %gather3A_120 : vector<16xf32>
      %select_n3A_122 = arith.select %eq3A_121, %bitcast3A_105, %broadcast_in_dim3A_7 : vector<16xi1>, vector<16xi32>
      %eq3A_123 = arith.cmpf oeq, %gather3A_109, %gather3A_120 : vector<16xf32>
      %select_n3A_124 = arith.select %eq3A_123, %bitcast3A_114, %broadcast_in_dim3A_7 : vector<16xi1>, vector<16xi32>
      %min3A = arith.minsi %select_n3A_122, %select_n3A_124 : vector<16xi32>
      %neg3A_125 = arith.constant 0 : i32
      %neg3A_126 = vector.broadcast %neg3A_125 : i32 to vector<16xi32>
      %neg3A_127 = arith.subi %neg3A_126, %min3A : vector<16xi32>
      %broadcast_in_dim3A_128 = arith.constant true
      %broadcast_in_dim3A_129 = vector.broadcast %broadcast_in_dim3A_128 : i1 to vector<16xi1>
      %masked_cummax3A_130 = arith.constant -2147483648 : i32
      %masked_cummax3A_131 = vector.broadcast %masked_cummax3A_130 : i32 to vector<16xi32>
      %masked_cummax3A_132 = arith.xori %neg3A_127, %masked_cummax3A_131 : vector<16xi32>
      %masked_cummax3A_133 = tpu.scan <max>, %masked_cummax3A_132 masked %broadcast_in_dim3A_129 : vector<16xi32>, vector<16xi1> -> vector<16xi32>
      %masked_cummax3A_134 = arith.xori %masked_cummax3A_133, %masked_cummax3A_131 : vector<16xi32>
      %swap3A_135 = arith.constant 0 : index
      %swap3A_136 = tpu.vector_load %arg19[%swap3A_135] {strides = array<i32>} : memref<16xi32, #tpu.memory_space<vmem>>, vector<16xi32>,
      tpu.vector_store %arg19[%swap3A_135], %masked_cummax3A_134 {strides = array<i32>} : memref<16xi32, #tpu.memory_space<vmem>>, vector<16xi32>,
      %gather3A_137 = tpu.vector_load_idx %arg19[%broadcast_in_dim3A_9] : memref<16xi32, #tpu.memory_space<vmem>>[vector<16xi32>], vector<16xi32>,
      %neg3A_138 = arith.constant 0 : i32
      %neg3A_139 = vector.broadcast %neg3A_138 : i32 to vector<16xi32>
      %neg3A_140 = arith.subi %neg3A_139, %gather3A_137 : vector<16xi32>
      %slice3A = vector.extract_strided_slice %gather3A_120 {offsets = [0], sizes = [1], strides = [1]} : vector<16xf32> to vector<1xf32>
      %squeeze3A = vector.extract %slice3A[0] : f32 from vector<1xf32>
      %gt3A = arith.constant -5.000000e+29 : f32
      %gt3A_141 = arith.cmpf ogt, %squeeze3A, %gt3A : f32
      %jit3A = arith.constant 0 : i32
      %jit3A_142 = arith.constant 20479 : i32
      %max3A_143 = vector.broadcast %jit3A : i32 to vector<16xi32>
      %max3A_144 = arith.maxsi %max3A_143, %neg3A_140 : vector<16xi32>
      %min3A_145 = vector.broadcast %jit3A_142 : i32 to vector<16xi32>
      %min3A_146 = arith.minsi %min3A_145, %max3A_144 : vector<16xi32>
      %gather3A_147 = tpu.vector_load_idx %arg10[%min3A_146] : memref<20480xf32, #tpu.memory_space<vmem>>[vector<16xi32>], vector<16xf32>,
      %gather3A_148 = tpu.vector_load_idx %arg11[%min3A_146] : memref<20480xf32, #tpu.memory_space<vmem>>[vector<16xi32>], vector<16xf32>,
      %gather3A_149 = tpu.vector_load_idx %arg12[%min3A_146] : memref<20480xf32, #tpu.memory_space<vmem>>[vector<16xi32>], vector<16xf32>,
      %gather3A_150 = tpu.vector_load_idx %arg13[%min3A_146] : memref<20480xf32, #tpu.memory_space<vmem>>[vector<16xi32>], vector<16xf32>,
      %gather3A_151 = tpu.vector_load_idx %arg14[%min3A_146] : memref<20480xf32, #tpu.memory_space<vmem>>[vector<16xi32>], vector<16xf32>,
      %jit3A_152 = arith.constant 0 : i32
      %jit3A_153 = arith.constant 20479 : i32
      %max3A_154 = vector.broadcast %jit3A_152 : i32 to vector<16xi32>
      %max3A_155 = arith.maxsi %max3A_154, %bitcast3A_105 : vector<16xi32>
      %min3A_156 = vector.broadcast %jit3A_153 : i32 to vector<16xi32>
      %min3A_157 = arith.minsi %min3A_156, %max3A_155 : vector<16xi32>
      %gather3A_158 = tpu.vector_load_idx %arg10[%min3A_157] : memref<20480xf32, #tpu.memory_space<vmem>>[vector<16xi32>], vector<16xf32>,
      %gather3A_159 = tpu.vector_load_idx %arg11[%min3A_157] : memref<20480xf32, #tpu.memory_space<vmem>>[vector<16xi32>], vector<16xf32>,
      %gather3A_160 = tpu.vector_load_idx %arg12[%min3A_157] : memref<20480xf32, #tpu.memory_space<vmem>>[vector<16xi32>], vector<16xf32>,
      %gather3A_161 = tpu.vector_load_idx %arg13[%min3A_157] : memref<20480xf32, #tpu.memory_space<vmem>>[vector<16xi32>], vector<16xf32>,
      %gather3A_162 = tpu.vector_load_idx %arg14[%min3A_157] : memref<20480xf32, #tpu.memory_space<vmem>>[vector<16xi32>], vector<16xf32>,
      %jit3A_163 = arith.constant 0 : i32
      %jit3A_164 = arith.constant 20479 : i32
      %max3A_165 = vector.broadcast %jit3A_163 : i32 to vector<16xi32>
      %max3A_166 = arith.maxsi %max3A_165, %bitcast3A_114 : vector<16xi32>
      %min3A_167 = vector.broadcast %jit3A_164 : i32 to vector<16xi32>
      %min3A_168 = arith.minsi %min3A_167, %max3A_166 : vector<16xi32>
      %gather3A_169 = tpu.vector_load_idx %arg10[%min3A_168] : memref<20480xf32, #tpu.memory_space<vmem>>[vector<16xi32>], vector<16xf32>,
      %gather3A_170 = tpu.vector_load_idx %arg11[%min3A_168] : memref<20480xf32, #tpu.memory_space<vmem>>[vector<16xi32>], vector<16xf32>,
      %gather3A_171 = tpu.vector_load_idx %arg12[%min3A_168] : memref<20480xf32, #tpu.memory_space<vmem>>[vector<16xi32>], vector<16xf32>,
      %gather3A_172 = tpu.vector_load_idx %arg13[%min3A_168] : memref<20480xf32, #tpu.memory_space<vmem>>[vector<16xi32>], vector<16xf32>,
      %gather3A_173 = tpu.vector_load_idx %arg14[%min3A_168] : memref<20480xf32, #tpu.memory_space<vmem>>[vector<16xi32>], vector<16xf32>,
      %gt3A_174 = arith.constant -5.000000e+29 : f32
      %gt3A_175 = vector.broadcast %gt3A_174 : f32 to vector<16xf32>
      %gt3A_176 = arith.cmpf ogt, %gather3A_101, %gt3A_175 : vector<16xf32>
      %ne3A = arith.cmpi ne, %bitcast3A_105, %neg3A_140 : vector<16xi32>
      %and3A_177 = arith.andi %gt3A_176, %ne3A : vector<16xi1>
      %min3A_178 = arith.minimumf %gather3A_160, %gather3A_149 : vector<16xf32>
      %max3A_179 = arith.maximumf %gather3A_158, %gather3A_147 : vector<16xf32>
      %sub3A = arith.subf %min3A_178, %max3A_179 : vector<16xf32>
      %max3A_180 = arith.constant 0.000000e+00 : f32
      %max3A_181 = vector.broadcast %max3A_180 : f32 to vector<16xf32>
      %max3A_182 = arith.maximumf %sub3A, %max3A_181 : vector<16xf32>
      %min3A_183 = arith.minimumf %gather3A_161, %gather3A_150 : vector<16xf32>
      %max3A_184 = arith.maximumf %gather3A_159, %gather3A_148 : vector<16xf32>
      %sub3A_185 = arith.subf %min3A_183, %max3A_184 : vector<16xf32>
      %max3A_186 = arith.constant 0.000000e+00 : f32
      %max3A_187 = vector.broadcast %max3A_186 : f32 to vector<16xf32>
      %max3A_188 = arith.maximumf %sub3A_185, %max3A_187 : vector<16xf32>
      %mul3A_189 = arith.mulf %max3A_182, %max3A_188 : vector<16xf32>
      %add3A_190 = arith.addf %gather3A_162, %gather3A_151 : vector<16xf32>
      %sub3A_191 = arith.subf %add3A_190, %mul3A_189 : vector<16xf32>
      %add3A_192 = arith.constant 9.99999993E-9 : f32
      %add3A_193 = vector.broadcast %add3A_192 : f32 to vector<16xf32>
      %add3A_194 = arith.addf %sub3A_191, %add3A_193 : vector<16xf32>
      %div3A = arith.divf %mul3A_189, %add3A_194 : vector<16xf32>
      %gt3A_195 = arith.constant 5.000000e-01 : f32
      %gt3A_196 = vector.broadcast %gt3A_195 : f32 to vector<16xf32>
      %gt3A_197 = arith.cmpf ogt, %div3A, %gt3A_196 : vector<16xf32>
      %not3A = arith.constant dense<true> : vector<16xi1>
      %not3A_198 = arith.xori %gt3A_197, %not3A : vector<16xi1>
      %and3A_199 = arith.andi %and3A_177, %not3A_198 : vector<16xi1>
      %gt3A_200 = arith.constant -5.000000e+29 : f32
      %gt3A_201 = vector.broadcast %gt3A_200 : f32 to vector<16xf32>
      %gt3A_202 = arith.cmpf ogt, %gather3A_109, %gt3A_201 : vector<16xf32>
      %ne3A_203 = arith.cmpi ne, %bitcast3A_114, %neg3A_140 : vector<16xi32>
      %and3A_204 = arith.andi %gt3A_202, %ne3A_203 : vector<16xi1>
      %min3A_205 = arith.minimumf %gather3A_171, %gather3A_149 : vector<16xf32>
      %max3A_206 = arith.maximumf %gather3A_169, %gather3A_147 : vector<16xf32>
      %sub3A_207 = arith.subf %min3A_205, %max3A_206 : vector<16xf32>
      %max3A_208 = arith.constant 0.000000e+00 : f32
      %max3A_209 = vector.broadcast %max3A_208 : f32 to vector<16xf32>
      %max3A_210 = arith.maximumf %sub3A_207, %max3A_209 : vector<16xf32>
      %min3A_211 = arith.minimumf %gather3A_172, %gather3A_150 : vector<16xf32>
      %max3A_212 = arith.maximumf %gather3A_170, %gather3A_148 : vector<16xf32>
      %sub3A_213 = arith.subf %min3A_211, %max3A_212 : vector<16xf32>
      %max3A_214 = arith.constant 0.000000e+00 : f32
      %max3A_215 = vector.broadcast %max3A_214 : f32 to vector<16xf32>
      %max3A_216 = arith.maximumf %sub3A_213, %max3A_215 : vector<16xf32>
      %mul3A_217 = arith.mulf %max3A_210, %max3A_216 : vector<16xf32>
      %add3A_218 = arith.addf %gather3A_173, %gather3A_151 : vector<16xf32>
      %sub3A_219 = arith.subf %add3A_218, %mul3A_217 : vector<16xf32>
      %add3A_220 = arith.constant 9.99999993E-9 : f32
      %add3A_221 = vector.broadcast %add3A_220 : f32 to vector<16xf32>
      %add3A_222 = arith.addf %sub3A_219, %add3A_221 : vector<16xf32>
      %div3A_223 = arith.divf %mul3A_217, %add3A_222 : vector<16xf32>
      %gt3A_224 = arith.constant 5.000000e-01 : f32
      %gt3A_225 = vector.broadcast %gt3A_224 : f32 to vector<16xf32>
      %gt3A_226 = arith.cmpf ogt, %div3A_223, %gt3A_225 : vector<16xf32>
      %not3A_227 = arith.constant dense<true> : vector<16xi1>
      %not3A_228 = arith.xori %gt3A_226, %not3A_227 : vector<16xi1>
      %and3A_229 = arith.andi %and3A_204, %not3A_228 : vector<16xi1>
      %gt3A_230 = arith.constant -5.000000e+29 : f32
      %gt3A_231 = vector.broadcast %gt3A_230 : f32 to vector<16xf32>
      %gt3A_232 = arith.cmpf ogt, %gather3A_101, %gt3A_231 : vector<16xf32>
      %not3A_233 = arith.constant dense<true> : vector<16xi1>
      %not3A_234 = arith.xori %gt3A_232, %not3A_233 : vector<16xi1>
      %or3A = arith.ori %not3A_234, %and3A_199 : vector<16xi1>
      %or3A_235 = arith.ori %or3A, %and3A_229 : vector<16xi1>
      %broadcast_in_dim3A_236 = arith.constant 1 : i32
      %broadcast_in_dim3A_237 = vector.broadcast %broadcast_in_dim3A_236 : i32 to vector<16xi32>
      %select_n3A_238 = arith.select %or3A_235, %broadcast_in_dim3A_237, %broadcast_in_dim3A_1 : vector<16xi1>, vector<16xi32>
      %neg3A_239 = arith.constant 0 : i32
      %neg3A_240 = vector.broadcast %neg3A_239 : i32 to vector<16xi32>
      %neg3A_241 = arith.subi %neg3A_240, %select_n3A_238 : vector<16xi32>
      %broadcast_in_dim3A_242 = arith.constant true
      %broadcast_in_dim3A_243 = vector.broadcast %broadcast_in_dim3A_242 : i1 to vector<16xi1>
      %masked_cummax3A_244 = arith.constant -2147483648 : i32
      %masked_cummax3A_245 = vector.broadcast %masked_cummax3A_244 : i32 to vector<16xi32>
      %masked_cummax3A_246 = arith.xori %neg3A_241, %masked_cummax3A_245 : vector<16xi32>
      %masked_cummax3A_247 = tpu.scan <max>, %masked_cummax3A_246 masked %broadcast_in_dim3A_243 : vector<16xi32>, vector<16xi1> -> vector<16xi32>
      %masked_cummax3A_248 = arith.xori %masked_cummax3A_247, %masked_cummax3A_245 : vector<16xi32>
      %swap3A_249 = arith.constant 0 : index
      %swap3A_250 = tpu.vector_load %arg19[%swap3A_249] {strides = array<i32>} : memref<16xi32, #tpu.memory_space<vmem>>, vector<16xi32>,
      tpu.vector_store %arg19[%swap3A_249], %masked_cummax3A_248 {strides = array<i32>} : memref<16xi32, #tpu.memory_space<vmem>>, vector<16xi32>,
      %gather3A_251 = tpu.vector_load_idx %arg19[%broadcast_in_dim3A_9] : memref<16xi32, #tpu.memory_space<vmem>>[vector<16xi32>], vector<16xi32>,
      %neg3A_252 = arith.constant 0 : i32
      %neg3A_253 = vector.broadcast %neg3A_252 : i32 to vector<16xi32>
      %neg3A_254 = arith.subi %neg3A_253, %gather3A_251 : vector<16xi32>
      %select_n3A_255 = arith.select %and3A_199, %gather3A_101, %broadcast_in_dim3A_5 : vector<16xi1>, vector<16xf32>
      %select_n3A_256 = arith.select %and3A_229, %gather3A_109, %broadcast_in_dim3A_5 : vector<16xi1>, vector<16xf32>
      %max3A_257 = arith.maximumf %select_n3A_255, %select_n3A_256 : vector<16xf32>
      %broadcast_in_dim3A_258 = arith.constant true
      %broadcast_in_dim3A_259 = vector.broadcast %broadcast_in_dim3A_258 : i1 to vector<16xi1>
      %masked_cummax3A_260 = tpu.scan <max>, %max3A_257 masked %broadcast_in_dim3A_259 : vector<16xf32>, vector<16xi1> -> vector<16xf32>
      %swap3A_261 = arith.constant 0 : index
      %swap3A_262 = tpu.vector_load %arg18[%swap3A_261] {strides = array<i32>} : memref<16xf32, #tpu.memory_space<vmem>>, vector<16xf32>,
      tpu.vector_store %arg18[%swap3A_261], %masked_cummax3A_260 {strides = array<i32>} : memref<16xf32, #tpu.memory_space<vmem>>, vector<16xf32>,
      %gather3A_263 = tpu.vector_load_idx %arg18[%broadcast_in_dim3A_9] : memref<16xf32, #tpu.memory_space<vmem>>[vector<16xi32>], vector<16xf32>,
      %eq3A_264 = arith.cmpf oeq, %select_n3A_255, %gather3A_263 : vector<16xf32>
      %and3A_265 = arith.andi %and3A_199, %eq3A_264 : vector<16xi1>
      %select_n3A_266 = arith.select %and3A_265, %bitcast3A_105, %broadcast_in_dim3A_7 : vector<16xi1>, vector<16xi32>
      %eq3A_267 = arith.cmpf oeq, %select_n3A_256, %gather3A_263 : vector<16xf32>
      %and3A_268 = arith.andi %and3A_229, %eq3A_267 : vector<16xi1>
      %select_n3A_269 = arith.select %and3A_268, %bitcast3A_114, %broadcast_in_dim3A_7 : vector<16xi1>, vector<16xi32>
      %min3A_270 = arith.minsi %select_n3A_266, %select_n3A_269 : vector<16xi32>
      %neg3A_271 = arith.constant 0 : i32
      %neg3A_272 = vector.broadcast %neg3A_271 : i32 to vector<16xi32>
      %neg3A_273 = arith.subi %neg3A_272, %min3A_270 : vector<16xi32>
      %broadcast_in_dim3A_274 = arith.constant true
      %broadcast_in_dim3A_275 = vector.broadcast %broadcast_in_dim3A_274 : i1 to vector<16xi1>
      %masked_cummax3A_276 = arith.constant -2147483648 : i32
      %masked_cummax3A_277 = vector.broadcast %masked_cummax3A_276 : i32 to vector<16xi32>
      %masked_cummax3A_278 = arith.xori %neg3A_273, %masked_cummax3A_277 : vector<16xi32>
      %masked_cummax3A_279 = tpu.scan <max>, %masked_cummax3A_278 masked %broadcast_in_dim3A_275 : vector<16xi32>, vector<16xi1> -> vector<16xi32>
      %masked_cummax3A_280 = arith.xori %masked_cummax3A_279, %masked_cummax3A_277 : vector<16xi32>
      %swap3A_281 = arith.constant 0 : index
      %swap3A_282 = tpu.vector_load %arg19[%swap3A_281] {strides = array<i32>} : memref<16xi32, #tpu.memory_space<vmem>>, vector<16xi32>,
      tpu.vector_store %arg19[%swap3A_281], %masked_cummax3A_280 {strides = array<i32>} : memref<16xi32, #tpu.memory_space<vmem>>, vector<16xi32>,
      %gather3A_283 = tpu.vector_load_idx %arg19[%broadcast_in_dim3A_9] : memref<16xi32, #tpu.memory_space<vmem>>[vector<16xi32>], vector<16xi32>,
      %neg3A_284 = arith.constant 0 : i32
      %neg3A_285 = vector.broadcast %neg3A_284 : i32 to vector<16xi32>
      %neg3A_286 = arith.subi %neg3A_285, %gather3A_283 : vector<16xi32>
      %slice3A_287 = vector.extract_strided_slice %neg3A_254 {offsets = [0], sizes = [1], strides = [1]} : vector<16xi32> to vector<1xi32>
      %squeeze3A_288 = vector.extract %slice3A_287[0] : i32 from vector<1xi32>
      %gt3A_289 = arith.constant 0 : i32
      %gt3A_290 = arith.cmpi sgt, %squeeze3A_288, %gt3A_289 : i32
      %and3A_291 = arith.andi %gt3A_141, %gt3A_290 : i1
      %slice3A_292 = vector.extract_strided_slice %gather3A_263 {offsets = [0], sizes = [1], strides = [1]} : vector<16xf32> to vector<1xf32>
      %squeeze3A_293 = vector.extract %slice3A_292[0] : f32 from vector<1xf32>
      %gt3A_294 = arith.constant -5.000000e+29 : f32
      %gt3A_295 = arith.cmpf ogt, %squeeze3A_293, %gt3A_294 : f32
      %and3A_296 = arith.andi %and3A_291, %gt3A_295 : i1
      %jit3A_297 = arith.constant 1 : i32
      %jit3A_298 = arith.constant 0 : i32
      %select_n3A_299 = arith.select %and3A_296, %jit3A_297, %jit3A_298 : i32
      %add3A_300 = vector.broadcast %select_n3A_299 : i32 to vector<16xi32>
      %add3A_301 = arith.addi %broadcast_in_dim3A_1, %add3A_300 : vector<16xi32>
      %gt3A_302 = arith.constant 0 : i32
      %gt3A_303 = vector.broadcast %gt3A_302 : i32 to vector<16xi32>
      %gt3A_304 = arith.cmpi sgt, %add3A_301, %gt3A_303 : vector<16xi32>
      %jit3A_305 = arith.constant 0 : i32
      %jit3A_306 = arith.constant 20479 : i32
      %max3A_307 = vector.broadcast %jit3A_305 : i32 to vector<16xi32>
      %max3A_308 = arith.maxsi %max3A_307, %neg3A_286 : vector<16xi32>
      %min3A_309 = vector.broadcast %jit3A_306 : i32 to vector<16xi32>
      %min3A_310 = arith.minsi %min3A_309, %max3A_308 : vector<16xi32>
      %gather3A_311 = tpu.vector_load_idx %arg10[%min3A_310] : memref<20480xf32, #tpu.memory_space<vmem>>[vector<16xi32>], vector<16xf32>,
      %gather3A_312 = tpu.vector_load_idx %arg11[%min3A_310] : memref<20480xf32, #tpu.memory_space<vmem>>[vector<16xi32>], vector<16xf32>,
      %gather3A_313 = tpu.vector_load_idx %arg12[%min3A_310] : memref<20480xf32, #tpu.memory_space<vmem>>[vector<16xi32>], vector<16xf32>,
      %gather3A_314 = tpu.vector_load_idx %arg13[%min3A_310] : memref<20480xf32, #tpu.memory_space<vmem>>[vector<16xi32>], vector<16xf32>,
      %gather3A_315 = tpu.vector_load_idx %arg14[%min3A_310] : memref<20480xf32, #tpu.memory_space<vmem>>[vector<16xi32>], vector<16xf32>,
      %broadcast_in_dim3A_316 = arith.constant -5.000000e+00 : f32
      %broadcast_in_dim3A_317 = vector.broadcast %broadcast_in_dim3A_316 : f32 to vector<16xf32>
      %select_n3A_318 = arith.select %gt3A_304, %gather3A_311, %broadcast_in_dim3A_317 : vector<16xi1>, vector<16xf32>
      %select_n3A_319 = arith.select %gt3A_304, %gather3A_312, %broadcast_in_dim3A_317 : vector<16xi1>, vector<16xf32>
      %select_n3A_320 = arith.select %gt3A_304, %gather3A_313, %broadcast_in_dim3A_317 : vector<16xi1>, vector<16xf32>
      %select_n3A_321 = arith.select %gt3A_304, %gather3A_314, %broadcast_in_dim3A_317 : vector<16xi1>, vector<16xf32>
      %eq3A_322 = arith.constant 0 : i32
      %eq3A_323 = arith.cmpi eq, %arg0, %eq3A_322 : i32
      %eq3A_324 = arith.constant 0 : i32
      %eq3A_325 = arith.cmpi eq, %arg1, %eq3A_324 : i32
      %and3A_326 = arith.andi %eq3A_323, %eq3A_325 : i1
      %and3A_327 = arith.andi %and3A_326, %gt3A_141 : i1
      %lt3A = arith.constant 300 : i32
      %lt3A_328 = arith.cmpi slt, %while3A_96, %lt3A : i32
      %and3A_329 = arith.andi %and3A_327, %lt3A_328 : i1
      %convert_element_type3A_330 = arith.extui %and3A_329 : i1 to i32
      %cond3A_331 = arith.constant 0 : i32
      %cond3A_332 = arith.cmpi ne, %convert_element_type3A_330, %cond3A_331 : i32
      scf.if %cond3A_332 {
        %eq3A_645 = arith.constant 0 : i32
        %eq3A_646 = vector.broadcast %eq3A_645 : i32 to vector<16xi32>
        %eq3A_647 = arith.cmpi eq, %iota3A, %eq3A_646 : vector<16xi32>
        %select_n3A_648 = arith.select %eq3A_647, %gather3A_147, %broadcast_in_dim3A_3 : vector<16xi1>, vector<16xf32>
        %eq3A_649 = arith.constant 1 : i32
        %eq3A_650 = vector.broadcast %eq3A_649 : i32 to vector<16xi32>
        %eq3A_651 = arith.cmpi eq, %iota3A, %eq3A_650 : vector<16xi32>
        %select_n3A_652 = arith.select %eq3A_651, %gather3A_148, %select_n3A_648 : vector<16xi1>, vector<16xf32>
        %eq3A_653 = arith.constant 2 : i32
        %eq3A_654 = vector.broadcast %eq3A_653 : i32 to vector<16xi32>
        %eq3A_655 = arith.cmpi eq, %iota3A, %eq3A_654 : vector<16xi32>
        %select_n3A_656 = arith.select %eq3A_655, %gather3A_149, %select_n3A_652 : vector<16xi1>, vector<16xf32>
        %eq3A_657 = arith.constant 3 : i32
        %eq3A_658 = vector.broadcast %eq3A_657 : i32 to vector<16xi32>
        %eq3A_659 = arith.cmpi eq, %iota3A, %eq3A_658 : vector<16xi32>
        %select_n3A_660 = arith.select %eq3A_659, %gather3A_150, %select_n3A_656 : vector<16xi1>, vector<16xf32>
        %eq3A_661 = arith.constant 4 : i32
        %eq3A_662 = vector.broadcast %eq3A_661 : i32 to vector<16xi32>
        %eq3A_663 = arith.cmpi eq, %iota3A, %eq3A_662 : vector<16xi32>
        %select_n3A_664 = arith.select %eq3A_663, %gather3A_120, %select_n3A_660 : vector<16xi1>, vector<16xf32>
        %mul3A_665 = arith.constant 16 : i32
        %mul3A_666 = arith.muli %while3A_96, %mul3A_665 : i32
        %swap3A_667 = arith.index_cast %mul3A_666 : i32 to index
        %swap3A_668 = tpu.vector_load %arg20[%swap3A_667] {strides = array<i32>} : memref<4864xf32, #tpu.memory_space<vmem>>, vector<16xf32>,
        tpu.vector_store %arg20[%swap3A_667], %select_n3A_664 {strides = array<i32>} : memref<4864xf32, #tpu.memory_space<vmem>>, vector<16xf32>,
      } else {
      }
      %eq3A_333 = arith.constant 0 : i32
      %eq3A_334 = arith.cmpi eq, %arg0, %eq3A_333 : i32
      %eq3A_335 = arith.constant 0 : i32
      %eq3A_336 = arith.cmpi eq, %arg1, %eq3A_335 : i32
      %and3A_337 = arith.andi %eq3A_334, %eq3A_336 : i1
      %and3A_338 = arith.andi %and3A_337, %and3A_296 : i1
      %add3A_339 = arith.constant 1 : i32
      %add3A_340 = arith.addi %while3A_96, %add3A_339 : i32
      %lt3A_341 = arith.constant 300 : i32
      %lt3A_342 = arith.cmpi slt, %add3A_340, %lt3A_341 : i32
      %and3A_343 = arith.andi %and3A_338, %lt3A_342 : i1
      %convert_element_type3A_344 = arith.extui %and3A_343 : i1 to i32
      %cond3A_345 = arith.constant 0 : i32
      %cond3A_346 = arith.cmpi ne, %convert_element_type3A_344, %cond3A_345 : i32
      scf.if %cond3A_346 {
        %eq3A_645 = arith.constant 0 : i32
        %eq3A_646 = vector.broadcast %eq3A_645 : i32 to vector<16xi32>
        %eq3A_647 = arith.cmpi eq, %iota3A, %eq3A_646 : vector<16xi32>
        %select_n3A_648 = arith.select %eq3A_647, %select_n3A_318, %broadcast_in_dim3A_3 : vector<16xi1>, vector<16xf32>
        %eq3A_649 = arith.constant 1 : i32
        %eq3A_650 = vector.broadcast %eq3A_649 : i32 to vector<16xi32>
        %eq3A_651 = arith.cmpi eq, %iota3A, %eq3A_650 : vector<16xi32>
        %select_n3A_652 = arith.select %eq3A_651, %select_n3A_319, %select_n3A_648 : vector<16xi1>, vector<16xf32>
        %eq3A_653 = arith.constant 2 : i32
        %eq3A_654 = vector.broadcast %eq3A_653 : i32 to vector<16xi32>
        %eq3A_655 = arith.cmpi eq, %iota3A, %eq3A_654 : vector<16xi32>
        %select_n3A_656 = arith.select %eq3A_655, %select_n3A_320, %select_n3A_652 : vector<16xi1>, vector<16xf32>
        %eq3A_657 = arith.constant 3 : i32
        %eq3A_658 = vector.broadcast %eq3A_657 : i32 to vector<16xi32>
        %eq3A_659 = arith.cmpi eq, %iota3A, %eq3A_658 : vector<16xi32>
        %select_n3A_660 = arith.select %eq3A_659, %select_n3A_321, %select_n3A_656 : vector<16xi1>, vector<16xf32>
        %eq3A_661 = arith.constant 4 : i32
        %eq3A_662 = vector.broadcast %eq3A_661 : i32 to vector<16xi32>
        %eq3A_663 = arith.cmpi eq, %iota3A, %eq3A_662 : vector<16xi32>
        %select_n3A_664 = arith.select %eq3A_663, %gather3A_263, %select_n3A_660 : vector<16xi1>, vector<16xf32>
        %add3A_665 = arith.constant 1 : i32
        %add3A_666 = arith.addi %while3A_96, %add3A_665 : i32
        %mul3A_667 = arith.constant 16 : i32
        %mul3A_668 = arith.muli %add3A_666, %mul3A_667 : i32
        %swap3A_669 = arith.index_cast %mul3A_668 : i32 to index
        %swap3A_670 = tpu.vector_load %arg20[%swap3A_669] {strides = array<i32>} : memref<4864xf32, #tpu.memory_space<vmem>>, vector<16xf32>,
        tpu.vector_store %arg20[%swap3A_669], %select_n3A_664 {strides = array<i32>} : memref<4864xf32, #tpu.memory_space<vmem>>, vector<16xf32>,
      } else {
      }
      %convert_element_type3A_347 = arith.extui %gt3A_141 : i1 to i32
      %cond3A_348 = arith.constant 0 : i32
      %cond3A_349 = arith.cmpi ne, %convert_element_type3A_347, %cond3A_348 : i32
      scf.if %cond3A_349 {
        %broadcast_in_dim3A_645 = vector.broadcast %mul3A_0 : i32 to vector<16xi32>
        %sub3A_646 = arith.subi %neg3A_140, %broadcast_in_dim3A_645 : vector<16xi32>
        %ge3A = arith.constant 0 : i32
        %ge3A_647 = vector.broadcast %ge3A : i32 to vector<16xi32>
        %ge3A_648 = arith.cmpi sge, %sub3A_646, %ge3A_647 : vector<16xi32>
        %lt3A_649 = arith.constant 1280 : i32
        %lt3A_650 = vector.broadcast %lt3A_649 : i32 to vector<16xi32>
        %lt3A_651 = arith.cmpi slt, %sub3A_646, %lt3A_650 : vector<16xi32>
        %and3A_652 = arith.andi %ge3A_648, %lt3A_651 : vector<16xi1>
        %eq3A_653 = arith.constant 0 : i32
        %eq3A_654 = vector.broadcast %eq3A_653 : i32 to vector<16xi32>
        %eq3A_655 = arith.cmpi eq, %iota3A, %eq3A_654 : vector<16xi32>
        %and3A_656 = arith.andi %and3A_652, %eq3A_655 : vector<16xi1>
        %jit3A_657 = arith.constant 0 : i32
        %jit3A_658 = arith.constant 1279 : i32
        %max3A_659 = vector.broadcast %jit3A_657 : i32 to vector<16xi32>
        %max3A_660 = arith.maxsi %max3A_659, %sub3A_646 : vector<16xi32>
        %min3A_661 = vector.broadcast %jit3A_658 : i32 to vector<16xi32>
        %min3A_662 = arith.minsi %min3A_661, %max3A_660 : vector<16xi32>
        tpu.vector_store_idx %arg15[%min3A_662], %broadcast_in_dim3A_5 masked %and3A_656 : memref<1280xf32, #tpu.memory_space<vmem>>[vector<16xi32>], vector<16xf32>, vector<16xi1>
        %sub3A_663 = arith.subi %neg3A_286, %broadcast_in_dim3A_645 : vector<16xi32>
        %ge3A_664 = arith.constant 0 : i32
        %ge3A_665 = vector.broadcast %ge3A_664 : i32 to vector<16xi32>
        %ge3A_666 = arith.cmpi sge, %sub3A_663, %ge3A_665 : vector<16xi32>
        %lt3A_667 = arith.constant 1280 : i32
        %lt3A_668 = vector.broadcast %lt3A_667 : i32 to vector<16xi32>
        %lt3A_669 = arith.cmpi slt, %sub3A_663, %lt3A_668 : vector<16xi32>
        %and3A_670 = arith.andi %ge3A_666, %lt3A_669 : vector<16xi1>
        %eq3A_671 = arith.constant 0 : i32
        %eq3A_672 = vector.broadcast %eq3A_671 : i32 to vector<16xi32>
        %eq3A_673 = arith.cmpi eq, %iota3A, %eq3A_672 : vector<16xi32>
        %and3A_674 = arith.andi %and3A_670, %eq3A_673 : vector<16xi1>
        %and3A_675 = arith.andi %and3A_674, %gt3A_304 : vector<16xi1>
        %jit3A_676 = arith.constant 0 : i32
        %jit3A_677 = arith.constant 1279 : i32
        %max3A_678 = vector.broadcast %jit3A_676 : i32 to vector<16xi32>
        %max3A_679 = arith.maxsi %max3A_678, %sub3A_663 : vector<16xi32>
        %min3A_680 = vector.broadcast %jit3A_677 : i32 to vector<16xi32>
        %min3A_681 = arith.minsi %min3A_680, %max3A_679 : vector<16xi32>
        tpu.vector_store_idx %arg15[%min3A_681], %broadcast_in_dim3A_5 masked %and3A_675 : memref<1280xf32, #tpu.memory_space<vmem>>[vector<16xi32>], vector<16xf32>, vector<16xi1>
        %parallel_loop3A_682 = arith.constant 0 : i32
        %parallel_loop3A_683 = arith.constant 80 : i32
        %parallel_loop3A_684 = arith.constant 1 : i32
        %parallel_loop3A_685:4 = scf.for %parallel_loop3A_761 = %parallel_loop3A_682 to %parallel_loop3A_683 step %parallel_loop3A_684 iter_args(%parallel_loop3A_762 = %broadcast_in_dim3A_5, %parallel_loop3A_763 = %broadcast_in_dim3A_7, %parallel_loop3A_764 = %broadcast_in_dim3A_5, %parallel_loop3A_765 = %broadcast_in_dim3A_7) -> (vector<16xf32>, vector<16xi32>, vector<16xf32>, vector<16xi32>)  : i32 {
          %parallel_loop3A_766 = arith.constant 16 : i32
          %parallel_loop3A_767 = arith.muli %parallel_loop3A_761, %parallel_loop3A_766 : i32
          %parallel_loop3A_768 = arith.constant 16 : i32
          %parallel_loop3A_769 = arith.muli %parallel_loop3A_761, %parallel_loop3A_768 : i32
          %parallel_loop3A_770 = arith.addi %mul3A_0, %parallel_loop3A_769 : i32
          %parallel_loop3A_771 = arith.index_cast %parallel_loop3A_767 : i32 to index
          %parallel_loop3A_772 = tpu.vector_load %arg15[%parallel_loop3A_771] {strides = array<i32>} : memref<1280xf32, #tpu.memory_space<vmem>>, vector<16xf32>,
          %parallel_loop3A_773 = arith.index_cast %parallel_loop3A_770 : i32 to index
          %parallel_loop3A_774 = tpu.vector_load %arg10[%parallel_loop3A_773] {strides = array<i32>} : memref<20480xf32, #tpu.memory_space<vmem>>, vector<16xf32>,
          %parallel_loop3A_775 = arith.index_cast %parallel_loop3A_770 : i32 to index
          %parallel_loop3A_776 = tpu.vector_load %arg11[%parallel_loop3A_775] {strides = array<i32>} : memref<20480xf32, #tpu.memory_space<vmem>>, vector<16xf32>,
          %parallel_loop3A_777 = arith.index_cast %parallel_loop3A_770 : i32 to index
          %parallel_loop3A_778 = tpu.vector_load %arg12[%parallel_loop3A_777] {strides = array<i32>} : memref<20480xf32, #tpu.memory_space<vmem>>, vector<16xf32>,
          %parallel_loop3A_779 = arith.index_cast %parallel_loop3A_770 : i32 to index
          %parallel_loop3A_780 = tpu.vector_load %arg13[%parallel_loop3A_779] {strides = array<i32>} : memref<20480xf32, #tpu.memory_space<vmem>>, vector<16xf32>,
          %parallel_loop3A_781 = arith.index_cast %parallel_loop3A_770 : i32 to index
          %parallel_loop3A_782 = tpu.vector_load %arg14[%parallel_loop3A_781] {strides = array<i32>} : memref<20480xf32, #tpu.memory_space<vmem>>, vector<16xf32>,
          %parallel_loop3A_783 = arith.minimumf %parallel_loop3A_778, %gather3A_149 : vector<16xf32>
          %parallel_loop3A_784 = arith.maximumf %parallel_loop3A_774, %gather3A_147 : vector<16xf32>
          %parallel_loop3A_785 = arith.subf %parallel_loop3A_783, %parallel_loop3A_784 : vector<16xf32>
          %parallel_loop3A_786 = arith.constant 0.000000e+00 : f32
          %parallel_loop3A_787 = vector.broadcast %parallel_loop3A_786 : f32 to vector<16xf32>
          %parallel_loop3A_788 = arith.maximumf %parallel_loop3A_785, %parallel_loop3A_787 : vector<16xf32>
          %parallel_loop3A_789 = arith.minimumf %parallel_loop3A_780, %gather3A_150 : vector<16xf32>
          %parallel_loop3A_790 = arith.maximumf %parallel_loop3A_776, %gather3A_148 : vector<16xf32>
          %parallel_loop3A_791 = arith.subf %parallel_loop3A_789, %parallel_loop3A_790 : vector<16xf32>
          %parallel_loop3A_792 = arith.constant 0.000000e+00 : f32
          %parallel_loop3A_793 = vector.broadcast %parallel_loop3A_792 : f32 to vector<16xf32>
          %parallel_loop3A_794 = arith.maximumf %parallel_loop3A_791, %parallel_loop3A_793 : vector<16xf32>
          %parallel_loop3A_795 = arith.mulf %parallel_loop3A_788, %parallel_loop3A_794 : vector<16xf32>
          %parallel_loop3A_796 = arith.addf %parallel_loop3A_782, %gather3A_151 : vector<16xf32>
          %parallel_loop3A_797 = arith.subf %parallel_loop3A_796, %parallel_loop3A_795 : vector<16xf32>
          %parallel_loop3A_798 = arith.constant 9.99999993E-9 : f32
          %parallel_loop3A_799 = vector.broadcast %parallel_loop3A_798 : f32 to vector<16xf32>
          %parallel_loop3A_800 = arith.addf %parallel_loop3A_797, %parallel_loop3A_799 : vector<16xf32>
          %parallel_loop3A_801 = arith.divf %parallel_loop3A_795, %parallel_loop3A_800 : vector<16xf32>
          %parallel_loop3A_802 = arith.constant 5.000000e-01 : f32
          %parallel_loop3A_803 = vector.broadcast %parallel_loop3A_802 : f32 to vector<16xf32>
          %parallel_loop3A_804 = arith.cmpf ogt, %parallel_loop3A_801, %parallel_loop3A_803 : vector<16xf32>
          %parallel_loop3A_805 = arith.minimumf %parallel_loop3A_778, %select_n3A_320 : vector<16xf32>
          %parallel_loop3A_806 = arith.maximumf %parallel_loop3A_774, %select_n3A_318 : vector<16xf32>
          %parallel_loop3A_807 = arith.subf %parallel_loop3A_805, %parallel_loop3A_806 : vector<16xf32>
          %parallel_loop3A_808 = arith.constant 0.000000e+00 : f32
          %parallel_loop3A_809 = vector.broadcast %parallel_loop3A_808 : f32 to vector<16xf32>
          %parallel_loop3A_810 = arith.maximumf %parallel_loop3A_807, %parallel_loop3A_809 : vector<16xf32>
          %parallel_loop3A_811 = arith.minimumf %parallel_loop3A_780, %select_n3A_321 : vector<16xf32>
          %parallel_loop3A_812 = arith.maximumf %parallel_loop3A_776, %select_n3A_319 : vector<16xf32>
          %parallel_loop3A_813 = arith.subf %parallel_loop3A_811, %parallel_loop3A_812 : vector<16xf32>
          %parallel_loop3A_814 = arith.constant 0.000000e+00 : f32
          %parallel_loop3A_815 = vector.broadcast %parallel_loop3A_814 : f32 to vector<16xf32>
          %parallel_loop3A_816 = arith.maximumf %parallel_loop3A_813, %parallel_loop3A_815 : vector<16xf32>
          %parallel_loop3A_817 = arith.mulf %parallel_loop3A_810, %parallel_loop3A_816 : vector<16xf32>
          %parallel_loop3A_818 = arith.addf %parallel_loop3A_782, %gather3A_315 : vector<16xf32>
          %parallel_loop3A_819 = arith.subf %parallel_loop3A_818, %parallel_loop3A_817 : vector<16xf32>
          %parallel_loop3A_820 = arith.constant 9.99999993E-9 : f32
          %parallel_loop3A_821 = vector.broadcast %parallel_loop3A_820 : f32 to vector<16xf32>
          %parallel_loop3A_822 = arith.addf %parallel_loop3A_819, %parallel_loop3A_821 : vector<16xf32>
          %parallel_loop3A_823 = arith.divf %parallel_loop3A_817, %parallel_loop3A_822 : vector<16xf32>
          %parallel_loop3A_824 = arith.constant 5.000000e-01 : f32
          %parallel_loop3A_825 = vector.broadcast %parallel_loop3A_824 : f32 to vector<16xf32>
          %parallel_loop3A_826 = arith.cmpf ogt, %parallel_loop3A_823, %parallel_loop3A_825 : vector<16xf32>
          %parallel_loop3A_827 = arith.ori %parallel_loop3A_804, %parallel_loop3A_826 : vector<16xi1>
          %parallel_loop3A_828 = arith.select %parallel_loop3A_827, %broadcast_in_dim3A_5, %parallel_loop3A_772 : vector<16xi1>, vector<16xf32>
          %parallel_loop3A_829 = arith.index_cast %parallel_loop3A_767 : i32 to index
          %parallel_loop3A_830 = tpu.vector_load %arg15[%parallel_loop3A_829] {strides = array<i32>} : memref<1280xf32, #tpu.memory_space<vmem>>, vector<16xf32>,
          tpu.vector_store %arg15[%parallel_loop3A_829], %parallel_loop3A_828 {strides = array<i32>} : memref<1280xf32, #tpu.memory_space<vmem>>, vector<16xf32>,
          %parallel_loop3A_831 = arith.constant 16 : i32
          %parallel_loop3A_832 = arith.muli %parallel_loop3A_761, %parallel_loop3A_831 : i32
          %parallel_loop3A_833 = arith.addi %mul3A_0, %parallel_loop3A_832 : i32
          %parallel_loop3A_834 = vector.broadcast %parallel_loop3A_833 : i32 to vector<16xi32>
          %parallel_loop3A_835 = arith.addi %parallel_loop3A_834, %iota3A : vector<16xi32>
          %parallel_loop3A_836 = arith.cmpf ogt, %parallel_loop3A_828, %parallel_loop3A_762 : vector<16xf32>
          %parallel_loop3A_837 = arith.cmpf ogt, %parallel_loop3A_828, %parallel_loop3A_764 : vector<16xf32>
          %parallel_loop3A_838 = arith.select %parallel_loop3A_837, %parallel_loop3A_828, %parallel_loop3A_764 : vector<16xi1>, vector<16xf32>
          %parallel_loop3A_839 = arith.select %parallel_loop3A_836, %parallel_loop3A_762, %parallel_loop3A_838 : vector<16xi1>, vector<16xf32>
          %parallel_loop3A_840 = arith.select %parallel_loop3A_837, %parallel_loop3A_835, %parallel_loop3A_765 : vector<16xi1>, vector<16xi32>
          %parallel_loop3A_841 = arith.select %parallel_loop3A_836, %parallel_loop3A_763, %parallel_loop3A_840 : vector<16xi1>, vector<16xi32>
          %parallel_loop3A_842 = arith.select %parallel_loop3A_836, %parallel_loop3A_828, %parallel_loop3A_762 : vector<16xi1>, vector<16xf32>
          %parallel_loop3A_843 = arith.select %parallel_loop3A_836, %parallel_loop3A_835, %parallel_loop3A_763 : vector<16xi1>, vector<16xi32>
          scf.yield %parallel_loop3A_842, %parallel_loop3A_843, %parallel_loop3A_839, %parallel_loop3A_841 : vector<16xf32>, vector<16xi32>, vector<16xf32>, vector<16xi32>
        } {sc.loop_unroll_factor = 4 : i64, sc.parallel_access}
        %broadcast_in_dim3A_686 = arith.constant true
        %broadcast_in_dim3A_687 = vector.broadcast %broadcast_in_dim3A_686 : i1 to vector<16xi1>
        %masked_cummax3A_688 = tpu.scan <max>, %parallel_loop3A_685#0 masked %broadcast_in_dim3A_687 : vector<16xf32>, vector<16xi1> -> vector<16xf32>
        %swap3A_689 = arith.constant 0 : index
        %swap3A_690 = tpu.vector_load %arg18[%swap3A_689] {strides = array<i32>} : memref<16xf32, #tpu.memory_space<vmem>>, vector<16xf32>,
        tpu.vector_store %arg18[%swap3A_689], %masked_cummax3A_688 {strides = array<i32>} : memref<16xf32, #tpu.memory_space<vmem>>, vector<16xf32>,
        %gather3A_691 = tpu.vector_load_idx %arg18[%broadcast_in_dim3A_9] : memref<16xf32, #tpu.memory_space<vmem>>[vector<16xi32>], vector<16xf32>,
        %eq3A_692 = arith.cmpf oeq, %parallel_loop3A_685#0, %gather3A_691 : vector<16xf32>
        %select_n3A_693 = arith.select %eq3A_692, %parallel_loop3A_685#1, %broadcast_in_dim3A_7 : vector<16xi1>, vector<16xi32>
        %neg3A_694 = arith.constant 0 : i32
        %neg3A_695 = vector.broadcast %neg3A_694 : i32 to vector<16xi32>
        %neg3A_696 = arith.subi %neg3A_695, %select_n3A_693 : vector<16xi32>
        %broadcast_in_dim3A_697 = arith.constant true
        %broadcast_in_dim3A_698 = vector.broadcast %broadcast_in_dim3A_697 : i1 to vector<16xi1>
        %masked_cummax3A_699 = arith.constant -2147483648 : i32
        %masked_cummax3A_700 = vector.broadcast %masked_cummax3A_699 : i32 to vector<16xi32>
        %masked_cummax3A_701 = arith.xori %neg3A_696, %masked_cummax3A_700 : vector<16xi32>
        %masked_cummax3A_702 = tpu.scan <max>, %masked_cummax3A_701 masked %broadcast_in_dim3A_698 : vector<16xi32>, vector<16xi1> -> vector<16xi32>
        %masked_cummax3A_703 = arith.xori %masked_cummax3A_702, %masked_cummax3A_700 : vector<16xi32>
        %swap3A_704 = arith.constant 0 : index
        %swap3A_705 = tpu.vector_load %arg19[%swap3A_704] {strides = array<i32>} : memref<16xi32, #tpu.memory_space<vmem>>, vector<16xi32>,
        tpu.vector_store %arg19[%swap3A_704], %masked_cummax3A_703 {strides = array<i32>} : memref<16xi32, #tpu.memory_space<vmem>>, vector<16xi32>,
        %gather3A_706 = tpu.vector_load_idx %arg19[%broadcast_in_dim3A_9] : memref<16xi32, #tpu.memory_space<vmem>>[vector<16xi32>], vector<16xi32>,
        %neg3A_707 = arith.constant 0 : i32
        %neg3A_708 = vector.broadcast %neg3A_707 : i32 to vector<16xi32>
        %neg3A_709 = arith.subi %neg3A_708, %gather3A_706 : vector<16xi32>
        %eq3A_710 = arith.cmpf oeq, %parallel_loop3A_685#0, %gather3A_691 : vector<16xf32>
        %eq3A_711 = arith.cmpi eq, %parallel_loop3A_685#1, %neg3A_709 : vector<16xi32>
        %and3A_712 = arith.andi %eq3A_710, %eq3A_711 : vector<16xi1>
        %select_n3A_713 = arith.select %and3A_712, %parallel_loop3A_685#2, %parallel_loop3A_685#0 : vector<16xi1>, vector<16xf32>
        %select_n3A_714 = arith.select %and3A_712, %parallel_loop3A_685#3, %parallel_loop3A_685#1 : vector<16xi1>, vector<16xi32>
        %broadcast_in_dim3A_715 = arith.constant true
        %broadcast_in_dim3A_716 = vector.broadcast %broadcast_in_dim3A_715 : i1 to vector<16xi1>
        %masked_cummax3A_717 = tpu.scan <max>, %select_n3A_713 masked %broadcast_in_dim3A_716 : vector<16xf32>, vector<16xi1> -> vector<16xf32>
        %swap3A_718 = arith.constant 0 : index
        %swap3A_719 = tpu.vector_load %arg18[%swap3A_718] {strides = array<i32>} : memref<16xf32, #tpu.memory_space<vmem>>, vector<16xf32>,
        tpu.vector_store %arg18[%swap3A_718], %masked_cummax3A_717 {strides = array<i32>} : memref<16xf32, #tpu.memory_space<vmem>>, vector<16xf32>,
        %gather3A_720 = tpu.vector_load_idx %arg18[%broadcast_in_dim3A_9] : memref<16xf32, #tpu.memory_space<vmem>>[vector<16xi32>], vector<16xf32>,
        %eq3A_721 = arith.cmpf oeq, %select_n3A_713, %gather3A_720 : vector<16xf32>
        %select_n3A_722 = arith.select %eq3A_721, %select_n3A_714, %broadcast_in_dim3A_7 : vector<16xi1>, vector<16xi32>
        %neg3A_723 = arith.constant 0 : i32
        %neg3A_724 = vector.broadcast %neg3A_723 : i32 to vector<16xi32>
        %neg3A_725 = arith.subi %neg3A_724, %select_n3A_722 : vector<16xi32>
        %broadcast_in_dim3A_726 = arith.constant true
        %broadcast_in_dim3A_727 = vector.broadcast %broadcast_in_dim3A_726 : i1 to vector<16xi1>
        %masked_cummax3A_728 = arith.constant -2147483648 : i32
        %masked_cummax3A_729 = vector.broadcast %masked_cummax3A_728 : i32 to vector<16xi32>
        %masked_cummax3A_730 = arith.xori %neg3A_725, %masked_cummax3A_729 : vector<16xi32>
        %masked_cummax3A_731 = tpu.scan <max>, %masked_cummax3A_730 masked %broadcast_in_dim3A_727 : vector<16xi32>, vector<16xi1> -> vector<16xi32>
        %masked_cummax3A_732 = arith.xori %masked_cummax3A_731, %masked_cummax3A_729 : vector<16xi32>
        %swap3A_733 = arith.constant 0 : index
        %swap3A_734 = tpu.vector_load %arg19[%swap3A_733] {strides = array<i32>} : memref<16xi32, #tpu.memory_space<vmem>>, vector<16xi32>,
        tpu.vector_store %arg19[%swap3A_733], %masked_cummax3A_732 {strides = array<i32>} : memref<16xi32, #tpu.memory_space<vmem>>, vector<16xi32>,
        %gather3A_735 = tpu.vector_load_idx %arg19[%broadcast_in_dim3A_9] : memref<16xi32, #tpu.memory_space<vmem>>[vector<16xi32>], vector<16xi32>,
        %neg3A_736 = arith.constant 0 : i32
        %neg3A_737 = vector.broadcast %neg3A_736 : i32 to vector<16xi32>
        %neg3A_738 = arith.subi %neg3A_737, %gather3A_735 : vector<16xi32>
        %eq3A_739 = arith.constant 0 : i32
        %eq3A_740 = vector.broadcast %eq3A_739 : i32 to vector<16xi32>
        %eq3A_741 = arith.cmpi eq, %iota3A, %eq3A_740 : vector<16xi32>
        %select_n3A_742 = arith.select %eq3A_741, %gather3A_691, %broadcast_in_dim3A_3 : vector<16xi1>, vector<16xf32>
        %eq3A_743 = arith.constant 1 : i32
        %eq3A_744 = vector.broadcast %eq3A_743 : i32 to vector<16xi32>
        %eq3A_745 = arith.cmpi eq, %iota3A, %eq3A_744 : vector<16xi32>
        %bitcast3A_746 = vector.bitcast %neg3A_709 : vector<16xi32> to vector<16xf32>
        %select_n3A_747 = arith.select %eq3A_745, %bitcast3A_746, %select_n3A_742 : vector<16xi1>, vector<16xf32>
        %eq3A_748 = arith.constant 2 : i32
        %eq3A_749 = vector.broadcast %eq3A_748 : i32 to vector<16xi32>
        %eq3A_750 = arith.cmpi eq, %iota3A, %eq3A_749 : vector<16xi32>
        %select_n3A_751 = arith.select %eq3A_750, %gather3A_720, %select_n3A_747 : vector<16xi1>, vector<16xf32>
        %eq3A_752 = arith.constant 3 : i32
        %eq3A_753 = vector.broadcast %eq3A_752 : i32 to vector<16xi32>
        %eq3A_754 = arith.cmpi eq, %iota3A, %eq3A_753 : vector<16xi32>
        %bitcast3A_755 = vector.bitcast %neg3A_738 : vector<16xi32> to vector<16xf32>
        %select_n3A_756 = arith.select %eq3A_754, %bitcast3A_755, %select_n3A_751 : vector<16xi1>, vector<16xf32>
        %swap3A_757 = arith.constant 0 : index
        %swap3A_758 = tpu.vector_load %arg17[%swap3A_757] {strides = array<i32>} : memref<16xf32, #tpu.memory_space<vmem>>, vector<16xf32>,
        tpu.vector_store %arg17[%swap3A_757], %select_n3A_756 {strides = array<i32>} : memref<16xf32, #tpu.memory_space<vmem>>, vector<16xf32>,
        %mul3A_759 = arith.constant 16 : i32
        %mul3A_760 = arith.muli %arg1, %mul3A_759 : i32
        "tpu.region"() ({
          %run_scoped3A = tpu.sem_alloc : memref<!tpu.dma_semaphore, #tpu.memory_space<semaphore_mem>>
          %dma_start3A = tpu.memref_slice %arg9[%mul3A_760] : memref<256xf32, #tpu.memory_space<vmem_shared>> -> memref<16xf32, #tpu.memory_space<vmem_shared>>
          %dma_start3A_761 = tpu.memref_slice %arg9[%mul3A_760] : memref<256xf32, #tpu.memory_space<vmem_shared>> -> memref<16xf32, #tpu.memory_space<vmem_shared>>
          tpu.enqueue_dma source(%arg17 : memref<16xf32, #tpu.memory_space<vmem>>) target(%dma_start3A_761 : memref<16xf32, #tpu.memory_space<vmem_shared>>) target_semaphore(%run_scoped3A : memref<!tpu.dma_semaphore, #tpu.memory_space<semaphore_mem>>)
          %dma_wait3A = tpu.memref_slice %arg9[%mul3A_760] : memref<256xf32, #tpu.memory_space<vmem_shared>> -> memref<16xf32, #tpu.memory_space<vmem_shared>>
          %dma_wait3A_762 = tpu.memref_slice %arg9[%mul3A_760] : memref<256xf32, #tpu.memory_space<vmem_shared>> -> memref<16xf32, #tpu.memory_space<vmem_shared>>
          tpu.wait_dma2 semaphore(%run_scoped3A : memref<!tpu.dma_semaphore, #tpu.memory_space<semaphore_mem>>) src(%arg17 : memref<16xf32, #tpu.memory_space<vmem>>) dst(%dma_wait3A_762 : memref<16xf32, #tpu.memory_space<vmem_shared>>)
          tpu.yield
        }) : () -> ()
      } else {
      }
      %not3A_350 = arith.constant true
      %not3A_351 = arith.xori %gt3A_141, %not3A_350 : i1
      %convert_element_type3A_352 = arith.extui %not3A_351 : i1 to i32
      %cond3A_353 = arith.constant 0 : i32
      %cond3A_354 = arith.cmpi ne, %convert_element_type3A_352, %cond3A_353 : i32
      scf.if %cond3A_354 {
        %broadcast_in_dim3A_645 = arith.constant true
        %broadcast_in_dim3A_646 = vector.broadcast %broadcast_in_dim3A_645 : i1 to vector<16xi1>
        %masked_cummax3A_647 = tpu.scan <max>, %broadcast_in_dim3A_5 masked %broadcast_in_dim3A_646 : vector<16xf32>, vector<16xi1> -> vector<16xf32>
        %swap3A_648 = arith.constant 0 : index
        %swap3A_649 = tpu.vector_load %arg18[%swap3A_648] {strides = array<i32>} : memref<16xf32, #tpu.memory_space<vmem>>, vector<16xf32>,
        tpu.vector_store %arg18[%swap3A_648], %masked_cummax3A_647 {strides = array<i32>} : memref<16xf32, #tpu.memory_space<vmem>>, vector<16xf32>,
        %gather3A_650 = tpu.vector_load_idx %arg18[%broadcast_in_dim3A_9] : memref<16xf32, #tpu.memory_space<vmem>>[vector<16xi32>], vector<16xf32>,
        %eq3A_651 = arith.cmpf oeq, %broadcast_in_dim3A_5, %gather3A_650 : vector<16xf32>
        %select_n3A_652 = arith.select %eq3A_651, %broadcast_in_dim3A_7, %broadcast_in_dim3A_7 : vector<16xi1>, vector<16xi32>
        %neg3A_653 = arith.constant 0 : i32
        %neg3A_654 = vector.broadcast %neg3A_653 : i32 to vector<16xi32>
        %neg3A_655 = arith.subi %neg3A_654, %select_n3A_652 : vector<16xi32>
        %broadcast_in_dim3A_656 = arith.constant true
        %broadcast_in_dim3A_657 = vector.broadcast %broadcast_in_dim3A_656 : i1 to vector<16xi1>
        %masked_cummax3A_658 = arith.constant -2147483648 : i32
        %masked_cummax3A_659 = vector.broadcast %masked_cummax3A_658 : i32 to vector<16xi32>
        %masked_cummax3A_660 = arith.xori %neg3A_655, %masked_cummax3A_659 : vector<16xi32>
        %masked_cummax3A_661 = tpu.scan <max>, %masked_cummax3A_660 masked %broadcast_in_dim3A_657 : vector<16xi32>, vector<16xi1> -> vector<16xi32>
        %masked_cummax3A_662 = arith.xori %masked_cummax3A_661, %masked_cummax3A_659 : vector<16xi32>
        %swap3A_663 = arith.constant 0 : index
        %swap3A_664 = tpu.vector_load %arg19[%swap3A_663] {strides = array<i32>} : memref<16xi32, #tpu.memory_space<vmem>>, vector<16xi32>,
        tpu.vector_store %arg19[%swap3A_663], %masked_cummax3A_662 {strides = array<i32>} : memref<16xi32, #tpu.memory_space<vmem>>, vector<16xi32>,
        %gather3A_665 = tpu.vector_load_idx %arg19[%broadcast_in_dim3A_9] : memref<16xi32, #tpu.memory_space<vmem>>[vector<16xi32>], vector<16xi32>,
        %neg3A_666 = arith.constant 0 : i32
        %neg3A_667 = vector.broadcast %neg3A_666 : i32 to vector<16xi32>
        %neg3A_668 = arith.subi %neg3A_667, %gather3A_665 : vector<16xi32>
        %eq3A_669 = arith.cmpf oeq, %broadcast_in_dim3A_5, %gather3A_650 : vector<16xf32>
        %eq3A_670 = arith.cmpi eq, %broadcast_in_dim3A_7, %neg3A_668 : vector<16xi32>
        %and3A_671 = arith.andi %eq3A_669, %eq3A_670 : vector<16xi1>
        %select_n3A_672 = arith.select %and3A_671, %broadcast_in_dim3A_5, %broadcast_in_dim3A_5 : vector<16xi1>, vector<16xf32>
        %select_n3A_673 = arith.select %and3A_671, %broadcast_in_dim3A_7, %broadcast_in_dim3A_7 : vector<16xi1>, vector<16xi32>
        %broadcast_in_dim3A_674 = arith.constant true
        %broadcast_in_dim3A_675 = vector.broadcast %broadcast_in_dim3A_674 : i1 to vector<16xi1>
        %masked_cummax3A_676 = tpu.scan <max>, %select_n3A_672 masked %broadcast_in_dim3A_675 : vector<16xf32>, vector<16xi1> -> vector<16xf32>
        %swap3A_677 = arith.constant 0 : index
        %swap3A_678 = tpu.vector_load %arg18[%swap3A_677] {strides = array<i32>} : memref<16xf32, #tpu.memory_space<vmem>>, vector<16xf32>,
        tpu.vector_store %arg18[%swap3A_677], %masked_cummax3A_676 {strides = array<i32>} : memref<16xf32, #tpu.memory_space<vmem>>, vector<16xf32>,
        %gather3A_679 = tpu.vector_load_idx %arg18[%broadcast_in_dim3A_9] : memref<16xf32, #tpu.memory_space<vmem>>[vector<16xi32>], vector<16xf32>,
        %eq3A_680 = arith.cmpf oeq, %select_n3A_672, %gather3A_679 : vector<16xf32>
        %select_n3A_681 = arith.select %eq3A_680, %select_n3A_673, %broadcast_in_dim3A_7 : vector<16xi1>, vector<16xi32>
        %neg3A_682 = arith.constant 0 : i32
        %neg3A_683 = vector.broadcast %neg3A_682 : i32 to vector<16xi32>
        %neg3A_684 = arith.subi %neg3A_683, %select_n3A_681 : vector<16xi32>
        %broadcast_in_dim3A_685 = arith.constant true
        %broadcast_in_dim3A_686 = vector.broadcast %broadcast_in_dim3A_685 : i1 to vector<16xi1>
        %masked_cummax3A_687 = arith.constant -2147483648 : i32
        %masked_cummax3A_688 = vector.broadcast %masked_cummax3A_687 : i32 to vector<16xi32>
        %masked_cummax3A_689 = arith.xori %neg3A_684, %masked_cummax3A_688 : vector<16xi32>
        %masked_cummax3A_690 = tpu.scan <max>, %masked_cummax3A_689 masked %broadcast_in_dim3A_686 : vector<16xi32>, vector<16xi1> -> vector<16xi32>
        %masked_cummax3A_691 = arith.xori %masked_cummax3A_690, %masked_cummax3A_688 : vector<16xi32>
        %swap3A_692 = arith.constant 0 : index
        %swap3A_693 = tpu.vector_load %arg19[%swap3A_692] {strides = array<i32>} : memref<16xi32, #tpu.memory_space<vmem>>, vector<16xi32>,
        tpu.vector_store %arg19[%swap3A_692], %masked_cummax3A_691 {strides = array<i32>} : memref<16xi32, #tpu.memory_space<vmem>>, vector<16xi32>,
        %gather3A_694 = tpu.vector_load_idx %arg19[%broadcast_in_dim3A_9] : memref<16xi32, #tpu.memory_space<vmem>>[vector<16xi32>], vector<16xi32>,
        %neg3A_695 = arith.constant 0 : i32
        %neg3A_696 = vector.broadcast %neg3A_695 : i32 to vector<16xi32>
        %neg3A_697 = arith.subi %neg3A_696, %gather3A_694 : vector<16xi32>
        %eq3A_698 = arith.constant 0 : i32
        %eq3A_699 = vector.broadcast %eq3A_698 : i32 to vector<16xi32>
        %eq3A_700 = arith.cmpi eq, %iota3A, %eq3A_699 : vector<16xi32>
        %select_n3A_701 = arith.select %eq3A_700, %gather3A_650, %broadcast_in_dim3A_3 : vector<16xi1>, vector<16xf32>
        %eq3A_702 = arith.constant 1 : i32
        %eq3A_703 = vector.broadcast %eq3A_702 : i32 to vector<16xi32>
        %eq3A_704 = arith.cmpi eq, %iota3A, %eq3A_703 : vector<16xi32>
        %bitcast3A_705 = vector.bitcast %neg3A_668 : vector<16xi32> to vector<16xf32>
        %select_n3A_706 = arith.select %eq3A_704, %bitcast3A_705, %select_n3A_701 : vector<16xi1>, vector<16xf32>
        %eq3A_707 = arith.constant 2 : i32
        %eq3A_708 = vector.broadcast %eq3A_707 : i32 to vector<16xi32>
        %eq3A_709 = arith.cmpi eq, %iota3A, %eq3A_708 : vector<16xi32>
        %select_n3A_710 = arith.select %eq3A_709, %gather3A_679, %select_n3A_706 : vector<16xi1>, vector<16xf32>
        %eq3A_711 = arith.constant 3 : i32
        %eq3A_712 = vector.broadcast %eq3A_711 : i32 to vector<16xi32>
        %eq3A_713 = arith.cmpi eq, %iota3A, %eq3A_712 : vector<16xi32>
        %bitcast3A_714 = vector.bitcast %neg3A_697 : vector<16xi32> to vector<16xf32>
        %select_n3A_715 = arith.select %eq3A_713, %bitcast3A_714, %select_n3A_710 : vector<16xi1>, vector<16xf32>
        %swap3A_716 = arith.constant 0 : index
        %swap3A_717 = tpu.vector_load %arg17[%swap3A_716] {strides = array<i32>} : memref<16xf32, #tpu.memory_space<vmem>>, vector<16xf32>,
        tpu.vector_store %arg17[%swap3A_716], %select_n3A_715 {strides = array<i32>} : memref<16xf32, #tpu.memory_space<vmem>>, vector<16xf32>,
        %mul3A_718 = arith.constant 16 : i32
        %mul3A_719 = arith.muli %arg1, %mul3A_718 : i32
        "tpu.region"() ({
          %run_scoped3A = tpu.sem_alloc : memref<!tpu.dma_semaphore, #tpu.memory_space<semaphore_mem>>
          %dma_start3A = tpu.memref_slice %arg9[%mul3A_719] : memref<256xf32, #tpu.memory_space<vmem_shared>> -> memref<16xf32, #tpu.memory_space<vmem_shared>>
          %dma_start3A_720 = tpu.memref_slice %arg9[%mul3A_719] : memref<256xf32, #tpu.memory_space<vmem_shared>> -> memref<16xf32, #tpu.memory_space<vmem_shared>>
          tpu.enqueue_dma source(%arg17 : memref<16xf32, #tpu.memory_space<vmem>>) target(%dma_start3A_720 : memref<16xf32, #tpu.memory_space<vmem_shared>>) target_semaphore(%run_scoped3A : memref<!tpu.dma_semaphore, #tpu.memory_space<semaphore_mem>>)
          %dma_wait3A = tpu.memref_slice %arg9[%mul3A_719] : memref<256xf32, #tpu.memory_space<vmem_shared>> -> memref<16xf32, #tpu.memory_space<vmem_shared>>
          %dma_wait3A_721 = tpu.memref_slice %arg9[%mul3A_719] : memref<256xf32, #tpu.memory_space<vmem_shared>> -> memref<16xf32, #tpu.memory_space<vmem_shared>>
          tpu.wait_dma2 semaphore(%run_scoped3A : memref<!tpu.dma_semaphore, #tpu.memory_space<semaphore_mem>>) src(%arg17 : memref<16xf32, #tpu.memory_space<vmem>>) dst(%dma_wait3A_721 : memref<16xf32, #tpu.memory_space<vmem_shared>>)
          tpu.yield
        }) : () -> ()
      } else {
      }
      %barrier3A_355 = arith.constant 0 : index
      tpu.barrier barrier_id(%barrier3A_355)
      %jit3A_356 = arith.constant 1 : i32
      %jit3A_357 = arith.constant 0 : i32
      %select_n3A_358 = arith.select %gt3A_141, %jit3A_356, %jit3A_357 : i32
      %add3A_359 = arith.addi %while3A_96, %select_n3A_358 : i32
      %jit3A_360 = arith.constant 1 : i32
      %jit3A_361 = arith.constant 0 : i32
      %select_n3A_362 = arith.select %and3A_296, %jit3A_360, %jit3A_361 : i32
      %add3A_363 = arith.addi %add3A_359, %select_n3A_362 : i32
      "tpu.region"() ({
        %run_scoped3A = tpu.sem_alloc : memref<!tpu.dma_semaphore, #tpu.memory_space<semaphore_mem>>
        tpu.enqueue_dma source(%arg9 : memref<256xf32, #tpu.memory_space<vmem_shared>>) target(%arg16 : memref<256xf32, #tpu.memory_space<vmem>>) target_semaphore(%run_scoped3A : memref<!tpu.dma_semaphore, #tpu.memory_space<semaphore_mem>>)
        tpu.wait_dma2 semaphore(%run_scoped3A : memref<!tpu.dma_semaphore, #tpu.memory_space<semaphore_mem>>) src(%arg9 : memref<256xf32, #tpu.memory_space<vmem_shared>>) dst(%arg16 : memref<256xf32, #tpu.memory_space<vmem>>)
        tpu.yield
      }) : () -> ()
      %mul3A_364 = arith.constant 16 : i32
      %mul3A_365 = vector.broadcast %mul3A_364 : i32 to vector<16xi32>
      %mul3A_366 = arith.muli %iota3A, %mul3A_365 : vector<16xi32>
      %gather3A_367 = tpu.vector_load_idx %arg16[%mul3A_366] : memref<256xf32, #tpu.memory_space<vmem>>[vector<16xi32>], vector<16xf32>,
      %add3A_368 = arith.constant 1 : i32
      %add3A_369 = vector.broadcast %add3A_368 : i32 to vector<16xi32>
      %add3A_370 = arith.addi %mul3A_366, %add3A_369 : vector<16xi32>
      %gather3A_371 = tpu.vector_load_idx %arg16[%add3A_370] : memref<256xf32, #tpu.memory_space<vmem>>[vector<16xi32>], vector<16xf32>,
      %bitcast3A_372 = vector.bitcast %gather3A_371 : vector<16xf32> to vector<16xi32>
      %add3A_373 = arith.constant 2 : i32
      %add3A_374 = vector.broadcast %add3A_373 : i32 to vector<16xi32>
      %add3A_375 = arith.addi %mul3A_366, %add3A_374 : vector<16xi32>
      %gather3A_376 = tpu.vector_load_idx %arg16[%add3A_375] : memref<256xf32, #tpu.memory_space<vmem>>[vector<16xi32>], vector<16xf32>,
      %add3A_377 = arith.constant 3 : i32
      %add3A_378 = vector.broadcast %add3A_377 : i32 to vector<16xi32>
      %add3A_379 = arith.addi %mul3A_366, %add3A_378 : vector<16xi32>
      %gather3A_380 = tpu.vector_load_idx %arg16[%add3A_379] : memref<256xf32, #tpu.memory_space<vmem>>[vector<16xi32>], vector<16xf32>,
      %bitcast3A_381 = vector.bitcast %gather3A_380 : vector<16xf32> to vector<16xi32>
      %max3A_382 = arith.maximumf %gather3A_367, %gather3A_376 : vector<16xf32>
      %broadcast_in_dim3A_383 = arith.constant true
      %broadcast_in_dim3A_384 = vector.broadcast %broadcast_in_dim3A_383 : i1 to vector<16xi1>
      %masked_cummax3A_385 = tpu.scan <max>, %max3A_382 masked %broadcast_in_dim3A_384 : vector<16xf32>, vector<16xi1> -> vector<16xf32>
      %swap3A_386 = arith.constant 0 : index
      %swap3A_387 = tpu.vector_load %arg18[%swap3A_386] {strides = array<i32>} : memref<16xf32, #tpu.memory_space<vmem>>, vector<16xf32>,
      tpu.vector_store %arg18[%swap3A_386], %masked_cummax3A_385 {strides = array<i32>} : memref<16xf32, #tpu.memory_space<vmem>>, vector<16xf32>,
      %gather3A_388 = tpu.vector_load_idx %arg18[%broadcast_in_dim3A_9] : memref<16xf32, #tpu.memory_space<vmem>>[vector<16xi32>], vector<16xf32>,
      %eq3A_389 = arith.cmpf oeq, %gather3A_367, %gather3A_388 : vector<16xf32>
      %select_n3A_390 = arith.select %eq3A_389, %bitcast3A_372, %broadcast_in_dim3A_7 : vector<16xi1>, vector<16xi32>
      %eq3A_391 = arith.cmpf oeq, %gather3A_376, %gather3A_388 : vector<16xf32>
      %select_n3A_392 = arith.select %eq3A_391, %bitcast3A_381, %broadcast_in_dim3A_7 : vector<16xi1>, vector<16xi32>
      %min3A_393 = arith.minsi %select_n3A_390, %select_n3A_392 : vector<16xi32>
      %neg3A_394 = arith.constant 0 : i32
      %neg3A_395 = vector.broadcast %neg3A_394 : i32 to vector<16xi32>
      %neg3A_396 = arith.subi %neg3A_395, %min3A_393 : vector<16xi32>
      %broadcast_in_dim3A_397 = arith.constant true
      %broadcast_in_dim3A_398 = vector.broadcast %broadcast_in_dim3A_397 : i1 to vector<16xi1>
      %masked_cummax3A_399 = arith.constant -2147483648 : i32
      %masked_cummax3A_400 = vector.broadcast %masked_cummax3A_399 : i32 to vector<16xi32>
      %masked_cummax3A_401 = arith.xori %neg3A_396, %masked_cummax3A_400 : vector<16xi32>
      %masked_cummax3A_402 = tpu.scan <max>, %masked_cummax3A_401 masked %broadcast_in_dim3A_398 : vector<16xi32>, vector<16xi1> -> vector<16xi32>
      %masked_cummax3A_403 = arith.xori %masked_cummax3A_402, %masked_cummax3A_400 : vector<16xi32>
      %swap3A_404 = arith.constant 0 : index
      %swap3A_405 = tpu.vector_load %arg19[%swap3A_404] {strides = array<i32>} : memref<16xi32, #tpu.memory_space<vmem>>, vector<16xi32>,
      tpu.vector_store %arg19[%swap3A_404], %masked_cummax3A_403 {strides = array<i32>} : memref<16xi32, #tpu.memory_space<vmem>>, vector<16xi32>,
      %gather3A_406 = tpu.vector_load_idx %arg19[%broadcast_in_dim3A_9] : memref<16xi32, #tpu.memory_space<vmem>>[vector<16xi32>], vector<16xi32>,
      %neg3A_407 = arith.constant 0 : i32
      %neg3A_408 = vector.broadcast %neg3A_407 : i32 to vector<16xi32>
      %neg3A_409 = arith.subi %neg3A_408, %gather3A_406 : vector<16xi32>
      %slice3A_410 = vector.extract_strided_slice %gather3A_388 {offsets = [0], sizes = [1], strides = [1]} : vector<16xf32> to vector<1xf32>
      %squeeze3A_411 = vector.extract %slice3A_410[0] : f32 from vector<1xf32>
      %gt3A_412 = arith.constant -5.000000e+29 : f32
      %gt3A_413 = arith.cmpf ogt, %squeeze3A_411, %gt3A_412 : f32
      %jit3A_414 = arith.constant 0 : i32
      %jit3A_415 = arith.constant 20479 : i32
      %max3A_416 = vector.broadcast %jit3A_414 : i32 to vector<16xi32>
      %max3A_417 = arith.maxsi %max3A_416, %neg3A_409 : vector<16xi32>
      %min3A_418 = vector.broadcast %jit3A_415 : i32 to vector<16xi32>
      %min3A_419 = arith.minsi %min3A_418, %max3A_417 : vector<16xi32>
      %gather3A_420 = tpu.vector_load_idx %arg10[%min3A_419] : memref<20480xf32, #tpu.memory_space<vmem>>[vector<16xi32>], vector<16xf32>,
      %gather3A_421 = tpu.vector_load_idx %arg11[%min3A_419] : memref<20480xf32, #tpu.memory_space<vmem>>[vector<16xi32>], vector<16xf32>,
      %gather3A_422 = tpu.vector_load_idx %arg12[%min3A_419] : memref<20480xf32, #tpu.memory_space<vmem>>[vector<16xi32>], vector<16xf32>,
      %gather3A_423 = tpu.vector_load_idx %arg13[%min3A_419] : memref<20480xf32, #tpu.memory_space<vmem>>[vector<16xi32>], vector<16xf32>,
      %gather3A_424 = tpu.vector_load_idx %arg14[%min3A_419] : memref<20480xf32, #tpu.memory_space<vmem>>[vector<16xi32>], vector<16xf32>,
      %jit3A_425 = arith.constant 0 : i32
      %jit3A_426 = arith.constant 20479 : i32
      %max3A_427 = vector.broadcast %jit3A_425 : i32 to vector<16xi32>
      %max3A_428 = arith.maxsi %max3A_427, %bitcast3A_372 : vector<16xi32>
      %min3A_429 = vector.broadcast %jit3A_426 : i32 to vector<16xi32>
      %min3A_430 = arith.minsi %min3A_429, %max3A_428 : vector<16xi32>
      %gather3A_431 = tpu.vector_load_idx %arg10[%min3A_430] : memref<20480xf32, #tpu.memory_space<vmem>>[vector<16xi32>], vector<16xf32>,
      %gather3A_432 = tpu.vector_load_idx %arg11[%min3A_430] : memref<20480xf32, #tpu.memory_space<vmem>>[vector<16xi32>], vector<16xf32>,
      %gather3A_433 = tpu.vector_load_idx %arg12[%min3A_430] : memref<20480xf32, #tpu.memory_space<vmem>>[vector<16xi32>], vector<16xf32>,
      %gather3A_434 = tpu.vector_load_idx %arg13[%min3A_430] : memref<20480xf32, #tpu.memory_space<vmem>>[vector<16xi32>], vector<16xf32>,
      %gather3A_435 = tpu.vector_load_idx %arg14[%min3A_430] : memref<20480xf32, #tpu.memory_space<vmem>>[vector<16xi32>], vector<16xf32>,
      %jit3A_436 = arith.constant 0 : i32
      %jit3A_437 = arith.constant 20479 : i32
      %max3A_438 = vector.broadcast %jit3A_436 : i32 to vector<16xi32>
      %max3A_439 = arith.maxsi %max3A_438, %bitcast3A_381 : vector<16xi32>
      %min3A_440 = vector.broadcast %jit3A_437 : i32 to vector<16xi32>
      %min3A_441 = arith.minsi %min3A_440, %max3A_439 : vector<16xi32>
      %gather3A_442 = tpu.vector_load_idx %arg10[%min3A_441] : memref<20480xf32, #tpu.memory_space<vmem>>[vector<16xi32>], vector<16xf32>,
      %gather3A_443 = tpu.vector_load_idx %arg11[%min3A_441] : memref<20480xf32, #tpu.memory_space<vmem>>[vector<16xi32>], vector<16xf32>,
      %gather3A_444 = tpu.vector_load_idx %arg12[%min3A_441] : memref<20480xf32, #tpu.memory_space<vmem>>[vector<16xi32>], vector<16xf32>,
      %gather3A_445 = tpu.vector_load_idx %arg13[%min3A_441] : memref<20480xf32, #tpu.memory_space<vmem>>[vector<16xi32>], vector<16xf32>,
      %gather3A_446 = tpu.vector_load_idx %arg14[%min3A_441] : memref<20480xf32, #tpu.memory_space<vmem>>[vector<16xi32>], vector<16xf32>,
      %gt3A_447 = arith.constant -5.000000e+29 : f32
      %gt3A_448 = vector.broadcast %gt3A_447 : f32 to vector<16xf32>
      %gt3A_449 = arith.cmpf ogt, %gather3A_367, %gt3A_448 : vector<16xf32>
      %ne3A_450 = arith.cmpi ne, %bitcast3A_372, %neg3A_409 : vector<16xi32>
      %and3A_451 = arith.andi %gt3A_449, %ne3A_450 : vector<16xi1>
      %min3A_452 = arith.minimumf %gather3A_433, %gather3A_422 : vector<16xf32>
      %max3A_453 = arith.maximumf %gather3A_431, %gather3A_420 : vector<16xf32>
      %sub3A_454 = arith.subf %min3A_452, %max3A_453 : vector<16xf32>
      %max3A_455 = arith.constant 0.000000e+00 : f32
      %max3A_456 = vector.broadcast %max3A_455 : f32 to vector<16xf32>
      %max3A_457 = arith.maximumf %sub3A_454, %max3A_456 : vector<16xf32>
      %min3A_458 = arith.minimumf %gather3A_434, %gather3A_423 : vector<16xf32>
      %max3A_459 = arith.maximumf %gather3A_432, %gather3A_421 : vector<16xf32>
      %sub3A_460 = arith.subf %min3A_458, %max3A_459 : vector<16xf32>
      %max3A_461 = arith.constant 0.000000e+00 : f32
      %max3A_462 = vector.broadcast %max3A_461 : f32 to vector<16xf32>
      %max3A_463 = arith.maximumf %sub3A_460, %max3A_462 : vector<16xf32>
      %mul3A_464 = arith.mulf %max3A_457, %max3A_463 : vector<16xf32>
      %add3A_465 = arith.addf %gather3A_435, %gather3A_424 : vector<16xf32>
      %sub3A_466 = arith.subf %add3A_465, %mul3A_464 : vector<16xf32>
      %add3A_467 = arith.constant 9.99999993E-9 : f32
      %add3A_468 = vector.broadcast %add3A_467 : f32 to vector<16xf32>
      %add3A_469 = arith.addf %sub3A_466, %add3A_468 : vector<16xf32>
      %div3A_470 = arith.divf %mul3A_464, %add3A_469 : vector<16xf32>
      %gt3A_471 = arith.constant 5.000000e-01 : f32
      %gt3A_472 = vector.broadcast %gt3A_471 : f32 to vector<16xf32>
      %gt3A_473 = arith.cmpf ogt, %div3A_470, %gt3A_472 : vector<16xf32>
      %not3A_474 = arith.constant dense<true> : vector<16xi1>
      %not3A_475 = arith.xori %gt3A_473, %not3A_474 : vector<16xi1>
      %and3A_476 = arith.andi %and3A_451, %not3A_475 : vector<16xi1>
      %gt3A_477 = arith.constant -5.000000e+29 : f32
      %gt3A_478 = vector.broadcast %gt3A_477 : f32 to vector<16xf32>
      %gt3A_479 = arith.cmpf ogt, %gather3A_376, %gt3A_478 : vector<16xf32>
      %ne3A_480 = arith.cmpi ne, %bitcast3A_381, %neg3A_409 : vector<16xi32>
      %and3A_481 = arith.andi %gt3A_479, %ne3A_480 : vector<16xi1>
      %min3A_482 = arith.minimumf %gather3A_444, %gather3A_422 : vector<16xf32>
      %max3A_483 = arith.maximumf %gather3A_442, %gather3A_420 : vector<16xf32>
      %sub3A_484 = arith.subf %min3A_482, %max3A_483 : vector<16xf32>
      %max3A_485 = arith.constant 0.000000e+00 : f32
      %max3A_486 = vector.broadcast %max3A_485 : f32 to vector<16xf32>
      %max3A_487 = arith.maximumf %sub3A_484, %max3A_486 : vector<16xf32>
      %min3A_488 = arith.minimumf %gather3A_445, %gather3A_423 : vector<16xf32>
      %max3A_489 = arith.maximumf %gather3A_443, %gather3A_421 : vector<16xf32>
      %sub3A_490 = arith.subf %min3A_488, %max3A_489 : vector<16xf32>
      %max3A_491 = arith.constant 0.000000e+00 : f32
      %max3A_492 = vector.broadcast %max3A_491 : f32 to vector<16xf32>
      %max3A_493 = arith.maximumf %sub3A_490, %max3A_492 : vector<16xf32>
      %mul3A_494 = arith.mulf %max3A_487, %max3A_493 : vector<16xf32>
      %add3A_495 = arith.addf %gather3A_446, %gather3A_424 : vector<16xf32>
      %sub3A_496 = arith.subf %add3A_495, %mul3A_494 : vector<16xf32>
      %add3A_497 = arith.constant 9.99999993E-9 : f32
      %add3A_498 = vector.broadcast %add3A_497 : f32 to vector<16xf32>
      %add3A_499 = arith.addf %sub3A_496, %add3A_498 : vector<16xf32>
      %div3A_500 = arith.divf %mul3A_494, %add3A_499 : vector<16xf32>
      %gt3A_501 = arith.constant 5.000000e-01 : f32
      %gt3A_502 = vector.broadcast %gt3A_501 : f32 to vector<16xf32>
      %gt3A_503 = arith.cmpf ogt, %div3A_500, %gt3A_502 : vector<16xf32>
      %not3A_504 = arith.constant dense<true> : vector<16xi1>
      %not3A_505 = arith.xori %gt3A_503, %not3A_504 : vector<16xi1>
      %and3A_506 = arith.andi %and3A_481, %not3A_505 : vector<16xi1>
      %gt3A_507 = arith.constant -5.000000e+29 : f32
      %gt3A_508 = vector.broadcast %gt3A_507 : f32 to vector<16xf32>
      %gt3A_509 = arith.cmpf ogt, %gather3A_367, %gt3A_508 : vector<16xf32>
      %not3A_510 = arith.constant dense<true> : vector<16xi1>
      %not3A_511 = arith.xori %gt3A_509, %not3A_510 : vector<16xi1>
      %or3A_512 = arith.ori %not3A_511, %and3A_476 : vector<16xi1>
      %or3A_513 = arith.ori %or3A_512, %and3A_506 : vector<16xi1>
      %broadcast_in_dim3A_514 = arith.constant 1 : i32
      %broadcast_in_dim3A_515 = vector.broadcast %broadcast_in_dim3A_514 : i32 to vector<16xi32>
      %select_n3A_516 = arith.select %or3A_513, %broadcast_in_dim3A_515, %broadcast_in_dim3A_1 : vector<16xi1>, vector<16xi32>
      %neg3A_517 = arith.constant 0 : i32
      %neg3A_518 = vector.broadcast %neg3A_517 : i32 to vector<16xi32>
      %neg3A_519 = arith.subi %neg3A_518, %select_n3A_516 : vector<16xi32>
      %broadcast_in_dim3A_520 = arith.constant true
      %broadcast_in_dim3A_521 = vector.broadcast %broadcast_in_dim3A_520 : i1 to vector<16xi1>
      %masked_cummax3A_522 = arith.constant -2147483648 : i32
      %masked_cummax3A_523 = vector.broadcast %masked_cummax3A_522 : i32 to vector<16xi32>
      %masked_cummax3A_524 = arith.xori %neg3A_519, %masked_cummax3A_523 : vector<16xi32>
      %masked_cummax3A_525 = tpu.scan <max>, %masked_cummax3A_524 masked %broadcast_in_dim3A_521 : vector<16xi32>, vector<16xi1> -> vector<16xi32>
      %masked_cummax3A_526 = arith.xori %masked_cummax3A_525, %masked_cummax3A_523 : vector<16xi32>
      %swap3A_527 = arith.constant 0 : index
      %swap3A_528 = tpu.vector_load %arg19[%swap3A_527] {strides = array<i32>} : memref<16xi32, #tpu.memory_space<vmem>>, vector<16xi32>,
      tpu.vector_store %arg19[%swap3A_527], %masked_cummax3A_526 {strides = array<i32>} : memref<16xi32, #tpu.memory_space<vmem>>, vector<16xi32>,
      %gather3A_529 = tpu.vector_load_idx %arg19[%broadcast_in_dim3A_9] : memref<16xi32, #tpu.memory_space<vmem>>[vector<16xi32>], vector<16xi32>,
      %neg3A_530 = arith.constant 0 : i32
      %neg3A_531 = vector.broadcast %neg3A_530 : i32 to vector<16xi32>
      %neg3A_532 = arith.subi %neg3A_531, %gather3A_529 : vector<16xi32>
      %select_n3A_533 = arith.select %and3A_476, %gather3A_367, %broadcast_in_dim3A_5 : vector<16xi1>, vector<16xf32>
      %select_n3A_534 = arith.select %and3A_506, %gather3A_376, %broadcast_in_dim3A_5 : vector<16xi1>, vector<16xf32>
      %max3A_535 = arith.maximumf %select_n3A_533, %select_n3A_534 : vector<16xf32>
      %broadcast_in_dim3A_536 = arith.constant true
      %broadcast_in_dim3A_537 = vector.broadcast %broadcast_in_dim3A_536 : i1 to vector<16xi1>
      %masked_cummax3A_538 = tpu.scan <max>, %max3A_535 masked %broadcast_in_dim3A_537 : vector<16xf32>, vector<16xi1> -> vector<16xf32>
      %swap3A_539 = arith.constant 0 : index
      %swap3A_540 = tpu.vector_load %arg18[%swap3A_539] {strides = array<i32>} : memref<16xf32, #tpu.memory_space<vmem>>, vector<16xf32>,
      tpu.vector_store %arg18[%swap3A_539], %masked_cummax3A_538 {strides = array<i32>} : memref<16xf32, #tpu.memory_space<vmem>>, vector<16xf32>,
      %gather3A_541 = tpu.vector_load_idx %arg18[%broadcast_in_dim3A_9] : memref<16xf32, #tpu.memory_space<vmem>>[vector<16xi32>], vector<16xf32>,
      %eq3A_542 = arith.cmpf oeq, %select_n3A_533, %gather3A_541 : vector<16xf32>
      %and3A_543 = arith.andi %and3A_476, %eq3A_542 : vector<16xi1>
      %select_n3A_544 = arith.select %and3A_543, %bitcast3A_372, %broadcast_in_dim3A_7 : vector<16xi1>, vector<16xi32>
      %eq3A_545 = arith.cmpf oeq, %select_n3A_534, %gather3A_541 : vector<16xf32>
      %and3A_546 = arith.andi %and3A_506, %eq3A_545 : vector<16xi1>
      %select_n3A_547 = arith.select %and3A_546, %bitcast3A_381, %broadcast_in_dim3A_7 : vector<16xi1>, vector<16xi32>
      %min3A_548 = arith.minsi %select_n3A_544, %select_n3A_547 : vector<16xi32>
      %neg3A_549 = arith.constant 0 : i32
      %neg3A_550 = vector.broadcast %neg3A_549 : i32 to vector<16xi32>
      %neg3A_551 = arith.subi %neg3A_550, %min3A_548 : vector<16xi32>
      %broadcast_in_dim3A_552 = arith.constant true
      %broadcast_in_dim3A_553 = vector.broadcast %broadcast_in_dim3A_552 : i1 to vector<16xi1>
      %masked_cummax3A_554 = arith.constant -2147483648 : i32
      %masked_cummax3A_555 = vector.broadcast %masked_cummax3A_554 : i32 to vector<16xi32>
      %masked_cummax3A_556 = arith.xori %neg3A_551, %masked_cummax3A_555 : vector<16xi32>
      %masked_cummax3A_557 = tpu.scan <max>, %masked_cummax3A_556 masked %broadcast_in_dim3A_553 : vector<16xi32>, vector<16xi1> -> vector<16xi32>
      %masked_cummax3A_558 = arith.xori %masked_cummax3A_557, %masked_cummax3A_555 : vector<16xi32>
      %swap3A_559 = arith.constant 0 : index
      %swap3A_560 = tpu.vector_load %arg19[%swap3A_559] {strides = array<i32>} : memref<16xi32, #tpu.memory_space<vmem>>, vector<16xi32>,
      tpu.vector_store %arg19[%swap3A_559], %masked_cummax3A_558 {strides = array<i32>} : memref<16xi32, #tpu.memory_space<vmem>>, vector<16xi32>,
      %gather3A_561 = tpu.vector_load_idx %arg19[%broadcast_in_dim3A_9] : memref<16xi32, #tpu.memory_space<vmem>>[vector<16xi32>], vector<16xi32>,
      %neg3A_562 = arith.constant 0 : i32
      %neg3A_563 = vector.broadcast %neg3A_562 : i32 to vector<16xi32>
      %neg3A_564 = arith.subi %neg3A_563, %gather3A_561 : vector<16xi32>
      %slice3A_565 = vector.extract_strided_slice %neg3A_532 {offsets = [0], sizes = [1], strides = [1]} : vector<16xi32> to vector<1xi32>
      %squeeze3A_566 = vector.extract %slice3A_565[0] : i32 from vector<1xi32>
      %gt3A_567 = arith.constant 0 : i32
      %gt3A_568 = arith.cmpi sgt, %squeeze3A_566, %gt3A_567 : i32
      %and3A_569 = arith.andi %gt3A_413, %gt3A_568 : i1
      %slice3A_570 = vector.extract_strided_slice %gather3A_541 {offsets = [0], sizes = [1], strides = [1]} : vector<16xf32> to vector<1xf32>
      %squeeze3A_571 = vector.extract %slice3A_570[0] : f32 from vector<1xf32>
      %gt3A_572 = arith.constant -5.000000e+29 : f32
      %gt3A_573 = arith.cmpf ogt, %squeeze3A_571, %gt3A_572 : f32
      %and3A_574 = arith.andi %and3A_569, %gt3A_573 : i1
      %jit3A_575 = arith.constant 1 : i32
      %jit3A_576 = arith.constant 0 : i32
      %select_n3A_577 = arith.select %and3A_574, %jit3A_575, %jit3A_576 : i32
      %add3A_578 = vector.broadcast %select_n3A_577 : i32 to vector<16xi32>
      %add3A_579 = arith.addi %broadcast_in_dim3A_1, %add3A_578 : vector<16xi32>
      %gt3A_580 = arith.constant 0 : i32
      %gt3A_581 = vector.broadcast %gt3A_580 : i32 to vector<16xi32>
      %gt3A_582 = arith.cmpi sgt, %add3A_579, %gt3A_581 : vector<16xi32>
      %jit3A_583 = arith.constant 0 : i32
      %jit3A_584 = arith.constant 20479 : i32
      %max3A_585 = vector.broadcast %jit3A_583 : i32 to vector<16xi32>
      %max3A_586 = arith.maxsi %max3A_585, %neg3A_564 : vector<16xi32>
      %min3A_587 = vector.broadcast %jit3A_584 : i32 to vector<16xi32>
      %min3A_588 = arith.minsi %min3A_587, %max3A_586 : vector<16xi32>
      %gather3A_589 = tpu.vector_load_idx %arg10[%min3A_588] : memref<20480xf32, #tpu.memory_space<vmem>>[vector<16xi32>], vector<16xf32>,
      %gather3A_590 = tpu.vector_load_idx %arg11[%min3A_588] : memref<20480xf32, #tpu.memory_space<vmem>>[vector<16xi32>], vector<16xf32>,
      %gather3A_591 = tpu.vector_load_idx %arg12[%min3A_588] : memref<20480xf32, #tpu.memory_space<vmem>>[vector<16xi32>], vector<16xf32>,
      %gather3A_592 = tpu.vector_load_idx %arg13[%min3A_588] : memref<20480xf32, #tpu.memory_space<vmem>>[vector<16xi32>], vector<16xf32>,
      %gather3A_593 = tpu.vector_load_idx %arg14[%min3A_588] : memref<20480xf32, #tpu.memory_space<vmem>>[vector<16xi32>], vector<16xf32>,
      %broadcast_in_dim3A_594 = arith.constant -5.000000e+00 : f32
      %broadcast_in_dim3A_595 = vector.broadcast %broadcast_in_dim3A_594 : f32 to vector<16xf32>
      %select_n3A_596 = arith.select %gt3A_582, %gather3A_589, %broadcast_in_dim3A_595 : vector<16xi1>, vector<16xf32>
      %select_n3A_597 = arith.select %gt3A_582, %gather3A_590, %broadcast_in_dim3A_595 : vector<16xi1>, vector<16xf32>
      %select_n3A_598 = arith.select %gt3A_582, %gather3A_591, %broadcast_in_dim3A_595 : vector<16xi1>, vector<16xf32>
      %select_n3A_599 = arith.select %gt3A_582, %gather3A_592, %broadcast_in_dim3A_595 : vector<16xi1>, vector<16xf32>
      %eq3A_600 = arith.constant 0 : i32
      %eq3A_601 = arith.cmpi eq, %arg0, %eq3A_600 : i32
      %eq3A_602 = arith.constant 0 : i32
      %eq3A_603 = arith.cmpi eq, %arg1, %eq3A_602 : i32
      %and3A_604 = arith.andi %eq3A_601, %eq3A_603 : i1
      %and3A_605 = arith.andi %and3A_604, %gt3A_413 : i1
      %lt3A_606 = arith.constant 300 : i32
      %lt3A_607 = arith.cmpi slt, %add3A_363, %lt3A_606 : i32
      %and3A_608 = arith.andi %and3A_605, %lt3A_607 : i1
      %convert_element_type3A_609 = arith.extui %and3A_608 : i1 to i32
      %cond3A_610 = arith.constant 0 : i32
      %cond3A_611 = arith.cmpi ne, %convert_element_type3A_609, %cond3A_610 : i32
      scf.if %cond3A_611 {
        %eq3A_645 = arith.constant 0 : i32
        %eq3A_646 = vector.broadcast %eq3A_645 : i32 to vector<16xi32>
        %eq3A_647 = arith.cmpi eq, %iota3A, %eq3A_646 : vector<16xi32>
        %select_n3A_648 = arith.select %eq3A_647, %gather3A_420, %broadcast_in_dim3A_3 : vector<16xi1>, vector<16xf32>
        %eq3A_649 = arith.constant 1 : i32
        %eq3A_650 = vector.broadcast %eq3A_649 : i32 to vector<16xi32>
        %eq3A_651 = arith.cmpi eq, %iota3A, %eq3A_650 : vector<16xi32>
        %select_n3A_652 = arith.select %eq3A_651, %gather3A_421, %select_n3A_648 : vector<16xi1>, vector<16xf32>
        %eq3A_653 = arith.constant 2 : i32
        %eq3A_654 = vector.broadcast %eq3A_653 : i32 to vector<16xi32>
        %eq3A_655 = arith.cmpi eq, %iota3A, %eq3A_654 : vector<16xi32>
        %select_n3A_656 = arith.select %eq3A_655, %gather3A_422, %select_n3A_652 : vector<16xi1>, vector<16xf32>
        %eq3A_657 = arith.constant 3 : i32
        %eq3A_658 = vector.broadcast %eq3A_657 : i32 to vector<16xi32>
        %eq3A_659 = arith.cmpi eq, %iota3A, %eq3A_658 : vector<16xi32>
        %select_n3A_660 = arith.select %eq3A_659, %gather3A_423, %select_n3A_656 : vector<16xi1>, vector<16xf32>
        %eq3A_661 = arith.constant 4 : i32
        %eq3A_662 = vector.broadcast %eq3A_661 : i32 to vector<16xi32>
        %eq3A_663 = arith.cmpi eq, %iota3A, %eq3A_662 : vector<16xi32>
        %select_n3A_664 = arith.select %eq3A_663, %gather3A_388, %select_n3A_660 : vector<16xi1>, vector<16xf32>
        %mul3A_665 = arith.constant 16 : i32
        %mul3A_666 = arith.muli %add3A_363, %mul3A_665 : i32
        %swap3A_667 = arith.index_cast %mul3A_666 : i32 to index
        %swap3A_668 = tpu.vector_load %arg20[%swap3A_667] {strides = array<i32>} : memref<4864xf32, #tpu.memory_space<vmem>>, vector<16xf32>,
        tpu.vector_store %arg20[%swap3A_667], %select_n3A_664 {strides = array<i32>} : memref<4864xf32, #tpu.memory_space<vmem>>, vector<16xf32>,
      } else {
      }
      %eq3A_612 = arith.constant 0 : i32
      %eq3A_613 = arith.cmpi eq, %arg0, %eq3A_612 : i32
      %eq3A_614 = arith.constant 0 : i32
      %eq3A_615 = arith.cmpi eq, %arg1, %eq3A_614 : i32
      %and3A_616 = arith.andi %eq3A_613, %eq3A_615 : i1
      %and3A_617 = arith.andi %and3A_616, %and3A_574 : i1
      %add3A_618 = arith.constant 1 : i32
      %add3A_619 = arith.addi %add3A_363, %add3A_618 : i32
      %lt3A_620 = arith.constant 300 : i32
      %lt3A_621 = arith.cmpi slt, %add3A_619, %lt3A_620 : i32
      %and3A_622 = arith.andi %and3A_617, %lt3A_621 : i1
      %convert_element_type3A_623 = arith.extui %and3A_622 : i1 to i32
      %cond3A_624 = arith.constant 0 : i32
      %cond3A_625 = arith.cmpi ne, %convert_element_type3A_623, %cond3A_624 : i32
      scf.if %cond3A_625 {
        %eq3A_645 = arith.constant 0 : i32
        %eq3A_646 = vector.broadcast %eq3A_645 : i32 to vector<16xi32>
        %eq3A_647 = arith.cmpi eq, %iota3A, %eq3A_646 : vector<16xi32>
        %select_n3A_648 = arith.select %eq3A_647, %select_n3A_596, %broadcast_in_dim3A_3 : vector<16xi1>, vector<16xf32>
        %eq3A_649 = arith.constant 1 : i32
        %eq3A_650 = vector.broadcast %eq3A_649 : i32 to vector<16xi32>
        %eq3A_651 = arith.cmpi eq, %iota3A, %eq3A_650 : vector<16xi32>
        %select_n3A_652 = arith.select %eq3A_651, %select_n3A_597, %select_n3A_648 : vector<16xi1>, vector<16xf32>
        %eq3A_653 = arith.constant 2 : i32
        %eq3A_654 = vector.broadcast %eq3A_653 : i32 to vector<16xi32>
        %eq3A_655 = arith.cmpi eq, %iota3A, %eq3A_654 : vector<16xi32>
        %select_n3A_656 = arith.select %eq3A_655, %select_n3A_598, %select_n3A_652 : vector<16xi1>, vector<16xf32>
        %eq3A_657 = arith.constant 3 : i32
        %eq3A_658 = vector.broadcast %eq3A_657 : i32 to vector<16xi32>
        %eq3A_659 = arith.cmpi eq, %iota3A, %eq3A_658 : vector<16xi32>
        %select_n3A_660 = arith.select %eq3A_659, %select_n3A_599, %select_n3A_656 : vector<16xi1>, vector<16xf32>
        %eq3A_661 = arith.constant 4 : i32
        %eq3A_662 = vector.broadcast %eq3A_661 : i32 to vector<16xi32>
        %eq3A_663 = arith.cmpi eq, %iota3A, %eq3A_662 : vector<16xi32>
        %select_n3A_664 = arith.select %eq3A_663, %gather3A_541, %select_n3A_660 : vector<16xi1>, vector<16xf32>
        %add3A_665 = arith.constant 1 : i32
        %add3A_666 = arith.addi %add3A_363, %add3A_665 : i32
        %mul3A_667 = arith.constant 16 : i32
        %mul3A_668 = arith.muli %add3A_666, %mul3A_667 : i32
        %swap3A_669 = arith.index_cast %mul3A_668 : i32 to index
        %swap3A_670 = tpu.vector_load %arg20[%swap3A_669] {strides = array<i32>} : memref<4864xf32, #tpu.memory_space<vmem>>, vector<16xf32>,
        tpu.vector_store %arg20[%swap3A_669], %select_n3A_664 {strides = array<i32>} : memref<4864xf32, #tpu.memory_space<vmem>>, vector<16xf32>,
      } else {
      }
      %convert_element_type3A_626 = arith.extui %gt3A_413 : i1 to i32
      %cond3A_627 = arith.constant 0 : i32
      %cond3A_628 = arith.cmpi ne, %convert_element_type3A_626, %cond3A_627 : i32
      scf.if %cond3A_628 {
        %broadcast_in_dim3A_645 = vector.broadcast %mul3A_0 : i32 to vector<16xi32>
        %sub3A_646 = arith.subi %neg3A_409, %broadcast_in_dim3A_645 : vector<16xi32>
        %ge3A = arith.constant 0 : i32
        %ge3A_647 = vector.broadcast %ge3A : i32 to vector<16xi32>
        %ge3A_648 = arith.cmpi sge, %sub3A_646, %ge3A_647 : vector<16xi32>
        %lt3A_649 = arith.constant 1280 : i32
        %lt3A_650 = vector.broadcast %lt3A_649 : i32 to vector<16xi32>
        %lt3A_651 = arith.cmpi slt, %sub3A_646, %lt3A_650 : vector<16xi32>
        %and3A_652 = arith.andi %ge3A_648, %lt3A_651 : vector<16xi1>
        %eq3A_653 = arith.constant 0 : i32
        %eq3A_654 = vector.broadcast %eq3A_653 : i32 to vector<16xi32>
        %eq3A_655 = arith.cmpi eq, %iota3A, %eq3A_654 : vector<16xi32>
        %and3A_656 = arith.andi %and3A_652, %eq3A_655 : vector<16xi1>
        %jit3A_657 = arith.constant 0 : i32
        %jit3A_658 = arith.constant 1279 : i32
        %max3A_659 = vector.broadcast %jit3A_657 : i32 to vector<16xi32>
        %max3A_660 = arith.maxsi %max3A_659, %sub3A_646 : vector<16xi32>
        %min3A_661 = vector.broadcast %jit3A_658 : i32 to vector<16xi32>
        %min3A_662 = arith.minsi %min3A_661, %max3A_660 : vector<16xi32>
        tpu.vector_store_idx %arg15[%min3A_662], %broadcast_in_dim3A_5 masked %and3A_656 : memref<1280xf32, #tpu.memory_space<vmem>>[vector<16xi32>], vector<16xf32>, vector<16xi1>
        %sub3A_663 = arith.subi %neg3A_564, %broadcast_in_dim3A_645 : vector<16xi32>
        %ge3A_664 = arith.constant 0 : i32
        %ge3A_665 = vector.broadcast %ge3A_664 : i32 to vector<16xi32>
        %ge3A_666 = arith.cmpi sge, %sub3A_663, %ge3A_665 : vector<16xi32>
        %lt3A_667 = arith.constant 1280 : i32
        %lt3A_668 = vector.broadcast %lt3A_667 : i32 to vector<16xi32>
        %lt3A_669 = arith.cmpi slt, %sub3A_663, %lt3A_668 : vector<16xi32>
        %and3A_670 = arith.andi %ge3A_666, %lt3A_669 : vector<16xi1>
        %eq3A_671 = arith.constant 0 : i32
        %eq3A_672 = vector.broadcast %eq3A_671 : i32 to vector<16xi32>
        %eq3A_673 = arith.cmpi eq, %iota3A, %eq3A_672 : vector<16xi32>
        %and3A_674 = arith.andi %and3A_670, %eq3A_673 : vector<16xi1>
        %and3A_675 = arith.andi %and3A_674, %gt3A_582 : vector<16xi1>
        %jit3A_676 = arith.constant 0 : i32
        %jit3A_677 = arith.constant 1279 : i32
        %max3A_678 = vector.broadcast %jit3A_676 : i32 to vector<16xi32>
        %max3A_679 = arith.maxsi %max3A_678, %sub3A_663 : vector<16xi32>
        %min3A_680 = vector.broadcast %jit3A_677 : i32 to vector<16xi32>
        %min3A_681 = arith.minsi %min3A_680, %max3A_679 : vector<16xi32>
        tpu.vector_store_idx %arg15[%min3A_681], %broadcast_in_dim3A_5 masked %and3A_675 : memref<1280xf32, #tpu.memory_space<vmem>>[vector<16xi32>], vector<16xf32>, vector<16xi1>
        %parallel_loop3A_682 = arith.constant 0 : i32
        %parallel_loop3A_683 = arith.constant 80 : i32
        %parallel_loop3A_684 = arith.constant 1 : i32
        %parallel_loop3A_685:4 = scf.for %parallel_loop3A_761 = %parallel_loop3A_682 to %parallel_loop3A_683 step %parallel_loop3A_684 iter_args(%parallel_loop3A_762 = %broadcast_in_dim3A_5, %parallel_loop3A_763 = %broadcast_in_dim3A_7, %parallel_loop3A_764 = %broadcast_in_dim3A_5, %parallel_loop3A_765 = %broadcast_in_dim3A_7) -> (vector<16xf32>, vector<16xi32>, vector<16xf32>, vector<16xi32>)  : i32 {
          %parallel_loop3A_766 = arith.constant 16 : i32
          %parallel_loop3A_767 = arith.muli %parallel_loop3A_761, %parallel_loop3A_766 : i32
          %parallel_loop3A_768 = arith.constant 16 : i32
          %parallel_loop3A_769 = arith.muli %parallel_loop3A_761, %parallel_loop3A_768 : i32
          %parallel_loop3A_770 = arith.addi %mul3A_0, %parallel_loop3A_769 : i32
          %parallel_loop3A_771 = arith.index_cast %parallel_loop3A_767 : i32 to index
          %parallel_loop3A_772 = tpu.vector_load %arg15[%parallel_loop3A_771] {strides = array<i32>} : memref<1280xf32, #tpu.memory_space<vmem>>, vector<16xf32>,
          %parallel_loop3A_773 = arith.index_cast %parallel_loop3A_770 : i32 to index
          %parallel_loop3A_774 = tpu.vector_load %arg10[%parallel_loop3A_773] {strides = array<i32>} : memref<20480xf32, #tpu.memory_space<vmem>>, vector<16xf32>,
          %parallel_loop3A_775 = arith.index_cast %parallel_loop3A_770 : i32 to index
          %parallel_loop3A_776 = tpu.vector_load %arg11[%parallel_loop3A_775] {strides = array<i32>} : memref<20480xf32, #tpu.memory_space<vmem>>, vector<16xf32>,
          %parallel_loop3A_777 = arith.index_cast %parallel_loop3A_770 : i32 to index
          %parallel_loop3A_778 = tpu.vector_load %arg12[%parallel_loop3A_777] {strides = array<i32>} : memref<20480xf32, #tpu.memory_space<vmem>>, vector<16xf32>,
          %parallel_loop3A_779 = arith.index_cast %parallel_loop3A_770 : i32 to index
          %parallel_loop3A_780 = tpu.vector_load %arg13[%parallel_loop3A_779] {strides = array<i32>} : memref<20480xf32, #tpu.memory_space<vmem>>, vector<16xf32>,
          %parallel_loop3A_781 = arith.index_cast %parallel_loop3A_770 : i32 to index
          %parallel_loop3A_782 = tpu.vector_load %arg14[%parallel_loop3A_781] {strides = array<i32>} : memref<20480xf32, #tpu.memory_space<vmem>>, vector<16xf32>,
          %parallel_loop3A_783 = arith.minimumf %parallel_loop3A_778, %gather3A_422 : vector<16xf32>
          %parallel_loop3A_784 = arith.maximumf %parallel_loop3A_774, %gather3A_420 : vector<16xf32>
          %parallel_loop3A_785 = arith.subf %parallel_loop3A_783, %parallel_loop3A_784 : vector<16xf32>
          %parallel_loop3A_786 = arith.constant 0.000000e+00 : f32
          %parallel_loop3A_787 = vector.broadcast %parallel_loop3A_786 : f32 to vector<16xf32>
          %parallel_loop3A_788 = arith.maximumf %parallel_loop3A_785, %parallel_loop3A_787 : vector<16xf32>
          %parallel_loop3A_789 = arith.minimumf %parallel_loop3A_780, %gather3A_423 : vector<16xf32>
          %parallel_loop3A_790 = arith.maximumf %parallel_loop3A_776, %gather3A_421 : vector<16xf32>
          %parallel_loop3A_791 = arith.subf %parallel_loop3A_789, %parallel_loop3A_790 : vector<16xf32>
          %parallel_loop3A_792 = arith.constant 0.000000e+00 : f32
          %parallel_loop3A_793 = vector.broadcast %parallel_loop3A_792 : f32 to vector<16xf32>
          %parallel_loop3A_794 = arith.maximumf %parallel_loop3A_791, %parallel_loop3A_793 : vector<16xf32>
          %parallel_loop3A_795 = arith.mulf %parallel_loop3A_788, %parallel_loop3A_794 : vector<16xf32>
          %parallel_loop3A_796 = arith.addf %parallel_loop3A_782, %gather3A_424 : vector<16xf32>
          %parallel_loop3A_797 = arith.subf %parallel_loop3A_796, %parallel_loop3A_795 : vector<16xf32>
          %parallel_loop3A_798 = arith.constant 9.99999993E-9 : f32
          %parallel_loop3A_799 = vector.broadcast %parallel_loop3A_798 : f32 to vector<16xf32>
          %parallel_loop3A_800 = arith.addf %parallel_loop3A_797, %parallel_loop3A_799 : vector<16xf32>
          %parallel_loop3A_801 = arith.divf %parallel_loop3A_795, %parallel_loop3A_800 : vector<16xf32>
          %parallel_loop3A_802 = arith.constant 5.000000e-01 : f32
          %parallel_loop3A_803 = vector.broadcast %parallel_loop3A_802 : f32 to vector<16xf32>
          %parallel_loop3A_804 = arith.cmpf ogt, %parallel_loop3A_801, %parallel_loop3A_803 : vector<16xf32>
          %parallel_loop3A_805 = arith.minimumf %parallel_loop3A_778, %select_n3A_598 : vector<16xf32>
          %parallel_loop3A_806 = arith.maximumf %parallel_loop3A_774, %select_n3A_596 : vector<16xf32>
          %parallel_loop3A_807 = arith.subf %parallel_loop3A_805, %parallel_loop3A_806 : vector<16xf32>
          %parallel_loop3A_808 = arith.constant 0.000000e+00 : f32
          %parallel_loop3A_809 = vector.broadcast %parallel_loop3A_808 : f32 to vector<16xf32>
          %parallel_loop3A_810 = arith.maximumf %parallel_loop3A_807, %parallel_loop3A_809 : vector<16xf32>
          %parallel_loop3A_811 = arith.minimumf %parallel_loop3A_780, %select_n3A_599 : vector<16xf32>
          %parallel_loop3A_812 = arith.maximumf %parallel_loop3A_776, %select_n3A_597 : vector<16xf32>
          %parallel_loop3A_813 = arith.subf %parallel_loop3A_811, %parallel_loop3A_812 : vector<16xf32>
          %parallel_loop3A_814 = arith.constant 0.000000e+00 : f32
          %parallel_loop3A_815 = vector.broadcast %parallel_loop3A_814 : f32 to vector<16xf32>
          %parallel_loop3A_816 = arith.maximumf %parallel_loop3A_813, %parallel_loop3A_815 : vector<16xf32>
          %parallel_loop3A_817 = arith.mulf %parallel_loop3A_810, %parallel_loop3A_816 : vector<16xf32>
          %parallel_loop3A_818 = arith.addf %parallel_loop3A_782, %gather3A_593 : vector<16xf32>
          %parallel_loop3A_819 = arith.subf %parallel_loop3A_818, %parallel_loop3A_817 : vector<16xf32>
          %parallel_loop3A_820 = arith.constant 9.99999993E-9 : f32
          %parallel_loop3A_821 = vector.broadcast %parallel_loop3A_820 : f32 to vector<16xf32>
          %parallel_loop3A_822 = arith.addf %parallel_loop3A_819, %parallel_loop3A_821 : vector<16xf32>
          %parallel_loop3A_823 = arith.divf %parallel_loop3A_817, %parallel_loop3A_822 : vector<16xf32>
          %parallel_loop3A_824 = arith.constant 5.000000e-01 : f32
          %parallel_loop3A_825 = vector.broadcast %parallel_loop3A_824 : f32 to vector<16xf32>
          %parallel_loop3A_826 = arith.cmpf ogt, %parallel_loop3A_823, %parallel_loop3A_825 : vector<16xf32>
          %parallel_loop3A_827 = arith.ori %parallel_loop3A_804, %parallel_loop3A_826 : vector<16xi1>
          %parallel_loop3A_828 = arith.select %parallel_loop3A_827, %broadcast_in_dim3A_5, %parallel_loop3A_772 : vector<16xi1>, vector<16xf32>
          %parallel_loop3A_829 = arith.index_cast %parallel_loop3A_767 : i32 to index
          %parallel_loop3A_830 = tpu.vector_load %arg15[%parallel_loop3A_829] {strides = array<i32>} : memref<1280xf32, #tpu.memory_space<vmem>>, vector<16xf32>,
          tpu.vector_store %arg15[%parallel_loop3A_829], %parallel_loop3A_828 {strides = array<i32>} : memref<1280xf32, #tpu.memory_space<vmem>>, vector<16xf32>,
          %parallel_loop3A_831 = arith.constant 16 : i32
          %parallel_loop3A_832 = arith.muli %parallel_loop3A_761, %parallel_loop3A_831 : i32
          %parallel_loop3A_833 = arith.addi %mul3A_0, %parallel_loop3A_832 : i32
          %parallel_loop3A_834 = vector.broadcast %parallel_loop3A_833 : i32 to vector<16xi32>
          %parallel_loop3A_835 = arith.addi %parallel_loop3A_834, %iota3A : vector<16xi32>
          %parallel_loop3A_836 = arith.cmpf ogt, %parallel_loop3A_828, %parallel_loop3A_762 : vector<16xf32>
          %parallel_loop3A_837 = arith.cmpf ogt, %parallel_loop3A_828, %parallel_loop3A_764 : vector<16xf32>
          %parallel_loop3A_838 = arith.select %parallel_loop3A_837, %parallel_loop3A_828, %parallel_loop3A_764 : vector<16xi1>, vector<16xf32>
          %parallel_loop3A_839 = arith.select %parallel_loop3A_836, %parallel_loop3A_762, %parallel_loop3A_838 : vector<16xi1>, vector<16xf32>
          %parallel_loop3A_840 = arith.select %parallel_loop3A_837, %parallel_loop3A_835, %parallel_loop3A_765 : vector<16xi1>, vector<16xi32>
          %parallel_loop3A_841 = arith.select %parallel_loop3A_836, %parallel_loop3A_763, %parallel_loop3A_840 : vector<16xi1>, vector<16xi32>
          %parallel_loop3A_842 = arith.select %parallel_loop3A_836, %parallel_loop3A_828, %parallel_loop3A_762 : vector<16xi1>, vector<16xf32>
          %parallel_loop3A_843 = arith.select %parallel_loop3A_836, %parallel_loop3A_835, %parallel_loop3A_763 : vector<16xi1>, vector<16xi32>
          scf.yield %parallel_loop3A_842, %parallel_loop3A_843, %parallel_loop3A_839, %parallel_loop3A_841 : vector<16xf32>, vector<16xi32>, vector<16xf32>, vector<16xi32>
        } {sc.loop_unroll_factor = 4 : i64, sc.parallel_access}
        %broadcast_in_dim3A_686 = arith.constant true
        %broadcast_in_dim3A_687 = vector.broadcast %broadcast_in_dim3A_686 : i1 to vector<16xi1>
        %masked_cummax3A_688 = tpu.scan <max>, %parallel_loop3A_685#0 masked %broadcast_in_dim3A_687 : vector<16xf32>, vector<16xi1> -> vector<16xf32>
        %swap3A_689 = arith.constant 0 : index
        %swap3A_690 = tpu.vector_load %arg18[%swap3A_689] {strides = array<i32>} : memref<16xf32, #tpu.memory_space<vmem>>, vector<16xf32>,
        tpu.vector_store %arg18[%swap3A_689], %masked_cummax3A_688 {strides = array<i32>} : memref<16xf32, #tpu.memory_space<vmem>>, vector<16xf32>,
        %gather3A_691 = tpu.vector_load_idx %arg18[%broadcast_in_dim3A_9] : memref<16xf32, #tpu.memory_space<vmem>>[vector<16xi32>], vector<16xf32>,
        %eq3A_692 = arith.cmpf oeq, %parallel_loop3A_685#0, %gather3A_691 : vector<16xf32>
        %select_n3A_693 = arith.select %eq3A_692, %parallel_loop3A_685#1, %broadcast_in_dim3A_7 : vector<16xi1>, vector<16xi32>
        %neg3A_694 = arith.constant 0 : i32
        %neg3A_695 = vector.broadcast %neg3A_694 : i32 to vector<16xi32>
        %neg3A_696 = arith.subi %neg3A_695, %select_n3A_693 : vector<16xi32>
        %broadcast_in_dim3A_697 = arith.constant true
        %broadcast_in_dim3A_698 = vector.broadcast %broadcast_in_dim3A_697 : i1 to vector<16xi1>
        %masked_cummax3A_699 = arith.constant -2147483648 : i32
        %masked_cummax3A_700 = vector.broadcast %masked_cummax3A_699 : i32 to vector<16xi32>
        %masked_cummax3A_701 = arith.xori %neg3A_696, %masked_cummax3A_700 : vector<16xi32>
        %masked_cummax3A_702 = tpu.scan <max>, %masked_cummax3A_701 masked %broadcast_in_dim3A_698 : vector<16xi32>, vector<16xi1> -> vector<16xi32>
        %masked_cummax3A_703 = arith.xori %masked_cummax3A_702, %masked_cummax3A_700 : vector<16xi32>
        %swap3A_704 = arith.constant 0 : index
        %swap3A_705 = tpu.vector_load %arg19[%swap3A_704] {strides = array<i32>} : memref<16xi32, #tpu.memory_space<vmem>>, vector<16xi32>,
        tpu.vector_store %arg19[%swap3A_704], %masked_cummax3A_703 {strides = array<i32>} : memref<16xi32, #tpu.memory_space<vmem>>, vector<16xi32>,
        %gather3A_706 = tpu.vector_load_idx %arg19[%broadcast_in_dim3A_9] : memref<16xi32, #tpu.memory_space<vmem>>[vector<16xi32>], vector<16xi32>,
        %neg3A_707 = arith.constant 0 : i32
        %neg3A_708 = vector.broadcast %neg3A_707 : i32 to vector<16xi32>
        %neg3A_709 = arith.subi %neg3A_708, %gather3A_706 : vector<16xi32>
        %eq3A_710 = arith.cmpf oeq, %parallel_loop3A_685#0, %gather3A_691 : vector<16xf32>
        %eq3A_711 = arith.cmpi eq, %parallel_loop3A_685#1, %neg3A_709 : vector<16xi32>
        %and3A_712 = arith.andi %eq3A_710, %eq3A_711 : vector<16xi1>
        %select_n3A_713 = arith.select %and3A_712, %parallel_loop3A_685#2, %parallel_loop3A_685#0 : vector<16xi1>, vector<16xf32>
        %select_n3A_714 = arith.select %and3A_712, %parallel_loop3A_685#3, %parallel_loop3A_685#1 : vector<16xi1>, vector<16xi32>
        %broadcast_in_dim3A_715 = arith.constant true
        %broadcast_in_dim3A_716 = vector.broadcast %broadcast_in_dim3A_715 : i1 to vector<16xi1>
        %masked_cummax3A_717 = tpu.scan <max>, %select_n3A_713 masked %broadcast_in_dim3A_716 : vector<16xf32>, vector<16xi1> -> vector<16xf32>
        %swap3A_718 = arith.constant 0 : index
        %swap3A_719 = tpu.vector_load %arg18[%swap3A_718] {strides = array<i32>} : memref<16xf32, #tpu.memory_space<vmem>>, vector<16xf32>,
        tpu.vector_store %arg18[%swap3A_718], %masked_cummax3A_717 {strides = array<i32>} : memref<16xf32, #tpu.memory_space<vmem>>, vector<16xf32>,
        %gather3A_720 = tpu.vector_load_idx %arg18[%broadcast_in_dim3A_9] : memref<16xf32, #tpu.memory_space<vmem>>[vector<16xi32>], vector<16xf32>,
        %eq3A_721 = arith.cmpf oeq, %select_n3A_713, %gather3A_720 : vector<16xf32>
        %select_n3A_722 = arith.select %eq3A_721, %select_n3A_714, %broadcast_in_dim3A_7 : vector<16xi1>, vector<16xi32>
        %neg3A_723 = arith.constant 0 : i32
        %neg3A_724 = vector.broadcast %neg3A_723 : i32 to vector<16xi32>
        %neg3A_725 = arith.subi %neg3A_724, %select_n3A_722 : vector<16xi32>
        %broadcast_in_dim3A_726 = arith.constant true
        %broadcast_in_dim3A_727 = vector.broadcast %broadcast_in_dim3A_726 : i1 to vector<16xi1>
        %masked_cummax3A_728 = arith.constant -2147483648 : i32
        %masked_cummax3A_729 = vector.broadcast %masked_cummax3A_728 : i32 to vector<16xi32>
        %masked_cummax3A_730 = arith.xori %neg3A_725, %masked_cummax3A_729 : vector<16xi32>
        %masked_cummax3A_731 = tpu.scan <max>, %masked_cummax3A_730 masked %broadcast_in_dim3A_727 : vector<16xi32>, vector<16xi1> -> vector<16xi32>
        %masked_cummax3A_732 = arith.xori %masked_cummax3A_731, %masked_cummax3A_729 : vector<16xi32>
        %swap3A_733 = arith.constant 0 : index
        %swap3A_734 = tpu.vector_load %arg19[%swap3A_733] {strides = array<i32>} : memref<16xi32, #tpu.memory_space<vmem>>, vector<16xi32>,
        tpu.vector_store %arg19[%swap3A_733], %masked_cummax3A_732 {strides = array<i32>} : memref<16xi32, #tpu.memory_space<vmem>>, vector<16xi32>,
        %gather3A_735 = tpu.vector_load_idx %arg19[%broadcast_in_dim3A_9] : memref<16xi32, #tpu.memory_space<vmem>>[vector<16xi32>], vector<16xi32>,
        %neg3A_736 = arith.constant 0 : i32
        %neg3A_737 = vector.broadcast %neg3A_736 : i32 to vector<16xi32>
        %neg3A_738 = arith.subi %neg3A_737, %gather3A_735 : vector<16xi32>
        %eq3A_739 = arith.constant 0 : i32
        %eq3A_740 = vector.broadcast %eq3A_739 : i32 to vector<16xi32>
        %eq3A_741 = arith.cmpi eq, %iota3A, %eq3A_740 : vector<16xi32>
        %select_n3A_742 = arith.select %eq3A_741, %gather3A_691, %broadcast_in_dim3A_3 : vector<16xi1>, vector<16xf32>
        %eq3A_743 = arith.constant 1 : i32
        %eq3A_744 = vector.broadcast %eq3A_743 : i32 to vector<16xi32>
        %eq3A_745 = arith.cmpi eq, %iota3A, %eq3A_744 : vector<16xi32>
        %bitcast3A_746 = vector.bitcast %neg3A_709 : vector<16xi32> to vector<16xf32>
        %select_n3A_747 = arith.select %eq3A_745, %bitcast3A_746, %select_n3A_742 : vector<16xi1>, vector<16xf32>
        %eq3A_748 = arith.constant 2 : i32
        %eq3A_749 = vector.broadcast %eq3A_748 : i32 to vector<16xi32>
        %eq3A_750 = arith.cmpi eq, %iota3A, %eq3A_749 : vector<16xi32>
        %select_n3A_751 = arith.select %eq3A_750, %gather3A_720, %select_n3A_747 : vector<16xi1>, vector<16xf32>
        %eq3A_752 = arith.constant 3 : i32
        %eq3A_753 = vector.broadcast %eq3A_752 : i32 to vector<16xi32>
        %eq3A_754 = arith.cmpi eq, %iota3A, %eq3A_753 : vector<16xi32>
        %bitcast3A_755 = vector.bitcast %neg3A_738 : vector<16xi32> to vector<16xf32>
        %select_n3A_756 = arith.select %eq3A_754, %bitcast3A_755, %select_n3A_751 : vector<16xi1>, vector<16xf32>
        %swap3A_757 = arith.constant 0 : index
        %swap3A_758 = tpu.vector_load %arg17[%swap3A_757] {strides = array<i32>} : memref<16xf32, #tpu.memory_space<vmem>>, vector<16xf32>,
        tpu.vector_store %arg17[%swap3A_757], %select_n3A_756 {strides = array<i32>} : memref<16xf32, #tpu.memory_space<vmem>>, vector<16xf32>,
        %mul3A_759 = arith.constant 16 : i32
        %mul3A_760 = arith.muli %arg1, %mul3A_759 : i32
        "tpu.region"() ({
          %run_scoped3A = tpu.sem_alloc : memref<!tpu.dma_semaphore, #tpu.memory_space<semaphore_mem>>
          %dma_start3A = tpu.memref_slice %arg8[%mul3A_760] : memref<256xf32, #tpu.memory_space<vmem_shared>> -> memref<16xf32, #tpu.memory_space<vmem_shared>>
          %dma_start3A_761 = tpu.memref_slice %arg8[%mul3A_760] : memref<256xf32, #tpu.memory_space<vmem_shared>> -> memref<16xf32, #tpu.memory_space<vmem_shared>>
          tpu.enqueue_dma source(%arg17 : memref<16xf32, #tpu.memory_space<vmem>>) target(%dma_start3A_761 : memref<16xf32, #tpu.memory_space<vmem_shared>>) target_semaphore(%run_scoped3A : memref<!tpu.dma_semaphore, #tpu.memory_space<semaphore_mem>>)
          %dma_wait3A = tpu.memref_slice %arg8[%mul3A_760] : memref<256xf32, #tpu.memory_space<vmem_shared>> -> memref<16xf32, #tpu.memory_space<vmem_shared>>
          %dma_wait3A_762 = tpu.memref_slice %arg8[%mul3A_760] : memref<256xf32, #tpu.memory_space<vmem_shared>> -> memref<16xf32, #tpu.memory_space<vmem_shared>>
          tpu.wait_dma2 semaphore(%run_scoped3A : memref<!tpu.dma_semaphore, #tpu.memory_space<semaphore_mem>>) src(%arg17 : memref<16xf32, #tpu.memory_space<vmem>>) dst(%dma_wait3A_762 : memref<16xf32, #tpu.memory_space<vmem_shared>>)
          tpu.yield
        }) : () -> ()
      } else {
      }
      %not3A_629 = arith.constant true
      %not3A_630 = arith.xori %gt3A_413, %not3A_629 : i1
      %convert_element_type3A_631 = arith.extui %not3A_630 : i1 to i32
      %cond3A_632 = arith.constant 0 : i32
      %cond3A_633 = arith.cmpi ne, %convert_element_type3A_631, %cond3A_632 : i32
      scf.if %cond3A_633 {
        %broadcast_in_dim3A_645 = arith.constant true
        %broadcast_in_dim3A_646 = vector.broadcast %broadcast_in_dim3A_645 : i1 to vector<16xi1>
        %masked_cummax3A_647 = tpu.scan <max>, %broadcast_in_dim3A_5 masked %broadcast_in_dim3A_646 : vector<16xf32>, vector<16xi1> -> vector<16xf32>
        %swap3A_648 = arith.constant 0 : index
        %swap3A_649 = tpu.vector_load %arg18[%swap3A_648] {strides = array<i32>} : memref<16xf32, #tpu.memory_space<vmem>>, vector<16xf32>,
        tpu.vector_store %arg18[%swap3A_648], %masked_cummax3A_647 {strides = array<i32>} : memref<16xf32, #tpu.memory_space<vmem>>, vector<16xf32>,
        %gather3A_650 = tpu.vector_load_idx %arg18[%broadcast_in_dim3A_9] : memref<16xf32, #tpu.memory_space<vmem>>[vector<16xi32>], vector<16xf32>,
        %eq3A_651 = arith.cmpf oeq, %broadcast_in_dim3A_5, %gather3A_650 : vector<16xf32>
        %select_n3A_652 = arith.select %eq3A_651, %broadcast_in_dim3A_7, %broadcast_in_dim3A_7 : vector<16xi1>, vector<16xi32>
        %neg3A_653 = arith.constant 0 : i32
        %neg3A_654 = vector.broadcast %neg3A_653 : i32 to vector<16xi32>
        %neg3A_655 = arith.subi %neg3A_654, %select_n3A_652 : vector<16xi32>
        %broadcast_in_dim3A_656 = arith.constant true
        %broadcast_in_dim3A_657 = vector.broadcast %broadcast_in_dim3A_656 : i1 to vector<16xi1>
        %masked_cummax3A_658 = arith.constant -2147483648 : i32
        %masked_cummax3A_659 = vector.broadcast %masked_cummax3A_658 : i32 to vector<16xi32>
        %masked_cummax3A_660 = arith.xori %neg3A_655, %masked_cummax3A_659 : vector<16xi32>
        %masked_cummax3A_661 = tpu.scan <max>, %masked_cummax3A_660 masked %broadcast_in_dim3A_657 : vector<16xi32>, vector<16xi1> -> vector<16xi32>
        %masked_cummax3A_662 = arith.xori %masked_cummax3A_661, %masked_cummax3A_659 : vector<16xi32>
        %swap3A_663 = arith.constant 0 : index
        %swap3A_664 = tpu.vector_load %arg19[%swap3A_663] {strides = array<i32>} : memref<16xi32, #tpu.memory_space<vmem>>, vector<16xi32>,
        tpu.vector_store %arg19[%swap3A_663], %masked_cummax3A_662 {strides = array<i32>} : memref<16xi32, #tpu.memory_space<vmem>>, vector<16xi32>,
        %gather3A_665 = tpu.vector_load_idx %arg19[%broadcast_in_dim3A_9] : memref<16xi32, #tpu.memory_space<vmem>>[vector<16xi32>], vector<16xi32>,
        %neg3A_666 = arith.constant 0 : i32
        %neg3A_667 = vector.broadcast %neg3A_666 : i32 to vector<16xi32>
        %neg3A_668 = arith.subi %neg3A_667, %gather3A_665 : vector<16xi32>
        %eq3A_669 = arith.cmpf oeq, %broadcast_in_dim3A_5, %gather3A_650 : vector<16xf32>
        %eq3A_670 = arith.cmpi eq, %broadcast_in_dim3A_7, %neg3A_668 : vector<16xi32>
        %and3A_671 = arith.andi %eq3A_669, %eq3A_670 : vector<16xi1>
        %select_n3A_672 = arith.select %and3A_671, %broadcast_in_dim3A_5, %broadcast_in_dim3A_5 : vector<16xi1>, vector<16xf32>
        %select_n3A_673 = arith.select %and3A_671, %broadcast_in_dim3A_7, %broadcast_in_dim3A_7 : vector<16xi1>, vector<16xi32>
        %broadcast_in_dim3A_674 = arith.constant true
        %broadcast_in_dim3A_675 = vector.broadcast %broadcast_in_dim3A_674 : i1 to vector<16xi1>
        %masked_cummax3A_676 = tpu.scan <max>, %select_n3A_672 masked %broadcast_in_dim3A_675 : vector<16xf32>, vector<16xi1> -> vector<16xf32>
        %swap3A_677 = arith.constant 0 : index
        %swap3A_678 = tpu.vector_load %arg18[%swap3A_677] {strides = array<i32>} : memref<16xf32, #tpu.memory_space<vmem>>, vector<16xf32>,
        tpu.vector_store %arg18[%swap3A_677], %masked_cummax3A_676 {strides = array<i32>} : memref<16xf32, #tpu.memory_space<vmem>>, vector<16xf32>,
        %gather3A_679 = tpu.vector_load_idx %arg18[%broadcast_in_dim3A_9] : memref<16xf32, #tpu.memory_space<vmem>>[vector<16xi32>], vector<16xf32>,
        %eq3A_680 = arith.cmpf oeq, %select_n3A_672, %gather3A_679 : vector<16xf32>
        %select_n3A_681 = arith.select %eq3A_680, %select_n3A_673, %broadcast_in_dim3A_7 : vector<16xi1>, vector<16xi32>
        %neg3A_682 = arith.constant 0 : i32
        %neg3A_683 = vector.broadcast %neg3A_682 : i32 to vector<16xi32>
        %neg3A_684 = arith.subi %neg3A_683, %select_n3A_681 : vector<16xi32>
        %broadcast_in_dim3A_685 = arith.constant true
        %broadcast_in_dim3A_686 = vector.broadcast %broadcast_in_dim3A_685 : i1 to vector<16xi1>
        %masked_cummax3A_687 = arith.constant -2147483648 : i32
        %masked_cummax3A_688 = vector.broadcast %masked_cummax3A_687 : i32 to vector<16xi32>
        %masked_cummax3A_689 = arith.xori %neg3A_684, %masked_cummax3A_688 : vector<16xi32>
        %masked_cummax3A_690 = tpu.scan <max>, %masked_cummax3A_689 masked %broadcast_in_dim3A_686 : vector<16xi32>, vector<16xi1> -> vector<16xi32>
        %masked_cummax3A_691 = arith.xori %masked_cummax3A_690, %masked_cummax3A_688 : vector<16xi32>
        %swap3A_692 = arith.constant 0 : index
        %swap3A_693 = tpu.vector_load %arg19[%swap3A_692] {strides = array<i32>} : memref<16xi32, #tpu.memory_space<vmem>>, vector<16xi32>,
        tpu.vector_store %arg19[%swap3A_692], %masked_cummax3A_691 {strides = array<i32>} : memref<16xi32, #tpu.memory_space<vmem>>, vector<16xi32>,
        %gather3A_694 = tpu.vector_load_idx %arg19[%broadcast_in_dim3A_9] : memref<16xi32, #tpu.memory_space<vmem>>[vector<16xi32>], vector<16xi32>,
        %neg3A_695 = arith.constant 0 : i32
        %neg3A_696 = vector.broadcast %neg3A_695 : i32 to vector<16xi32>
        %neg3A_697 = arith.subi %neg3A_696, %gather3A_694 : vector<16xi32>
        %eq3A_698 = arith.constant 0 : i32
        %eq3A_699 = vector.broadcast %eq3A_698 : i32 to vector<16xi32>
        %eq3A_700 = arith.cmpi eq, %iota3A, %eq3A_699 : vector<16xi32>
        %select_n3A_701 = arith.select %eq3A_700, %gather3A_650, %broadcast_in_dim3A_3 : vector<16xi1>, vector<16xf32>
        %eq3A_702 = arith.constant 1 : i32
        %eq3A_703 = vector.broadcast %eq3A_702 : i32 to vector<16xi32>
        %eq3A_704 = arith.cmpi eq, %iota3A, %eq3A_703 : vector<16xi32>
        %bitcast3A_705 = vector.bitcast %neg3A_668 : vector<16xi32> to vector<16xf32>
        %select_n3A_706 = arith.select %eq3A_704, %bitcast3A_705, %select_n3A_701 : vector<16xi1>, vector<16xf32>
        %eq3A_707 = arith.constant 2 : i32
        %eq3A_708 = vector.broadcast %eq3A_707 : i32 to vector<16xi32>
        %eq3A_709 = arith.cmpi eq, %iota3A, %eq3A_708 : vector<16xi32>
        %select_n3A_710 = arith.select %eq3A_709, %gather3A_679, %select_n3A_706 : vector<16xi1>, vector<16xf32>
        %eq3A_711 = arith.constant 3 : i32
        %eq3A_712 = vector.broadcast %eq3A_711 : i32 to vector<16xi32>
        %eq3A_713 = arith.cmpi eq, %iota3A, %eq3A_712 : vector<16xi32>
        %bitcast3A_714 = vector.bitcast %neg3A_697 : vector<16xi32> to vector<16xf32>
        %select_n3A_715 = arith.select %eq3A_713, %bitcast3A_714, %select_n3A_710 : vector<16xi1>, vector<16xf32>
        %swap3A_716 = arith.constant 0 : index
        %swap3A_717 = tpu.vector_load %arg17[%swap3A_716] {strides = array<i32>} : memref<16xf32, #tpu.memory_space<vmem>>, vector<16xf32>,
        tpu.vector_store %arg17[%swap3A_716], %select_n3A_715 {strides = array<i32>} : memref<16xf32, #tpu.memory_space<vmem>>, vector<16xf32>,
        %mul3A_718 = arith.constant 16 : i32
        %mul3A_719 = arith.muli %arg1, %mul3A_718 : i32
        "tpu.region"() ({
          %run_scoped3A = tpu.sem_alloc : memref<!tpu.dma_semaphore, #tpu.memory_space<semaphore_mem>>
          %dma_start3A = tpu.memref_slice %arg8[%mul3A_719] : memref<256xf32, #tpu.memory_space<vmem_shared>> -> memref<16xf32, #tpu.memory_space<vmem_shared>>
          %dma_start3A_720 = tpu.memref_slice %arg8[%mul3A_719] : memref<256xf32, #tpu.memory_space<vmem_shared>> -> memref<16xf32, #tpu.memory_space<vmem_shared>>
          tpu.enqueue_dma source(%arg17 : memref<16xf32, #tpu.memory_space<vmem>>) target(%dma_start3A_720 : memref<16xf32, #tpu.memory_space<vmem_shared>>) target_semaphore(%run_scoped3A : memref<!tpu.dma_semaphore, #tpu.memory_space<semaphore_mem>>)
          %dma_wait3A = tpu.memref_slice %arg8[%mul3A_719] : memref<256xf32, #tpu.memory_space<vmem_shared>> -> memref<16xf32, #tpu.memory_space<vmem_shared>>
          %dma_wait3A_721 = tpu.memref_slice %arg8[%mul3A_719] : memref<256xf32, #tpu.memory_space<vmem_shared>> -> memref<16xf32, #tpu.memory_space<vmem_shared>>
          tpu.wait_dma2 semaphore(%run_scoped3A : memref<!tpu.dma_semaphore, #tpu.memory_space<semaphore_mem>>) src(%arg17 : memref<16xf32, #tpu.memory_space<vmem>>) dst(%dma_wait3A_721 : memref<16xf32, #tpu.memory_space<vmem_shared>>)
          tpu.yield
        }) : () -> ()
      } else {
      }
      %barrier3A_634 = arith.constant 0 : index
      tpu.barrier barrier_id(%barrier3A_634)
      %jit3A_635 = arith.constant 1 : i32
      %jit3A_636 = arith.constant 0 : i32
      %select_n3A_637 = arith.select %gt3A_413, %jit3A_635, %jit3A_636 : i32
      %add3A_638 = arith.addi %add3A_363, %select_n3A_637 : i32
      %jit3A_639 = arith.constant 1 : i32
      %jit3A_640 = arith.constant 0 : i32
      %select_n3A_641 = arith.select %and3A_574, %jit3A_639, %jit3A_640 : i32
      %add3A_642 = arith.addi %add3A_638, %select_n3A_641 : i32
      %add3A_643 = arith.constant 1 : i32
      %add3A_644 = arith.addi %while3A_95, %add3A_643 : i32
      scf.yield %add3A_644, %add3A_642, %gt3A_413 : i32, i32, i1
    }
    %eq3A_89 = arith.constant 0 : i32
    %eq3A_90 = arith.cmpi eq, %arg0, %eq3A_89 : i32
    %eq3A_91 = arith.constant 0 : i32
    %eq3A_92 = arith.cmpi eq, %arg1, %eq3A_91 : i32
    %and3A_93 = arith.andi %eq3A_90, %eq3A_92 : i1
    %convert_element_type3A = arith.extui %and3A_93 : i1 to i32
    %cond3A = arith.constant 0 : i32
    %cond3A_94 = arith.cmpi ne, %convert_element_type3A, %cond3A : i32
    scf.if %cond3A_94 {
      "tpu.region"() ({
        %run_scoped3A = tpu.sem_alloc : memref<!tpu.dma_semaphore, #tpu.memory_space<semaphore_mem>>
        tpu.enqueue_dma source(%arg20 : memref<4864xf32, #tpu.memory_space<vmem>>) target(%arg7 : memref<4864xf32, #tpu.memory_space<hbm>>) target_semaphore(%run_scoped3A : memref<!tpu.dma_semaphore, #tpu.memory_space<semaphore_mem>>)
        tpu.wait_dma2 semaphore(%run_scoped3A : memref<!tpu.dma_semaphore, #tpu.memory_space<semaphore_mem>>) src(%arg20 : memref<4864xf32, #tpu.memory_space<vmem>>) dst(%arg7 : memref<4864xf32, #tpu.memory_space<hbm>>)
        tpu.yield
      }) : () -> ()
    } else {
    }
    return
  }
}

</mosaic_0001>

<sc_bundles>
// kernel: _run.3.cloned.1.call-start
scs
__scs_entry_jumppad:
0x0: {  	(pc) =	sbr.rel $0x88, $3  }
0x1: {  	(tag) =	ssettag $0x0;
	lr =	simm.s32 $0x1  }
0x2: {  	[smem:$0x3F9C] =	sst lr;
	_ =	strace $0xD0000000  }
0x3: {  	_ = 	snop  }
0x4: {  	_ = 	snop  }
0x5: {  	_ = 	snop  }
0x6: {  	_ = 	snop  }
0x7: {  	_ = 	snop  }
__scs_overlays_trampoline_lowered:
0x8: {  	[smem:$0x3FAB] =	sst s0  }
0x9: {  	[smem:$0x3FAC] =	sst s1  }
0xa: {  	[smem:$0x3FAD] =	sst s2  }
0xb: {  	[smem:$0x3FAE] =	sst s3  }
0xc: {  	[smem:$0x3FAF] =	sst s4  }
0xd: {  	[smem:$0x3FB0] =	sst s5  }
0xe: {  	[smem:$0x3FB1] =	sst s6  }
0xf: {  	[smem:$0x3FB2] =	sst s7  }
0x10: {  	[smem:$0x3FB3] =	sst s8  }
0x11: {  	[smem:$0x3FB4] =	sst s9;
	s0 =	simm.s32 @!p0 $0x0  }
0x12: {  	s1 =	sld [smem:$0x3F9A];
	s0 =	simm.s32 @p0 $0x1  }
0x13: {  	[smem:$0x3FB5] =	sst s0;
	s0 =	simm.s32 @!p1 $0x0  }
0x14: {  	s2 =	sld [smem:$0x3F99];
	s0 =	simm.s32 @p1 $0x1  }
0x15: {  	[smem:$0x3FB6] =	sst s0;
	s0 =	simm.s32 @!p2 $0x0  }
0x16: {  	s3 =	sld [smem:$0x3FDB];
	s0 =	simm.s32 @p2 $0x1  }
0x17: {  	s4 =	simm.s32 $0x1BF5;
	[smem:$0x3FB8] =	sst s0  }
0x18: {  	s0 =	sld [smem:$0x3F9B];
	_ =	swait.ge [sflag:s4], $0x0  }
0x19: {  	s7 =	sld [smem:$0x3F9C]  }
0x1a: {  	s8 =	sadd.s32 $0xFFFFE003, lr  }
0x1b: {  	s9 =	sadd.s32 $0xFFFFFEF7, lr;
	s5 =	simm.s32 $0xFFFFFFFF;
	p2 =	slt.u32 s8, $0xFFFFF086  }
0x1c: {  	p1 =	slt.u32 s9, $0xF7A;
	s5 =	simm.s32 @!p2 $0x0  }
0x1d: {  	s5 =	simm.s32 @p1 $0x1;
	p0 =	seq.s32 s7, s2  }
0x1e: {  	s7 =	smul.u32 @!p0 $0xF7A, s2;
	p2 =	seq.s32 @!p0 s5, $0x0  }
0x1f: {  	s9 =	smul.u32 $0xF7A, s1;
	s8 =	simm.s32 @!p0 $0x1BF5;
	p2 =	por !p2, p0  }
0x20: {  	[sflag:s8] =	ssyncset.s32 @!p0 $0xFFFFF086;
	s6 =	sadd.s32 @!p0 s3, s7;
	s7 =	simm.s32 @!p0 $0x108  }
0x21: {  	s3 =	sadd.s32 s3, s9;
	s6 =	sadd.s32 @!p0 $0x88, s6;
	s7 =	simm.s32 @p2 $0x1082  }
0x22: {  	[simem:s7], [sflag:s8] =	dma.local @!p0 [hbm:s6], $0xF7A  }
0x23: {  	s9 =	sor.u32 $0xD0000000, s2;
	s6 =	simm.s32 $0x108;
	_ =	swait.ge @!p0 [sflag:s8], $0x0  }
0x24: {  	s3 =	sadd.s32 $0x88, s3;
	s6 =	simm.s32 @!p1 $0x1082;
	[sflag:s4] =	ssyncset.s32 $0xFFFFF086  }
0x25: {  	[simem:s6], [sflag:s4] =	dma.local [hbm:s3], $0xF7A  }
0x26: {  	[smem:$0x3F9C] =	sst s1;
	(tag) =	ssettag s2;
	_ =	strace s9  }
0x27: {  	s1 =	sld [smem:$0x3FAC]  }
0x28: {  	s2 =	sld [smem:$0x3FAD]  }
0x29: {  	s4 =	sld [smem:$0x3FAF]  }
0x2a: {  	p0 =	seq.s32 s5, $0x0;
	s5 =	sld [smem:$0x3FB0]  }
0x2b: {  	s6 =	sld [smem:$0x3FB1]  }
0x2c: {  	s7 =	sld [smem:$0x3FB2]  }
0x2d: {  	s3 =	simm.s32 $0x108;
	s8 =	sld [smem:$0x3FB3]  }
0x2e: {  	s3 =	simm.s32 @!p0 $0x1082;
	s9 =	sld [smem:$0x3FB4]  }
0x2f: {  	lr =	sadd.s32 s0, s3;
	s0 =	sld [smem:$0x3FAB]  }
0x30: {  	s3 =	sld [smem:$0x3FAE]  }
0x31: {  	[smem:$0x3FB7] =	sst s10  }
0x32: {  	s10 =	sld [smem:$0x3FB5];
	_ =	sdelay $0x3  }
0x33: {  	p0 =	seq.s32 s10, $0x1;
	s10 =	sld [smem:$0x3FB7];
	_ =	sdelay $0x3  }
0x34: {  	[smem:$0x3FB7] =	sst s10  }
0x35: {  	s10 =	sld [smem:$0x3FB6];
	_ =	sdelay $0x3  }
0x36: {  	p1 =	seq.s32 s10, $0x1;
	s10 =	sld [smem:$0x3FB7];
	_ =	sdelay $0x3  }
0x37: {  	[smem:$0x3FB7] =	sst s10  }
0x38: {  	s10 =	sld [smem:$0x3FB8]  }
0x39: {  	_ = 	snop;
	(pc) =	sbr.ind lr, $3  }
0x3a: {  	_ = 	snop  }
0x3b: {  	_ = 	snop  }
0x3c: {  	p2 =	seq.s32 s10, $0x1;
	s10 =	sld [smem:$0x3FB7]  }
0x3d: {  	_ =	shalt  }
0x3e: {  	_ =	shalt  }
0x3f: {  	_ =	shalt  }
0x40: {  	_ =	shalt  }
0x41: {  	_ =	shalt  }
0x42: {  	_ =	shalt  }
0x43: {  	_ =	shalt  }
0x44: {  	_ =	shalt  }
0x45: {  	_ =	shalt  }
0x46: {  	_ =	shalt  }
0x47: {  	_ =	shalt  }
0x48: {  	_ =	shalt  }
0x49: {  	_ =	shalt  }
0x4a: {  	_ =	shalt  }
0x4b: {  	_ =	shalt  }
0x4c: {  	_ =	shalt  }
0x4d: {  	_ =	shalt  }
0x4e: {  	_ =	shalt  }
0x4f: {  	_ =	shalt  }
0x50: {  	_ =	shalt  }
0x51: {  	_ =	shalt  }
0x52: {  	_ =	shalt  }
0x53: {  	_ =	shalt  }
0x54: {  	_ =	shalt  }
0x55: {  	_ =	shalt  }
0x56: {  	_ =	shalt  }
0x57: {  	_ =	shalt  }
0x58: {  	_ =	shalt  }
0x59: {  	_ =	shalt  }
0x5a: {  	_ =	shalt  }
0x5b: {  	_ =	shalt  }
0x5c: {  	_ =	shalt  }
0x5d: {  	_ =	shalt  }
0x5e: {  	_ =	shalt  }
0x5f: {  	_ =	shalt  }
0x60: {  	_ =	shalt  }
0x61: {  	_ =	shalt  }
0x62: {  	_ =	shalt  }
0x63: {  	_ =	shalt  }
0x64: {  	_ =	shalt  }
0x65: {  	_ =	shalt  }
0x66: {  	_ =	shalt  }
0x67: {  	_ =	shalt  }
0x68: {  	_ =	shalt  }
0x69: {  	_ =	shalt  }
0x6a: {  	_ =	shalt  }
0x6b: {  	_ =	shalt  }
0x6c: {  	_ =	shalt  }
0x6d: {  	_ =	shalt  }
0x6e: {  	_ =	shalt  }
0x6f: {  	_ =	shalt  }
0x70: {  	_ =	shalt  }
0x71: {  	_ =	shalt  }
0x72: {  	_ =	shalt  }
0x73: {  	_ =	shalt  }
0x74: {  	_ =	shalt  }
0x75: {  	_ =	shalt  }
0x76: {  	_ =	shalt  }
0x77: {  	_ =	shalt  }
0x78: {  	_ =	shalt  }
0x79: {  	_ =	shalt  }
0x7a: {  	_ =	shalt  }
0x7b: {  	_ =	shalt  }
0x7c: {  	_ =	shalt  }
0x7d: {  	_ =	shalt  }
0x7e: {  	_ =	shalt  }
0x7f: {  	_ =	shalt  }
0x80: {  	_ =	shalt  }
0x81: {  	_ =	shalt  }
0x82: {  	_ =	shalt  }
0x83: {  	_ =	shalt  }
0x84: {  	_ =	shalt  }
0x85: {  	_ =	shalt  }
0x86: {  	_ =	shalt  }
0x87: {  	_ =	shalt  }
.Lfunc_end0:
.L_simem_size_0:
called_computation_lowered:
.L_overlay_start_0:
0x88: {  	s2 =	sld [smem:$0x3FD9]  }
0x89: {  	s3 =	sld [smem:$0x3FFE];
	_ =	sdelay $0x1  }
0x8a: {  	s1 =	srdreg.scid  }
0x8b: {  	s0 =	sand.u32 $0x1, s1  }
0x8c: {  	s18 =	sshll.u32 s0, $0xA;
	s2 =	sadd.s32 s3, s2  }
0x8d: {  	s2 =	sadd.s32 s2, s18  }
0x8e: {  	[smem:$0x3FC3] =	sst s2  }
0x8f: {  	_ = 	snop  }
0x90: {  	s2 =	sld [smem:$0x3FC9]  }
0x91: {  	s19 =	sld [smem:$0x3FC8]  }
0x92: {  	s4 =	sld [smem:$0x3FC7]  }
0x93: {  	s5 =	sld [smem:$0x3FC6]  }
0x94: {  	s6 =	sld [smem:$0x3FC5]  }
0x95: {  	s7 =	sld [smem:$0x3FD0];
	(tm) =	ssettm $0x1  }
0x96: {  	s8 =	sld [smem:$0x3FFB];
	_ =	sdelay $0x3  }
0x97: {  	_ =	strace s8  }
0x98: {  	s8 =	sld [smem:$0x3FFC];
	_ =	sdelay $0x3  }
0x99: {  	_ =	strace s8  }
0x9a: {  	s8 =	sld [smem:$0x3FFD];
	_ =	sdelay $0x3  }
0x9b: {  	_ =	strace s8  }
0x9c: {  	_ =	strace $0x8FFFFFFF  }
0x9d: {  	s20 =	sld [smem:$0x3FDB];
	_ =	sdelay $0x1  }
0x9e: {  	s9 =	simm.s32 $_scs_section_size  }
0x9f: {  	s10 =	simm.s32 $_size__tile_overlayer_lowered;
	s11 =	simm.s32 $_tile_overlayer_lowered  }
0xa0: {  	s23 =	simm.s32 $0x1BFF;
	s22 =	sshll.u32 s11, $0x1;
	s8 =	sadd.s32 s9, s20  }
0xa1: {  	s12 =	simm.s32 $0x0;
	s21 =	sshll.u32 s10, $0x1;
	s10 =	sadd.s32 s22, s8  }
0xa2: {  	[timem:s12], [sflag:s23] =	dma.local [hbm:s10], s21  }
0xa3: {  	_ =	swait.ge [sflag:s23], s21  }
0xa4: {  	s9 =	ssub.s32 $0x0, s21;
	[sflag:s23] =	ssyncset.done $0x0  }
0xa5: {  	[sflag:s23] =	ssyncadd.s32 s9;
	_ =	sdelay $0x1  }
0xa6: {  	s24 =	simm.s32 $0x1B8B  }
0xa7: {  	_ =	swait.ge [sflag:s24], $0x1  }
0xa8: {  	[sflag:s24] =	ssyncset.done $0x0  }
0xa9: {  	s25 =	simm.s32 $0x1B8E;
	[sflag:s24] =	ssyncadd.s32 $0xFFFFFFFF  }
0xaa: {  	s26 =	simm.s32 $execute0_lowered;
	[smem:$0x3FD2] =	sst s25  }
0xab: {  	s9 =	sshll.u32 s26, $0x1;
	_ =	strace $0x80000046;
	[dreg:$0x1] =	wrdreg $0xFFFFFFFF  }
0xac: {  	s28 =	simm.s32 $_size_execute0_lowered;
	s8 =	sadd.s32 s8, s9;
	[dreg:$0x0] =	wrdreg $0x0  }
0xad: {  	s9 =	sshll.u32 s28, $0x1;
	[dreg:$0x2] =	wrdreg s8  }
0xae: {  	[dreg:$0x3] =	wrdreg s9  }
0xaf: {  	[dreg:$0x4] =	wrdreg $0xC0  }
0xb0: {  	_ =	task [dreg:s12], $0x5FFFF  }
0xb1: {  	[dreg:$0x1] =	wrdreg $0xFFFFFFFF  }
0xb2: {  	[dreg:$0x0] =	wrdreg $0x60  }
0xb3: {  	[dreg:$0x2] =	wrdreg s2  }
0xb4: {  	[dreg:$0x3] =	wrdreg s19  }
0xb5: {  	[dreg:$0x4] =	wrdreg s4  }
0xb6: {  	[dreg:$0x5] =	wrdreg s5  }
0xb7: {  	[dreg:$0x6] =	wrdreg s6  }
0xb8: {  	[dreg:$0x7] =	wrdreg s7  }
0xb9: {  	[dreg:$0x8] =	wrdreg $0x0  }
0xba: {  	[dreg:$0x9] =	wrdreg $0x100  }
0xbb: {  	[dreg:$0xa] =	wrdreg $0x9  }
0xbc: {  	_ =	task.clear_ibuf [dreg:s12], $0xBFFFF;
	_ =	strace $0x90000046  }
0xbd: {  	s29 =	simm.s32 $0x9;
	_ =	strace $0x80000048  }
0xbe: {  	_ =	swait.ge [sflag:s29], $0x1  }
0xbf: {  	[sflag:s29] =	ssyncadd.s32 $0xFFFFFFFF  }
0xc0: {  	_ =	strace $0x90000048  }
0xc1: {  	_ =	sfence  }
0xc2: {  	s30 =	sld [smem:$0x0];
	_ =	sdelay $0x2  }
0xc3: {  	s31 =	sshll.u32 s1, $0xD;
	s1 =	sshrl.u32 s1, $0x2  }
0xc4: {  	s3 =	sand.u32 $0x4000, s31;
	s1 =	sadd.s32 s1, s30  }
0xc5: {  	s0 =	sor.u32 s3, s0;
	s1 =	sshll.u32 s1, $0x11  }
0xc6: {  	s0 =	sor.u32 s1, s0  }
0xc7: {  	s0 =	sadd.s32 $0x8F2B, s0  }
0xc8: {  	[sflag:s0] =	ssyncadd.remote.s32 $0x1  }
0xc9: {  	_ =	sfence.sel $0xFFFF  }
0xca: {  	[dreg:$0x0] =	wrdreg $0xFFFFFFFF;
	(pc) =	sbr.abs _section_cstart, $3  }
0xcb: {  	[dreg:$0x1] =	wrdreg $0xFFFFFFFF  }
0xcc: {  	_ =	task.clear_ibuf [dreg:s12], $0x2FFFF;
	_ =	strace $0x9FFFFFFF  }
0xcd: {  	(tm) =	ssettm $0x7FFFFFFF  }
tec
execute0_lowered:
.L_overlay_start_1:
0x0: {  	(tag) =	ssettag $0x1  }
0x1: {  	s0 =	rddreg [dreg:$0x4]  }
0x2: {  	s6 =	rddreg [dreg:$0x6]  }
0x3: {  	s7 =	rddreg [dreg:$0x7];
	s1 =	simm.s32 $0x0  }
0x4: {  	s28 =	srdreg.scid;
	[smem:$0x7FF] =	sst s1  }
0x5: {  	v0 =	vimm.f32 $-1.000000020e+30;
	s5 =	stileid.u32;
	s15 =	simm.s32 $0x20;
	_ =	strace $0x80000047  }
0x6: {  	s16 =	simm.s32 $0x1;
	s17 =	simm.s32 $0x5020;
	s18 =	simm.s32 $0xA020;
	(xrf0) =	vmax.scan.msk.f32 $0xffff, v0;
	v0 =	vimm.s32 $0x40000000  }
0x7: {  	s19 =	simm.s32 $0xF020;
	s20 =	simm.s32 $0x19020;
	s21 =	simm.s32 $0x196A0;
	(xrf0) =	vmax.scan.msk.u32 $0xffff, v0  }
0x8: {  	s22 =	simm.s32 $0x19720;
	s23 =	simm.s32 $0x19620;
	s24 =	simm.s32 $0x19520  }
0x9: {  	s25 =	simm.s32 $0x14020;
	s1 =	sand.u32 $0x1, s28;
	s10 =	smul.u32 $0x500, s5  }
.Ltmp0:
0xa: {  	s4 =	sshll.u32 s5, $0x4;
	s2 =	ssub.s32 $0x2, s1;
	(pc) =	sbr.rel .LBB2_1-.Ltmp0, $4  }
0xb: {  	v3 =	vlaneseq.u32;
	s12 =	sadd.s32 s4, s6;
	s3 =	sshrl.u32 s2, $0x1;
	s29 =	sshrl.u32 s10, $0x3  }
0xc: {  	v4 =	vimm.s32 $0xF;
	vm0 =	vcmask $0x310;
	vm1 =	vcmask $0x710;
	s30 =	sor.u32 s5, s1;
	s2 =	ssub.s32 s2, s3;
	s0 =	sadd.s32 s0, s29;
	v0, _, _ =	vpop (xrf0)  }
0xd: {  	vm2 =	vcmask $0xB10;
	v5 =	vimm.f32 $0.0e+00;
	v6 =	vimm.s32 $0x0;
	s13 =	sadd.s32 s4, s7;
	[dreg:$0x9] =	wrdreg s0;
	s31 =	smax.u32 s2, $0x1;
	v1, _, _ =	vpop (xrf0)  }
0xe: {  	vm3 =	vmxor vm3, vm3;
	v2 =	vmov s10;
	p0 =	sne.s32 s30, $0x0;
	s2 =	simm.s32 $0x0;
	[dreg:$0xa] =	wrdreg s31;
	v1 =	vxor.u32 $0x80000000, v1  }
.LBB2_19:
0xf: {  	s0 =	simm.s32 @!p0 $0x0;
	s1 =	simm.s32 @!p0 $0x197A0;
	s2 =	rddreg [dreg:$0x5]  }
0x10: {  	[hbm4b:s2+s0] =	stream.linear.scatter @!p0 [tilespmem:s1], [sflag:$0x1], $0x1300, $0x38;
	[tilespmem:$0x1AAA0] =	vst v63  }
0x11: {  	s0 =	simm.s32 @!p0 $0x1  }
0x12: {  	_ =	swait.ge @!p0 [sflag:s0], $0x1300  }
0x13: {  	s30 =	rddreg [dreg:$0xb]  }
0x14: {  	s31 =	rddreg [dreg:$0xa];
	s2 =	sadd.s32 $0x1, s30  }
0x15: {  	p1 =	sne.s32 s2, s31  }
.Ltmp1:
0x16: {  	_ = 	snop;
	(pc) =	sbr.rel @!p1 .LBB2_20-.Ltmp1, $3  }
0x17: {  	_ =	sdelay $0x1  }
0x18: {  	[sflag:s0] =	ssyncset.done @!p0 $0x0  }
0x19: {  	[sflag:s0] =	ssyncadd.s32 @!p0 $0xFFFFED00  }
.LBB2_1:
0x1a: {  	[dreg:$0xb] =	wrdreg s2  }
0x1b: {  	s0 =	rddreg [dreg:$0x0];
	s1 =	simm.s32 $0x0  }
0x1c: {  	[tilespmem:s15], [sflag:$0x1] =	stream.linear.gather [hbm4b:s0+s1], $0x5000, $0x38;
	[tilespmem:$0x1AAA0] =	vst v63  }
0x1d: {  	_ =	swait.ge [sflag:s16], $0x5000  }
0x1e: {  	[sflag:s16] =	ssyncset.done $0x0  }
0x1f: {  	[sflag:s16] =	ssyncadd.s32 $0xFFFFB000  }
0x20: {  	s8 =	rddreg [dreg:$0x1]  }
0x21: {  	[tilespmem:s17], [sflag:$0x1] =	stream.linear.gather [hbm4b:s8+s1], $0x5000, $0x38;
	[tilespmem:$0x1AAA0] =	vst v63  }
0x22: {  	_ =	swait.ge [sflag:s16], $0x5000  }
0x23: {  	[sflag:s16] =	ssyncset.done $0x0  }
0x24: {  	[sflag:s16] =	ssyncadd.s32 $0xFFFFB000  }
0x25: {  	s9 =	rddreg [dreg:$0x2]  }
0x26: {  	[tilespmem:s18], [sflag:$0x1] =	stream.linear.gather [hbm4b:s9+s1], $0x5000, $0x38;
	[tilespmem:$0x1AAA0] =	vst v63  }
0x27: {  	_ =	swait.ge [sflag:s16], $0x5000  }
0x28: {  	[sflag:s16] =	ssyncset.done $0x0  }
0x29: {  	[sflag:s16] =	ssyncadd.s32 $0xFFFFB000  }
0x2a: {  	s11 =	rddreg [dreg:$0x3]  }
0x2b: {  	[tilespmem:s19], [sflag:$0x1] =	stream.linear.gather [hbm4b:s11+s1], $0x5000, $0x38;
	[tilespmem:$0x1AAA0] =	vst v63  }
0x2c: {  	_ =	swait.ge [sflag:s16], $0x5000  }
0x2d: {  	[sflag:s16] =	ssyncset.done $0x0  }
0x2e: {  	s14 =	rddreg [dreg:$0x9];
	[sflag:s16] =	ssyncadd.s32 $0xFFFFB000  }
0x2f: {  	[tilespmem:s20], [sflag:$0x1] =	stream.linear.gather [hbm4b:s14+s1], $0x500, $0x38;
	[tilespmem:$0x1AAA0] =	vst v63  }
0x30: {  	_ =	swait.ge [sflag:s16], $0x500  }
0x31: {  	[sflag:s16] =	ssyncset.done $0x0  }
0x32: {  	s26 =	simm.s32 $0xA060;
	[sflag:s16] =	ssyncadd.s32 $0xFFFFFB00  }
0x33: {  	s3 =	simm.s32 $0x60;
	v7 =	vld [tilespmem:s26+$0xFFFFFFC0]  }
0x34: {  	v8 =	vld [tilespmem:s3+$0x20]  }
0x35: {  	v9 =	vld [tilespmem:s26+$0x20]  }
0x36: {  	v10 =	vld [tilespmem:s3+$0x30]  }
0x37: {  	v11 =	vld [tilespmem:s26+$0x30]  }
0x38: {  	v12 =	vld [tilespmem:s3+$0x10]  }
0x39: {  	v13 =	vld [tilespmem:s26+$0x10]  }
0x3a: {  	v14 =	vld [tilespmem:s26+$0xFFFFFFF0]  }
0x3b: {  	v15 =	vld [tilespmem:s3+$0x0]  }
0x3c: {  	v16 =	vld [tilespmem:s3+$0xFFFFFFF0]  }
0x3d: {  	v17 =	vld [tilespmem:s3+$0xFFFFFFD0]  }
0x3e: {  	v20 =	vld [tilespmem:s26+$0xFFFFFFD0]  }
0x3f: {  	v18 =	vld [tilespmem:s26+$0x0];
	v19 =	vmin.f32 v10, v11  }
0x40: {  	v25 =	vld [tilespmem:s3+$0xFFFFFFC0];
	v21 =	vmin.f32 v12, v13;
	[tilespmem:s3+$0x30] =	vst v19  }
0x41: {  	v23 =	vmin.f32 v16, v14;
	[tilespmem:s3+$0x10] =	vst v21  }
0x42: {  	v24 =	vmin.f32 v8, v9;
	[tilespmem:s3+$0xFFFFFFF0] =	vst v23  }
0x43: {  	v8 =	vmax.f32 v8, v9;
	v9 =	vmin.f32 v17, v20;
	[tilespmem:s3+$0x20] =	vst v24  }
0x44: {  	v26 =	vmin.f32 v15, v18;
	[tilespmem:s3+$0xFFFFFFD0] =	vst v9  }
0x45: {  	v22 =	vld [tilespmem:s3+$0xFFFFFFE0];
	v30 =	vmin.f32 v25, v7;
	[tilespmem:s3+$0x0] =	vst v26  }
0x46: {  	v12 =	vmax.f32 v12, v13;
	v13 =	vld [tilespmem:s26+$0xFFFFFFE0];
	[tilespmem:s3+$0xFFFFFFC0] =	vst v30  }
0x47: {  	s0 =	simm.s32 $0xF060;
	[tilespmem:s26+$0x10] =	vst v12  }
0x48: {  	s1 =	simm.s32 $0x5060;
	v25 =	vmax.f32 v25, v7;
	[tilespmem:s26+$0x20] =	vst v8;
	v27 =	vld [tilespmem:s0+$0x10]  }
0x49: {  	v14 =	vmax.f32 v16, v14;
	[tilespmem:s26+$0xFFFFFFC0] =	vst v25;
	v29 =	vld [tilespmem:s1+$0x10]  }
0x4a: {  	v7 =	vmax.f32 v10, v11;
	[tilespmem:s26+$0xFFFFFFF0] =	vst v14;
	v16 =	vld [tilespmem:s1+$0x20]  }
0x4b: {  	[tilespmem:s26+$0x30] =	vst v7;
	v31 =	vld [tilespmem:s0+$0x20];
	v28 =	vmin.f32 v22, v13  }
0x4c: {  	v10 =	vld [tilespmem:s1+$0xFFFFFFF0];
	v13 =	vmax.f32 v22, v13;
	[tilespmem:s3+$0xFFFFFFE0] =	vst v28  }
0x4d: {  	v15 =	vmax.f32 v15, v18;
	v60 =	vld [tilespmem:s1+$0xFFFFFFC0];
	[tilespmem:s26+$0xFFFFFFE0] =	vst v13  }
0x4e: {  	v17 =	vmax.f32 v17, v20;
	[tilespmem:s26+$0x0] =	vst v15;
	v11 =	vld [tilespmem:s0+$0xFFFFFFE0]  }
0x4f: {  	[tilespmem:s26+$0xFFFFFFD0] =	vst v17;
	v22 =	vmin.f32 v29, v27;
	v27 =	vmax.f32 v29, v27;
	v18 =	vld [tilespmem:s1+$0xFFFFFFE0]  }
0x50: {  	v12 =	vsub.f32 v12, v21;
	v21 =	vld [tilespmem:s0+$0xFFFFFFF0];
	v61 =	vmin.f32 v16, v31;
	[tilespmem:s1+$0x10] =	vst v22;
	v20 =	vsub.f32 v27, v22  }
0x51: {  	v14 =	vsub.f32 v14, v23;
	v23 =	vld [tilespmem:s0+$0xFFFFFFD0];
	[tilespmem:s1+$0x20] =	vst v61  }
0x52: {  	v16 =	vmax.f32 v16, v31;
	v22 =	vld [tilespmem:s0+$0xFFFFFFC0];
	[tilespmem:s0+$0x10] =	vst v27;
	v12 =	vmul.f32 v20, v12  }
0x53: {  	s2 =	simm.s32 $0x14060;
	v9 =	vsub.f32 v17, v9;
	v7 =	vsub.f32 v7, v19;
	v62 =	vld [tilespmem:s0+$0x30];
	[tilespmem:s0+$0x20] =	vst v16  }
0x54: {  	v19 =	vsub.f32 v8, v24;
	v8 =	vsub.f32 v15, v26;
	v20 =	vld [tilespmem:s1+$0x30];
	v15 =	vmin.f32 v18, v11;
	[tilespmem:s2+$0x10] =	vst v12  }
0x55: {  	v12 =	vsub.f32 v16, v61;
	v11 =	vmax.f32 v18, v11;
	v18 =	vld [tilespmem:s1+$0xFFFFFFD0];
	v16 =	vmin.f32 v10, v21;
	[tilespmem:s1+$0xFFFFFFE0] =	vst v15  }
0x56: {  	v13 =	vsub.f32 v13, v28;
	v17 =	vmax.f32 v10, v21;
	v15 =	vsub.f32 v11, v15;
	[tilespmem:s1+$0xFFFFFFF0] =	vst v16  }
0x57: {  	v21 =	vmin.f32 v60, v22;
	v22 =	vmax.f32 v60, v22;
	v63 =	vsub.f32 v17, v16;
	v16 =	vld [tilespmem:s0+$0x0];
	[tilespmem:s0+$0xFFFFFFE0] =	vst v11  }
0x58: {  	s4 =	simm.s32 $0x0;
	v10 =	vsub.f32 v25, v30;
	v11 =	vsub.f32 v22, v21;
	v12 =	vmul.f32 v12, v19;
	[tilespmem:s0+$0xFFFFFFF0] =	vst v17;
	v17 =	vld [tilespmem:s1+$0x0]  }
0x59: {  	s29 =	simm.s32 $0xE0;
	s30 =	simm.s32 $0xA0E0;
	s31 =	simm.s32 $0x140E0;
	[tilespmem:s1+$0xFFFFFFC0] =	vst v21;
	v15 =	vmul.f32 v15, v13;
	v19 =	vmul.f32 v63, v14;
	v14 =	vmin.f32 v20, v62  }
0x5a: {  	s28 =	simm.s32 $0x5060;
	s9 =	simm.s32 $0xF060;
	s3 =	simm.s32 $0x19040;
	v13 =	vmax.f32 v20, v62;
	[tilespmem:s0+$0xFFFFFFC0] =	vst v22;
	v21 =	vmin.f32 v18, v23;
	v20 =	vmax.f32 v18, v23  }
.LBB2_2:
0x5b: {  	v18 =	vld [tilespmem:s30+$0xFFFFFFC0];
	s4 =	sadd.s32 $0x8, s4;
	v22 =	vsub.f32 v20, v21;
	[tilespmem:s2+$0xFFFFFFF0] =	vst v19;
	v19 =	vsub.f32 v13, v14;
	s1 =	sadd.s32 $0x80, s1;
	s0 =	sadd.s32 $0x80, s0  }
0x5c: {  	v23 =	vld [tilespmem:s29+$0x20];
	p1 =	slt.u32 s4, $0x4F8;
	[tilespmem:s28+$0xFFFFFFD0] =	vst v21  }
0x5d: {  	v21 =	vld [tilespmem:s30+$0x20];
	[tilespmem:s9+$0xFFFFFFD0] =	vst v20;
	v9 =	vmul.f32 v22, v9;
	v20 =	vmin.f32 v17, v16;
	v16 =	vmax.f32 v17, v16  }
0x5e: {  	v19 =	vmul.f32 v19, v7;
	v17 =	vld [tilespmem:s29+$0x30];
	[tilespmem:s2+$0xFFFFFFE0] =	vst v15;
	v15 =	vsub.f32 v16, v20  }
0x5f: {  	v7 =	vld [tilespmem:s30+$0x30];
	[tilespmem:s2+$0xFFFFFFD0] =	vst v9  }
0x60: {  	v9 =	vld [tilespmem:s29+$0x10];
	[tilespmem:s28+$0x0] =	vst v20;
	v8 =	vmul.f32 v15, v8  }
0x61: {  	v10 =	vmul.f32 v11, v10;
	v15 =	vld [tilespmem:s30+$0x10];
	[tilespmem:s9+$0x0] =	vst v16  }
0x62: {  	v11 =	vld [tilespmem:s30+$0xFFFFFFF0];
	[tilespmem:s2+$0x0] =	vst v8  }
0x63: {  	v8 =	vld [tilespmem:s29+$0x0];
	[tilespmem:s2+$0x20] =	vst v12  }
0x64: {  	v12 =	vld [tilespmem:s29+$0xFFFFFFF0];
	v16 =	vmax.f32 v17, v7;
	[tilespmem:s28+$0x30] =	vst v14;
	s28 =	smov.u32 s1  }
0x65: {  	v14 =	vld [tilespmem:s29+$0xFFFFFFD0];
	[tilespmem:s9+$0x30] =	vst v13;
	s9 =	smov.u32 s0  }
0x66: {  	v7 =	vmin.f32 v17, v7;
	v13 =	vld [tilespmem:s30+$0x0];
	[tilespmem:s2+$0xFFFFFFC0] =	vst v10  }
0x67: {  	v17 =	vmin.f32 v9, v15;
	v9 =	vmax.f32 v9, v15;
	v10 =	vld [tilespmem:s30+$0xFFFFFFD0];
	[tilespmem:s29+$0x30] =	vst v7;
	v7 =	vsub.f32 v16, v7  }
0x68: {  	v15 =	vld [tilespmem:s30+$0xFFFFFFE0];
	[tilespmem:s29+$0x10] =	vst v17;
	v17 =	vsub.f32 v9, v17  }
0x69: {  	v20 =	vld [tilespmem:s29+$0xFFFFFFE0];
	v22 =	vmin.f32 v12, v11;
	v11 =	vmax.f32 v12, v11;
	[tilespmem:s30+$0x10] =	vst v9  }
0x6a: {  	v9 =	vmin.f32 v23, v21;
	[tilespmem:s29+$0xFFFFFFF0] =	vst v22;
	v22 =	vsub.f32 v11, v22;
	v12 =	vld [tilespmem:s0+$0x10]  }
0x6b: {  	v21 =	vmax.f32 v23, v21;
	v24 =	vld [tilespmem:s29+$0xFFFFFFC0];
	v25 =	vmax.f32 v8, v13;
	[tilespmem:s29+$0x20] =	vst v9  }
0x6c: {  	v23 =	vmin.f32 v14, v10;
	v26 =	vld [tilespmem:s1+$0x10];
	[tilespmem:s30+$0x20] =	vst v21;
	v21 =	vsub.f32 v21, v9  }
0x6d: {  	v14 =	vmax.f32 v14, v10;
	[tilespmem:s29+$0xFFFFFFD0] =	vst v23  }
0x6e: {  	v8 =	vmin.f32 v8, v13;
	v9 =	vsub.f32 v14, v23;
	v13 =	vld [tilespmem:s1+$0x20];
	[tilespmem:s2+$0x30] =	vst v19;
	s2 =	smov.u32 s31  }
0x6f: {  	v19 =	vmin.f32 v20, v15;
	[tilespmem:s29+$0x0] =	vst v8;
	v8 =	vsub.f32 v25, v8  }
0x70: {  	v10 =	vmin.f32 v24, v18;
	v18 =	vmax.f32 v24, v18;
	[tilespmem:s29+$0xFFFFFFE0] =	vst v19;
	v23 =	vld [tilespmem:s0+$0x20]  }
0x71: {  	[tilespmem:s29+$0xFFFFFFC0] =	vst v10;
	v10 =	vsub.f32 v18, v10  }
0x72: {  	[tilespmem:s30+$0xFFFFFFC0] =	vst v18  }
0x73: {  	v15 =	vmax.f32 v20, v15;
	[tilespmem:s30+$0xFFFFFFF0] =	vst v11  }
0x74: {  	[tilespmem:s30+$0xFFFFFFE0] =	vst v15;
	v11 =	vld [tilespmem:s1+$0xFFFFFFF0]  }
0x75: {  	v20 =	vmin.f32 v26, v12;
	v12 =	vmax.f32 v26, v12;
	v18 =	vld [tilespmem:s0+$0xFFFFFFE0];
	[tilespmem:s30+$0x30] =	vst v16  }
0x76: {  	v16 =	vld [tilespmem:s1+$0xFFFFFFC0];
	[tilespmem:s1+$0x10] =	vst v20  }
0x77: {  	v24 =	vld [tilespmem:s1+$0xFFFFFFE0];
	[tilespmem:s0+$0x10] =	vst v12;
	v12 =	vsub.f32 v12, v20  }
0x78: {  	v20 =	vld [tilespmem:s0+$0xFFFFFFF0];
	[tilespmem:s30+$0x0] =	vst v25;
	v25 =	vmax.f32 v13, v23  }
0x79: {  	v13 =	vmin.f32 v13, v23;
	v26 =	vld [tilespmem:s0+$0xFFFFFFC0];
	[tilespmem:s30+$0xFFFFFFD0] =	vst v14  }
0x7a: {  	v12 =	vmul.f32 v12, v17;
	[tilespmem:s1+$0x20] =	vst v13;
	v13 =	vsub.f32 v25, v13;
	v23 =	vld [tilespmem:s1+$0x30]  }
0x7b: {  	v27 =	vld [tilespmem:s0+$0xFFFFFFD0];
	[tilespmem:s0+$0x20] =	vst v25  }
0x7c: {  	v15 =	vsub.f32 v15, v19;
	v14 =	vmin.f32 v24, v18;
	v17 =	vmax.f32 v24, v18;
	[tilespmem:s31+$0x10] =	vst v12;
	v18 =	vld [tilespmem:s0+$0x30]  }
0x7d: {  	v24 =	vld [tilespmem:s1+$0xFFFFFFD0];
	[tilespmem:s1+$0xFFFFFFE0] =	vst v14;
	v12 =	vsub.f32 v17, v14;
	v14 =	vmin.f32 v11, v20;
	v19 =	vmax.f32 v11, v20  }
.Ltmp2:
0x7e: {  	v20 =	vmin.f32 v16, v26;
	v25 =	vmax.f32 v16, v26;
	[tilespmem:s0+$0xFFFFFFE0] =	vst v17;
	v26 =	vsub.f32 v19, v14;
	(pc) =	sbr.rel @p1 .LBB2_2-.Ltmp2, $4  }
0x7f: {  	v11 =	vsub.f32 v25, v20;
	v15 =	vmul.f32 v12, v15;
	[tilespmem:s1+$0xFFFFFFF0] =	vst v14;
	v16 =	vld [tilespmem:s0+$0x0]  }
0x80: {  	v12 =	vmul.f32 v13, v21;
	[tilespmem:s1+$0xFFFFFFC0] =	vst v20;
	v17 =	vld [tilespmem:s1+$0x0]  }
0x81: {  	[tilespmem:s0+$0xFFFFFFF0] =	vst v19;
	v19 =	vmul.f32 v26, v22;
	v14 =	vmin.f32 v23, v18;
	v13 =	vmax.f32 v23, v18  }
0x82: {  	s29 =	sadd.s32 $0x80, s29;
	s30 =	sadd.s32 $0x80, s30;
	s31 =	sadd.s32 $0x80, s31;
	v18 =	vimm.s32 $0x40000000;
	[tilespmem:s0+$0xFFFFFFC0] =	vst v25;
	v21 =	vmin.f32 v24, v27;
	v20 =	vmax.f32 v24, v27  }
0x83: {  	[tilespmem:s2+$0xFFFFFFF0] =	vst v19  }
0x84: {  	[tilespmem:s28+$0xFFFFFFD0] =	vst v21  }
0x85: {  	[tilespmem:s2+$0xFFFFFFE0] =	vst v15  }
0x86: {  	[tilespmem:s2+$0x20] =	vst v12;
	v62 =	vmin.f32 v17, v16;
	v63 =	vmax.f32 v17, v16  }
0x87: {  	[tilespmem:s28+$0x30] =	vst v14;
	v15 =	vsub.f32 v63, v62  }
0x88: {  	v22 =	vsub.f32 v20, v21;
	[tilespmem:s9+$0xFFFFFFD0] =	vst v20  }
0x89: {  	[tilespmem:s28+$0x0] =	vst v62;
	v8 =	vmul.f32 v15, v8  }
0x8a: {  	v9 =	vmul.f32 v22, v9;
	[tilespmem:s9+$0x0] =	vst v63  }
0x8b: {  	[tilespmem:s2+$0x0] =	vst v8;
	v8 =	vsub.f32 v13, v14  }
0x8c: {  	[tilespmem:s2+$0xFFFFFFD0] =	vst v9;
	v9 =	vmul.f32 v11, v10  }
0x8d: {  	[tilespmem:s9+$0x30] =	vst v13;
	v7 =	vmul.f32 v8, v7  }
0x8e: {  	[tilespmem:s2+$0xFFFFFFC0] =	vst v9  }
0x8f: {  	[tilespmem:s2+$0x30] =	vst v7  }
0x90: {  	v7 =	vld [tilespmem:s3+$0xFFFFFFE0];
	_ =	sdelay $0x2  }
0x91: {  	v11 =	vld [tilespmem:s3+$0xFFFFFFF0]  }
0x92: {  	v8 =	vimm.f32 $-1.000000020e+30  }
0x93: {  	vm4 =	vgt.f32 v7, v8  }
0x94: {  	v9 =	vor.u32 s10, v3;
	v13 =	vsel vm4, v7, v8  }
0x95: {  	v7 =	vld [tilespmem:s3+$0x0];
	v9 =	vsel vm4, v9, v18;
	v8 =	vsel vm4, v8, v13  }
0x96: {  	s0 =	sadd.s32 $0x10, s10;
	v10 =	vsel vm4, v18, v9;
	vm4 =	vgt.f32 v11, v8  }
0x97: {  	v14 =	vor.u32 s0, v3;
	vm5 =	vgt.f32 v11, v13;
	v8 =	vsel vm4, v11, v8  }
0x98: {  	v10 =	vsel vm4, v14, v10;
	v12 =	vsel vm5, v13, v8;
	v8 =	vld [tilespmem:s3+$0x10]  }
0x99: {  	s31 =	sadd.s32 $0x20, s10;
	v10 =	vsel vm5, v9, v10;
	v9 =	vsel vm5, v14, v9  }
0x9a: {  	s1 =	simm.s32 $0x0;
	s0 =	smov.u32 s10;
	s2 =	simm.s32 $0x19080;
	v13 =	vsel vm5, v11, v13;
	v11 =	vor.u32 s31, v3;
	vm4 =	vgt.f32 v7, v12  }
.LBB2_4:
0x9b: {  	v14 =	vld [tilespmem:s2+$0xFFFFFFE0];
	s1 =	sadd.s32 $0x4, s1;
	vm5 =	vgt.f32 v7, v13;
	v12 =	vsel vm4, v7, v12;
	v10 =	vsel vm4, v11, v10  }
0x9c: {  	s3 =	sadd.s32 $0x30, s0;
	p1 =	slt.u32 s1, $0x4C;
	v12 =	vsel vm5, v13, v12;
	v10 =	vsel vm5, v9, v10;
	v9 =	vsel vm5, v11, v9  }
0x9d: {  	v7 =	vsel vm5, v7, v13;
	v11 =	vor.u32 s3, v3;
	vm4 =	vgt.f32 v8, v12  }
0x9e: {  	vm5 =	vgt.f32 v8, v7;
	v13 =	vld [tilespmem:s2+$0xFFFFFFF0];
	v12 =	vsel vm4, v8, v12;
	v10 =	vsel vm4, v11, v10  }
0x9f: {  	s0 =	sadd.s32 $0x40, s0;
	v8 =	vsel vm5, v8, v7;
	v12 =	vsel vm5, v7, v12;
	v10 =	vsel vm5, v9, v10  }
0xa0: {  	v15 =	vor.u32 s0, v3;
	v9 =	vsel vm5, v11, v9;
	vm4 =	vgt.f32 v14, v12  }
0xa1: {  	vm5 =	vgt.f32 v14, v8;
	v11 =	vsel vm4, v14, v12;
	v10 =	vsel vm4, v15, v10;
	v7 =	vld [tilespmem:s2+$0x0]  }
.Ltmp3:
0xa2: {  	s3 =	sadd.s32 $0x10, s0;
	v11 =	vsel vm5, v8, v11;
	v10 =	vsel vm5, v9, v10;
	v9 =	vsel vm5, v15, v9;
	(pc) =	sbr.rel @p1 .LBB2_4-.Ltmp3, $4  }
0xa3: {  	v14 =	vsel vm5, v14, v8;
	v15 =	vor.u32 s3, v3;
	vm4 =	vgt.f32 v13, v11  }
0xa4: {  	vm5 =	vgt.f32 v13, v14;
	v11 =	vsel vm4, v13, v11;
	v10 =	vsel vm4, v15, v10;
	v8 =	vld [tilespmem:s2+$0x10]  }
0xa5: {  	s3 =	sadd.s32 $0x20, s0;
	v12 =	vsel vm5, v14, v11;
	v10 =	vsel vm5, v9, v10;
	v9 =	vsel vm5, v15, v9  }
0xa6: {  	v13 =	vsel vm5, v13, v14;
	s2 =	sadd.s32 $0x40, s2;
	v11 =	vor.u32 s3, v3;
	vm4 =	vgt.f32 v7, v12  }
0xa7: {  	vm5 =	vgt.f32 v7, v13  }
0xa8: {  	v14 =	vsel vm5, v7, v13  }
0xa9: {  	vm6 =	vgt.f32 v8, v14  }
0xaa: {  	v15 =	vsel vm6, v8, v14  }
0xab: {  	(xrf0) =	vmax.scan.msk.f32 $0xffff, v15;
	_ =	sdelay $0x5  }
0xac: {  	v16, _, _ =	vpop (xrf0)  }
0xad: {  	[tilespmem:$0x196A0] =	vst v16  }
0xae: {  	v16 =	vld.idx.msk [tilespmem:v4+s21+$0x0], $0xffff;
	_ =	sdelay $0x1  }
0xaf: {  	s0 =	sadd.s32 $0x30, s0  }
0xb0: {  	v17 =	vsel vm5, v11, v9;
	v18 =	vor.u32 s0, v3  }
0xb1: {  	v19 =	vsel vm6, v18, v17  }
0xb2: {  	v20 =	vsub.s32 $0x80000000, v19;
	vm7 =	veq.f32 v15, v16  }
0xb3: {  	v20 =	vnsel vm7, $0x40000000, v20  }
0xb4: {  	(xrf0) =	vmax.scan.msk.u32 $0xffff, v20;
	_ =	sdelay $0x5  }
0xb5: {  	v20, _, _ =	vpop (xrf0)  }
0xb6: {  	v20 =	vxor.u32 $0x80000000, v20  }
0xb7: {  	[tilespmem:$0x19720] =	vst v20  }
0xb8: {  	v20 =	vld.idx.msk [tilespmem:v4+s22+$0x0], $0xffff;
	_ =	sdelay $0x2  }
0xb9: {  	v7 =	vsel vm4, v7, v12  }
0xba: {  	v7 =	vsel vm5, v13, v7  }
0xbb: {  	vm8 =	vgt.f32 v8, v7;
	v62 =	vsub.s32 $0x0, v20  }
0xbc: {  	v7 =	vsel vm8, v8, v7;
	vm9 =	veq.s32 v19, v62  }
0xbd: {  	v7 =	vsel vm6, v14, v7;
	vm7 =	vmand vm7, vm9  }
0xbe: {  	v7 =	vsel vm7, v7, v15  }
0xbf: {  	(xrf0) =	vmax.scan.msk.f32 $0xffff, v7;
	_ =	sdelay $0x5  }
0xc0: {  	v8, _, _ =	vpop (xrf0)  }
0xc1: {  	[tilespmem:$0x196A0] =	vst v8  }
0xc2: {  	v8 =	vsel vm4, v11, v10;
	v63 =	vld.idx.msk [tilespmem:v4+s21+$0x0], $0xffff  }
0xc3: {  	v8 =	vsel vm5, v9, v8  }
0xc4: {  	v8 =	vsel vm8, v18, v8  }
0xc5: {  	v8 =	vsel vm6, v17, v8  }
0xc6: {  	v8 =	vsel vm7, v8, v19  }
0xc7: {  	vm4 =	veq.f32 v7, v63;
	v7 =	vsub.s32 $0x80000000, v8  }
0xc8: {  	v7 =	vnsel vm4, $0x40000000, v7  }
0xc9: {  	(xrf0) =	vmax.scan.msk.u32 $0xffff, v7;
	_ =	sdelay $0x5  }
0xca: {  	v7, _, _ =	vpop (xrf0)  }
0xcb: {  	v7 =	vxor.u32 $0x80000000, v7  }
0xcc: {  	[tilespmem:$0x19720] =	vst v7  }
0xcd: {  	v7 =	vld.idx.msk [tilespmem:v4+s22+$0x0], $0xffff;
	_ =	sdelay $0x1  }
0xce: {  	vm4 =	vmmov $0x1  }
0xcf: {  	v8 =	vnsel vm4, $0x0, v16  }
0xd0: {  	v8 =	vsel vm0, v8, v62  }
0xd1: {  	v8 =	vsel vm1, v8, v63;
	v7 =	vsub.s32 $0x0, v7  }
0xd2: {  	v7 =	vsel vm2, v8, v7  }
0xd3: {  	[tilespmem:$0x19620] =	vst v7  }
0xd4: {  	[spmem:s12] =	stream.linear.scatter [tilespmem:s23], [sflag:$0x1], $0x10, $0x38;
	[tilespmem:$0x1AAA0] =	vst v63  }
0xd5: {  	_ =	swait.ge [sflag:s16], $0x10  }
0xd6: {  	[sflag:s16] =	ssyncset.done $0x0  }
0xd7: {  	s0 =	simm.s32 $0x197C0;
	[sflag:s16] =	ssyncadd.s32 $0xFFFFFFF0  }
0xd8: {  	[tilespmem:s0+$0xFFFFFFE0] =	vst v5  }
0xd9: {  	[tilespmem:s0+$0x10] =	vst v5  }
0xda: {  	s1 =	simm.s32 $0x0;
	[tilespmem:s0+$0x0] =	vst v5  }
.LBB2_6:
0xdb: {  	s1 =	sadd.s32 $0x4, s1  }
0xdc: {  	[tilespmem:s0+$0xFFFFFFF0] =	vst v5;
	s0 =	sadd.s32 $0x40, s0;
	p1 =	slt.u32 s1, $0x12C  }
.Ltmp4:
0xdd: {  	[tilespmem:s0+$0xFFFFFFE0] =	vst v5;
	(pc) =	sbr.rel @p1 .LBB2_6-.Ltmp4, $3  }
0xde: {  	_ =	sdelay $0x1  }
0xdf: {  	[tilespmem:s0+$0x10] =	vst v5  }
0xe0: {  	[tilespmem:s0+$0x0] =	vst v5  }
.Ltmp5:
0xe1: {  	(pc) =	sbr.rel .LBB2_8-.Ltmp5, $4  }
0xe2: {  	_ = 	snop  }
0xe3: {  	[tilespmem:s0+$0xFFFFFFF0] =	vst v5  }
0xe4: {  	[bflag:$0x0] =	sbarrier.arrive $0xFFFF  }
0xe5: {  	s28 =	simm.s32 $0x0;
	s29 =	simm.s32 $0x0  }
.LBB2_17:
0xe6: {  	_ =	sdelay $0x2  }
0xe7: {  	[tilespmem:$0x196A0] =	vst v0  }
0xe8: {  	v7 =	vld.idx.msk [tilespmem:v4+s21+$0x0], $0xffff;
	[tilespmem:$0x19720] =	vst v1  }
0xe9: {  	v8 =	vld.idx.msk [tilespmem:v4+s22+$0x0], $0xffff;
	_ =	sdelay $0x3  }
0xea: {  	[tilespmem:$0x196A0] =	vst v0  }
0xeb: {  	v10 =	vmov v1;
	v9 =	vld.idx.msk [tilespmem:v4+s21+$0x0], $0xffff;
	v8 =	vsub.s32 $0x0, v8  }
.LBB2_18:
0xec: {  	_ =	sdelay $0x2  }
0xed: {  	[tilespmem:$0x19720] =	vst v10;
	s0 =	simm.s32 $0x1  }
0xee: {  	s1 =	simm.s32 $0x1;
	v10 =	vld.idx.msk [tilespmem:v4+s22+$0x0], $0xffff;
	s0 =	simm.s32 @!p1 $0x0  }
0xef: {  	s1 =	simm.s32 @!p2 $0x0;
	s0 =	sadd.s32 s0, s29  }
0xf0: {  	p1 =	sgt.u32 s28, $0x94;
	s29 =	sadd.s32 s1, s0  }
0xf1: {  	v7 =	vnsel vm4, $0x0, v7;
	p2 =	sgt.s32 @!p1 s29, $0x12B  }
0xf2: {  	v7 =	vsel vm0, v7, v8;
	p1 =	por p1, p2  }
0xf3: {  	v7 =	vsel vm1, v7, v9;
	v8 =	vsub.s32 $0x0, v10;
	p2 =	sgt.f32 @!p1 s30, $-5.000000080e+29  }
0xf4: {  	v7 =	vsel vm2, v7, v8  }
0xf5: {  	[tilespmem:$0x19620] =	vst v7;
	p1 =	por p1, !p2  }
0xf6: {  	[spmem:s12] =	stream.linear.scatter [tilespmem:s23], [sflag:$0x1], $0x10, $0x38;
	[tilespmem:$0x1AAA0] =	vst v63  }
.Ltmp6:
0xf7: {  	_ =	swait.ge [sflag:s16], $0x10;
	(pc) =	sbr.rel @p1 .LBB2_19-.Ltmp6, $4  }
0xf8: {  	[sflag:s16] =	ssyncset.done $0x0  }
0xf9: {  	[sflag:s16] =	ssyncadd.s32 $0xFFFFFFF0  }
0xfa: {  	[bflag:$0x0] =	sbarrier.arrive $0xFFFF  }
0xfb: {  	s28 =	sadd.s32 $0x1, s28  }
.LBB2_8:
0xfc: {  	v7 =	vmul.u32 $0x10, v3;
	_ =	sdelay $0x1  }
0xfd: {  	[tilespmem:s24], [sflag:$0x1] =	stream.linear.gather [spmem:s6], $0x100, $0x38;
	v8 =	vor.u32 $0x2, v7;
	[tilespmem:$0x1AAA0] =	vst v63  }
0xfe: {  	_ =	swait.ge [sflag:s16], $0x100  }
0xff: {  	[sflag:s16] =	ssyncset.done $0x0  }
0x100: {  	[sflag:s16] =	ssyncadd.s32 $0xFFFFFF00  }
0x101: {  	v16 =	vld.idx.msk [tilespmem:v7+s24+$0x0], $0xffff  }
0x102: {  	v17 =	vld.idx.msk [tilespmem:v8+s24+$0x0], $0xffff;
	_ =	sdelay $0x4  }
0x103: {  	v10 =	vmax.f32 v16, v17  }
0x104: {  	(xrf0) =	vmax.scan.msk.f32 $0xffff, v10  }
0x105: {  	v9 =	vor.u32 $0x1, v7  }
0x106: {  	v10 =	vor.u32 $0x3, v7;
	_ =	sdelay $0x3  }
0x107: {  	v18 =	vld.idx.msk [tilespmem:v9+s24+$0x0], $0xffff;
	v11, _, _ =	vpop (xrf0)  }
0x108: {  	v19 =	vld.idx.msk [tilespmem:v10+s24+$0x0], $0xffff;
	[tilespmem:$0x196A0] =	vst v11  }
0x109: {  	v21 =	vld.idx.msk [tilespmem:v4+s21+$0x0], $0xffff;
	_ =	sdelay $0x4  }
0x10a: {  	vm5 =	veq.f32 v16, v21;
	vm6 =	veq.f32 v17, v21  }
0x10b: {  	v11 =	vnsel vm5, $0x40000000, v18;
	v12 =	vnsel vm6, $0x40000000, v19  }
0x10c: {  	vm5 =	vlt.s32 v11, v12  }
0x10d: {  	v11 =	vsel vm5, v11, v12  }
0x10e: {  	v11 =	vsub.s32 $0x80000000, v11  }
0x10f: {  	(xrf0) =	vmax.scan.msk.u32 $0xffff, v11;
	_ =	sdelay $0x5  }
0x110: {  	v11, _, _ =	vpop (xrf0)  }
0x111: {  	v11 =	vxor.u32 $0x80000000, v11  }
0x112: {  	[tilespmem:$0x19720] =	vst v11  }
0x113: {  	v11 =	vld.idx.msk [tilespmem:v4+s22+$0x0], $0xffff;
	_ =	sdelay $0x4  }
0x114: {  	v22 =	vsub.s32 $0x0, v11  }
0x115: {  	vm5 =	vgt.s32 v22, $0x0  }
0x116: {  	v11 =	vnsel vm5, $0x0, v22  }
0x117: {  	v15 =	vmin.u32 v11, $0x4FFF;
	_ =	sdelay $0x2  }
0x118: {  	vm5 =	vgt.s32 v18, $0x0  }
0x119: {  	v12 =	vnsel vm5, $0x0, v18  }
0x11a: {  	v20 =	vmin.u32 v12, $0x4FFF;
	v11 =	vld.idx.msk [tilespmem:v15+s15+$0x0], $0xffff  }
0x11b: {  	v12 =	vld.idx.msk [tilespmem:v15+s17+$0x0], $0xffff  }
0x11c: {  	v13 =	vld.idx.msk [tilespmem:v15+s18+$0x0], $0xffff  }
0x11d: {  	vm5 =	vgt.s32 v19, $0x0;
	v14 =	vld.idx.msk [tilespmem:v15+s19+$0x0], $0xffff  }
0x11e: {  	v23 =	vnsel vm5, $0x0, v19;
	v15 =	vld.idx.msk [tilespmem:v15+s25+$0x0], $0xffff  }
0x11f: {  	v23 =	vmin.u32 v23, $0x4FFF;
	v24 =	vld.idx.msk [tilespmem:v20+s15+$0x0], $0xffff  }
0x120: {  	v25 =	vld.idx.msk [tilespmem:v20+s17+$0x0], $0xffff  }
0x121: {  	v26 =	vld.idx.msk [tilespmem:v20+s18+$0x0], $0xffff  }
0x122: {  	v27 =	vld.idx.msk [tilespmem:v20+s19+$0x0], $0xffff  }
0x123: {  	v20 =	vld.idx.msk [tilespmem:v20+s25+$0x0], $0xffff  }
0x124: {  	v28 =	vld.idx.msk [tilespmem:v23+s15+$0x0], $0xffff  }
0x125: {  	v29 =	vld.idx.msk [tilespmem:v23+s17+$0x0], $0xffff  }
0x126: {  	v30 =	vld.idx.msk [tilespmem:v23+s18+$0x0], $0xffff;
	v26 =	vmin.f32 v26, v13  }
0x127: {  	v31 =	vld.idx.msk [tilespmem:v23+s19+$0x0], $0xffff;
	v24 =	vmax.f32 v24, v11;
	v58 =	vmin.f32 v27, v14;
	v25 =	vmax.f32 v25, v12  }
0x128: {  	v24 =	vsub.f32 v26, v24;
	v25 =	vsub.f32 v58, v25;
	_ =	sdelay $0x1  }
0x129: {  	v20 =	vadd.f32 v20, v15;
	v24 =	vmax.f32 v24, $0.0e+00;
	v25 =	vmax.f32 v25, $0.0e+00  }
0x12a: {  	v23 =	vld.idx.msk [tilespmem:v23+s25+$0x0], $0xffff;
	v59 =	vmin.f32 v30, v13;
	v60 =	vmax.f32 v28, v11;
	v24 =	vmul.f32 v25, v24  }
0x12b: {  	v61 =	vmin.f32 v31, v14;
	v29 =	vmax.f32 v29, v12;
	v62 =	vsub.f32 v59, v60  }
0x12c: {  	v63 =	vsub.f32 v61, v29;
	v20 =	vsub.f32 v20, v24;
	_ =	sdelay $0x1  }
0x12d: {  	v25 =	vmax.f32 v62, $0.0e+00;
	v26 =	vmax.f32 v63, $0.0e+00;
	v20 =	vadd.f32 $9.999999930e-09, v20  }
0x12e: {  	v23 =	vadd.f32 v23, v15;
	v25 =	vmul.f32 v26, v25  }
0x12f: {  	(erf) = vrcp.f32 v20  }
0x130: {  	v23 =	vsub.f32 v23, v25;
	_ =	sdelay $0x1  }
0x131: {  	v20 =	vadd.f32 $9.999999930e-09, v23;
	_ =	sdelay $0x1  }
0x132: {  	(erf) = vrcp.f32 v20;
	_ =	sdelay $0x3  }
0x133: {  	v20 =	vpop (erf)  }
0x134: {  	v20 =	vmul.f32 v20, v24;
	_ =	sdelay $0x3  }
0x135: {  	vm5 =	vgt.f32 v20, $5.000000000e-01;
	v20 =	vpop (erf)  }
0x136: {  	vm7 =	vgt.f32 v16, $-5.000000080e+29;
	v20 =	vmul.f32 v20, v25  }
0x137: {  	vm6 =	vne.s32 v18, v22;
	vm8 =	vne.s32 v19, v22;
	vm5 =	vmneg vm5  }
0x138: {  	vm5 =	vmand vm6, vm5;
	vm6 =	vgt.f32 v17, $-5.000000080e+29;
	vm9 =	vgt.f32 v20, $5.000000000e-01  }
0x139: {  	vm14 =	vmneg vm7;
	vm6 =	vmand vm6, vm8;
	vm9 =	vmneg vm9  }
0x13a: {  	vm8 =	vmor vm5, vm14;
	vm6 =	vmand vm6, vm9  }
0x13b: {  	vm8 =	vmor vm8, vm6  }
0x13c: {  	v20 =	vsel vm8, $0xFFFFFFFF, v6  }
0x13d: {  	vm5 =	vmand vm7, vm5;
	v20 =	vxor.u32 $0x80000000, v20  }
0x13e: {  	v16 =	vnsel vm5, $0xF149F2CA, v16;
	v17 =	vnsel vm6, $0xF149F2CA, v17;
	(xrf0) =	vmax.scan.msk.u32 $0xffff, v20  }
0x13f: {  	v20 =	vmax.f32 v16, v17  }
0x140: {  	(xrf0) =	vmax.scan.msk.f32 $0xffff, v20;
	_ =	sdelay $0x3  }
0x141: {  	v20, _, _ =	vpop (xrf0)  }
0x142: {  	v20 =	vxor.u32 $0x80000000, v20  }
0x143: {  	v23, _, _ =	vpop (xrf0);
	[tilespmem:$0x19720] =	vst v20  }
0x144: {  	v20 =	vld.idx.msk [tilespmem:v4+s22+$0x0], $0xffff;
	[tilespmem:$0x196A0] =	vst v23  }
0x145: {  	v24 =	vld.idx.msk [tilespmem:v4+s21+$0x0], $0xffff;
	_ =	sdelay $0x4  }
0x146: {  	vm7 =	veq.f32 v16, v24;
	vm15 =	veq.f32 v17, v24  }
0x147: {  	vm5 =	vmand vm5, vm7;
	vm6 =	vmand vm6, vm15  }
0x148: {  	v16 =	vnsel vm5, $0x40000000, v18;
	v17 =	vnsel vm6, $0x40000000, v19  }
0x149: {  	vm5 =	vlt.s32 v16, v17  }
0x14a: {  	v16 =	vsel vm5, v16, v17  }
0x14b: {  	(v2sf) =	vpush v21, $0x0;
	v16 =	vsub.s32 $0x80000000, v16  }
0x14c: {  	(v2sf) =	vpush v20, $0x0;
	(xrf0) =	vmax.scan.msk.u32 $0xffff, v16  }
0x14d: {  	(v2sf) =	vpush v24, $0x0;
	_ =	sdelay $0x4  }
0x14e: {  	v16, _, _ =	vpop (xrf0)  }
0x14f: {  	v16 =	vxor.u32 $0x80000000, v16  }
0x150: {  	[tilespmem:$0x19720] =	vst v16  }
0x151: {  	v16 =	vld.idx.msk [tilespmem:v4+s22+$0x0], $0xffff;
	_ =	sdelay $0x4  }
0x152: {  	s0 =	spop (v2sf);
	v23 =	vsub.s32 $0x0, v16  }
0x153: {  	s1 =	spop (v2sf);
	vm5 =	vgt.s32 v23, $0x0  }
0x154: {  	s2 =	spop (v2sf);
	v16 =	vnsel vm5, $0x0, v23  }
0x155: {  	p1 =	sgt.f32 s0, $-5.000000080e+29;
	p2 =	sgt.f32 s2, $-5.000000080e+29;
	v20 =	vmin.u32 v16, $0x4FFF  }
0x156: {  	_ = 	snop  }
0x157: {  	p2 =	por !p2, !p1  }
0x158: {  	p4 =	sgt.f32 @!p0 s0, $-5.000000080e+29;
	p3 =	sgt.u32 s1, $0x80000000;
	p2 =	por !p2, !p2  }
0x159: {  	p2 =	por !p2, !p3  }
0x15a: {  	p6 =	slt.s32 s29, $0x12B;
	p3 =	por !p4, p0;
	p2 =	por !p2, !p2;
	v16 =	vld.idx.msk [tilespmem:v20+s15+$0x0], $0xffff  }
0x15b: {  	vm5 =	vmmov @!p3 $0x1;
	p4 =	por !p6, !p2;
	v17 =	vld.idx.msk [tilespmem:v20+s17+$0x0], $0xffff  }
0x15c: {  	v25 =	vnsel @!p3 vm5, $0x0, v11;
	vm5 =	vcmask @!p3 $0x314;
	p4 =	por !p4, !p4;
	v18 =	vld.idx.msk [tilespmem:v20+s18+$0x0], $0xffff  }
0x15d: {  	v25 =	vsel @!p3 vm5, v25, v12;
	vm5 =	vcmask @!p3 $0x714;
	p4 =	por !p4, p0;
	v19 =	vld.idx.msk [tilespmem:v20+s19+$0x0], $0xffff  }
0x15e: {  	vm6 =	vcmask @!p3 $0xB14;
	v25 =	vsel @!p3 vm5, v25, v13;
	vm5 =	vmmov @!p4 $0x1  }
0x15f: {  	v25 =	vsel @!p3 vm6, v25, v14;
	vm6 =	vcmask @!p3 $0xF14;
	v16 =	vpsel !p2, $0xC0A00000, v16  }
0x160: {  	v17 =	vpsel !p2, $0xC0A00000, v17;
	v26 =	vnsel @!p4 vm5, $0x0, v16;
	vm5 =	vcmask @!p4 $0x314  }
.Ltmp7:
0x161: {  	v18 =	vpsel !p2, $0xC0A00000, v18;
	v26 =	vsel @!p4 vm5, v26, v17;
	vm5 =	vcmask @!p4 $0x714;
	(pc) =	sbr.rel @!p1 .LBB2_12-.Ltmp7, $4  }
0x162: {  	s0 =	sshll.u32 @!p3 s29, $0x6;
	v19 =	vpsel !p2, $0xC0A00000, v19;
	v26 =	vsel @!p4 vm5, v26, v18;
	vm5 =	vcmask @!p4 $0xB14  }
0x163: {  	s0 =	sshra.s32 @!p3 s0, $0x2;
	s1 =	sshll.u32 @!p4 s29, $0x6;
	v21 =	vsel @!p3 vm6, v25, v21;
	v25 =	vsel @!p4 vm5, v26, v19;
	vm5 =	vcmask @!p4 $0xF14  }
0x164: {  	v20 =	vld.idx.msk [tilespmem:v20+s25+$0x0], $0xffff;
	[tilespmem:s0+$0x197A0] =	vst @!p3 v21;
	s0 =	sshra.s32 @!p4 s1, $0x2;
	v21 =	vsel @!p4 vm5, v25, v24  }
0x165: {  	[tilespmem:s0+$0x197B0] =	vst @!p4 v21  }
0x166: {  	vm5 =	vmmov vm3;
	v21 =	vsub.s32 v22, v2  }
0x167: {  	v22 =	vsub.s32 v23, v2;
	vm5 =	vmneg @p2 vm5;
	vm6 =	vlt.u32 v21, $0x500  }
0x168: {  	vm7 =	vgt.s32 v21, $0x0;
	vm8 =	vlt.u32 v22, $0x500;
	vm6 =	vmand vm6, vm4  }
0x169: {  	v21 =	vnsel vm7, $0x0, v21;
	vm5 =	vmand vm8, vm5;
	vm7 =	vgt.s32 v22, $0x0  }
0x16a: {  	v23 =	vmin.u32 v21, $0x4FF;
	vm5 =	vmand vm5, vm4;
	v21 =	vnsel vm7, $0x0, v22  }
0x16b: {  	v22 =	vmin.u32 v21, $0x4FF;
	_ =	sdelay $0x2  }
0x16c: {  	s0 =	simm.s32 $0x30;
	s1 =	sadd.s32 $0x30, s10;
	v21 =	vimm.f32 $-1.000000020e+30  }
0x16d: {  	s2 =	sand.u32 $0xFF80, s1;
	s0 =	sand.u32 $0x70, s0;
	[tilespmem:v23+s20+$0x0] =	vst.idx.msk vm6, v21  }
0x16e: {  	s0 =	sor.u32 s0, s2;
	[tilespmem:v22+s20+$0x0] =	vst.idx.msk vm5, v21  }
0x16f: {  	v22 =	vld [tilespmem:s0+$0x14020]  }
0x170: {  	v23 =	vld [tilespmem:s0+$0x20]  }
0x171: {  	s11 =	simm.s32 $0x20;
	s3 =	sadd.s32 $0xFFFFFFF0, s1;
	v24 =	vld [tilespmem:s0+$0xA020]  }
0x172: {  	s5 =	sand.u32 $0xFF80, s3;
	s2 =	sand.u32 $0x60, s11;
	v25 =	vld [tilespmem:s0+$0xF020]  }
0x173: {  	s2 =	sor.u32 s2, s5;
	v26 =	vld [tilespmem:s0+$0x5020]  }
0x174: {  	v27 =	vld [tilespmem:s2+$0x14020]  }
0x175: {  	v29 =	vld [tilespmem:s2+$0xA020]  }
0x176: {  	s9 =	simm.s32 $0x10;
	s4 =	sadd.s32 $0xFFFFFFE0, s1;
	v30 =	vld [tilespmem:s2+$0x20]  }
0x177: {  	s26 =	sand.u32 $0x50, s9;
	s14 =	sand.u32 $0xFF80, s4;
	v31 =	vld [tilespmem:s2+$0x5020]  }
0x178: {  	s5 =	sor.u32 s26, s14;
	v32 =	vld [tilespmem:s2+$0xF020];
	v33 =	vadd.f32 v22, v15;
	v22 =	vadd.f32 v22, v20  }
0x179: {  	v28 =	vld [tilespmem:s5+$0x14020];
	v34 =	vmin.f32 v24, v13;
	v36 =	vmax.f32 v23, v11;
	v37 =	vmin.f32 v25, v14  }
0x17a: {  	v59 =	vld [tilespmem:s5+$0xA020];
	v38 =	vmax.f32 v26, v12;
	v24 =	vmin.f32 v24, v18;
	v23 =	vmax.f32 v23, v16  }
0x17b: {  	s8 =	simm.s32 $0x0;
	s0 =	sadd.s32 $0xFFFFFFD0, s1;
	v39 =	vld [tilespmem:s5+$0x20];
	v40 =	vadd.f32 v27, v15;
	v27 =	vadd.f32 v27, v20;
	v25 =	vmin.f32 v25, v19  }
0x17c: {  	s9 =	sand.u32 $0x40, s8;
	v41 =	vld [tilespmem:s5+$0x5020];
	s11 =	sand.u32 $0xFF80, s0;
	v26 =	vmax.f32 v26, v17;
	v42 =	vmin.f32 v29, v13;
	v43 =	vmax.f32 v30, v11  }
0x17d: {  	s9 =	sor.u32 s9, s11;
	v45 =	vmin.f32 v32, v14;
	v47 =	vmax.f32 v31, v12;
	v29 =	vmin.f32 v29, v18  }
0x17e: {  	v35 =	vld [tilespmem:s9+$0x14020];
	v30 =	vmax.f32 v30, v16;
	v32 =	vmin.f32 v32, v19;
	v31 =	vmax.f32 v31, v17  }
0x17f: {  	v60 =	vld [tilespmem:s9+$0x20];
	v50 =	vmin.f32 v59, v13;
	v34 =	vsub.f32 v34, v36;
	v37 =	vsub.f32 v37, v38  }
0x180: {  	v46 =	vld [tilespmem:s9+$0xA020];
	v51 =	vmax.f32 v39, v11;
	v23 =	vsub.f32 v24, v23;
	v25 =	vsub.f32 v25, v26  }
0x181: {  	v48 =	vld [tilespmem:s9+$0xF020];
	v53 =	vmax.f32 v41, v12;
	v26 =	vadd.f32 v28, v15;
	v28 =	vadd.f32 v28, v20  }
0x182: {  	v44 =	vld [tilespmem:s9+$0x5020];
	v39 =	vmax.f32 v39, v16;
	v42 =	vsub.f32 v42, v43;
	v45 =	vsub.f32 v45, v47  }
0x183: {  	v36 =	vmin.f32 v59, v18;
	v29 =	vsub.f32 v29, v30;
	v62 =	vsub.f32 v50, v51  }
0x184: {  	v41 =	vmax.f32 v41, v17;
	v31 =	vsub.f32 v32, v31;
	v36 =	vsub.f32 v36, v39  }
0x185: {  	v43 =	vor.u32 s3, v3;
	v49 =	vadd.f32 v35, v15;
	v35 =	vadd.f32 v35, v20  }
0x186: {  	v54 =	vmin.f32 v46, v13;
	v55 =	vmax.f32 v60, v11;
	v56 =	vmin.f32 v48, v14  }
0x187: {  	v57 =	vmax.f32 v44, v12;
	v61 =	vmin.f32 v46, v18;
	v30 =	vmax.f32 v60, v16  }
0x188: {  	v63 =	vmin.f32 v48, v19;
	v44 =	vmax.f32 v44, v17;
	v34 =	vmax.f32 v34, $0.0e+00  }
0x189: {  	v24 =	vld [tilespmem:s5+$0xF020];
	v37 =	vmax.f32 v37, $0.0e+00;
	v23 =	vmax.f32 v23, $0.0e+00;
	v25 =	vmax.f32 v25, $0.0e+00  }
0x18a: {  	v29 =	vmax.f32 v29, $0.0e+00;
	v38 =	vmax.f32 v62, $0.0e+00;
	v50 =	vsub.f32 v54, v55  }
0x18b: {  	v31 =	vmax.f32 v31, $0.0e+00;
	v51 =	vsub.f32 v56, v57;
	v30 =	vsub.f32 v61, v30  }
0x18c: {  	s30 =	sadd.s32 $0x70, s10;
	s9 =	simm.s32 $0x70;
	v32 =	vsub.f32 v63, v44;
	v34 =	vmul.f32 v37, v34;
	v23 =	vmul.f32 v25, v23  }
0x18d: {  	s11 =	sand.u32 $0xFF80, s30;
	s2 =	sand.u32 $0x70, s9;
	v25 =	vmax.f32 v42, $0.0e+00;
	v36 =	vmax.f32 v36, $0.0e+00;
	v31 =	vmul.f32 v31, v29  }
0x18e: {  	s2 =	sor.u32 s2, s11;
	v42 =	vor.u32 s4, v3;
	v52 =	vmin.f32 v24, v14;
	v24 =	vmin.f32 v24, v19  }
0x18f: {  	v54 =	vld [tilespmem:s2+$0xA020];
	v39 =	vmax.f32 v50, $0.0e+00;
	v30 =	vmax.f32 v30, $0.0e+00;
	v22 =	vsub.f32 v22, v23  }
0x190: {  	v32 =	vmax.f32 v32, $0.0e+00;
	v27 =	vsub.f32 v27, v31;
	v48 =	vsub.f32 v52, v53  }
0x191: {  	s31 =	sadd.s32 $0xFFFFFFF0, s30;
	s14 =	simm.s32 $0x60;
	v24 =	vsub.f32 v24, v41;
	v52 =	vmax.f32 v45, $0.0e+00;
	v41 =	vmax.f32 v51, $0.0e+00  }
0x192: {  	s26 =	sand.u32 $0xFF80, s31;
	s5 =	sand.u32 $0x60, s14;
	v32 =	vmul.f32 v32, v30;
	v37 =	vmul.f32 v52, v25;
	v25 =	vsub.f32 v33, v34  }
0x193: {  	s5 =	sor.u32 s5, s26;
	v22 =	vadd.f32 $9.999999930e-09, v22;
	v27 =	vadd.f32 $9.999999930e-09, v27;
	v53 =	vmax.f32 v48, $0.0e+00  }
0x194: {  	v51 =	vld [tilespmem:s5+$0x20];
	v24 =	vmax.f32 v24, $0.0e+00;
	v30 =	vsub.f32 v35, v32;
	v56 =	vmin.f32 v54, v13  }
0x195: {  	v35 =	vmin.f32 v54, v18;
	v33 =	vmul.f32 v53, v38;
	v36 =	vmul.f32 v24, v36  }
0x196: {  	v48 =	vld [tilespmem:s5+$0xA020];
	v38 =	vmul.f32 v41, v39;
	v24 =	vsub.f32 v40, v37;
	v25 =	vadd.f32 $9.999999930e-09, v25  }
0x197: {  	v39 =	vimm.s32 $0x40000000;
	v41 =	vor.u32 s1, v3;
	v26 =	vsub.f32 v26, v33  }
0x198: {  	v24 =	vadd.f32 $9.999999930e-09, v24;
	(erf) = vrcp.f32 v25;
	v29 =	vsub.f32 v49, v38  }
0x199: {  	v25 =	vld [tilespmem:s2+$0x14020];
	v53 =	vmax.f32 v51, v11;
	v51 =	vmax.f32 v51, v16;
	(erf) = vrcp.f32 v22  }
0x19a: {  	v22 =	vld [tilespmem:s2+$0x20];
	v26 =	vadd.f32 $9.999999930e-09, v26;
	(erf) = vrcp.f32 v24;
	v24 =	vadd.f32 $9.999999930e-09, v29  }
0x19b: {  	v55 =	vld [tilespmem:s5+$0x14020];
	v52 =	vmin.f32 v48, v13;
	(erf) = vrcp.f32 v27;
	v27 =	vsub.f32 v28, v36  }
0x19c: {  	v29 =	vld [tilespmem:s2+$0xF020];
	v48 =	vmin.f32 v48, v18;
	v28 =	vadd.f32 $9.999999930e-09, v30;
	v52 =	vsub.f32 v52, v53  }
0x19d: {  	s8 =	simm.s32 $0x50;
	v48 =	vsub.f32 v48, v51;
	(erf) = vrcp.f32 v26;
	v26 =	vld [tilespmem:s2+$0x5020];
	s2 =	sadd.s32 $0xFFFFFFE0, s30;
	v27 =	vadd.f32 $9.999999930e-09, v27  }
0x19e: {  	s9 =	sand.u32 $0x50, s8;
	(erf) = vrcp.f32 v24;
	s11 =	sand.u32 $0xFF80, s2;
	v30 =	vadd.f32 v25, v15;
	v24 =	vadd.f32 v25, v20  }
0x19f: {  	(erf) = vrcp.f32 v28;
	s1 =	sor.u32 s9, s11;
	v57 =	vmax.f32 v22, v11;
	v22 =	vmax.f32 v22, v16  }
0x1a0: {  	s14 =	simm.s32 $0x40;
	(erf) = vrcp.f32 v27;
	v25 =	vld [tilespmem:s1+$0x14020];
	v35 =	vsub.f32 v35, v22;
	v22 =	vor.u32 s0, v3;
	s0 =	sadd.s32 $0xFFFFFFD0, s30  }
0x1a1: {  	s3 =	sand.u32 $0x40, s14;
	v48 =	vmax.f32 v48, $0.0e+00;
	v28 =	vadd.f32 v55, v15;
	v58 =	vmin.f32 v29, v14;
	s26 =	sand.u32 $0xFF80, s0  }
0x1a2: {  	v27 =	vadd.f32 v55, v20;
	v29 =	vmin.f32 v29, v19;
	v44 =	vsub.f32 v56, v57;
	v59 =	vpop (erf);
	s3 =	sor.u32 s3, s26  }
0x1a3: {  	v60 =	vmax.f32 v26, v12;
	v26 =	vmax.f32 v26, v17;
	v35 =	vmax.f32 v35, $0.0e+00;
	v61 =	vpop (erf);
	v54 =	vld [tilespmem:s3+$0xA020]  }
0x1a4: {  	v45 =	vsub.f32 v58, v60;
	v34 =	vmul.f32 v59, v34;
	v62 =	vpop (erf);
	v23 =	vmul.f32 v61, v23;
	v61 =	vld [tilespmem:s5+$0xF020]  }
0x1a5: {  	v49 =	vsub.f32 v29, v26;
	v63 =	vpop (erf);
	v29 =	vadd.f32 v25, v15;
	v37 =	vmul.f32 v62, v37;
	v62 =	vld [tilespmem:s5+$0x5020]  }
0x1a6: {  	vm5 =	vgt.f32 v34, $5.000000000e-01;
	v26 =	vpop (erf);
	vm6 =	vgt.f32 v23, $5.000000000e-01;
	v31 =	vmul.f32 v63, v31;
	v63 =	vld [tilespmem:s3+$0x14020]  }
0x1a7: {  	v25 =	vadd.f32 v25, v20;
	v56 =	vpop (erf);
	v26 =	vmul.f32 v26, v33;
	vm5 =	vmor vm5, vm6  }
0x1a8: {  	v50 =	vld [tilespmem:s3+$0x20];
	v58 =	vpop (erf);
	v38 =	vmul.f32 v56, v38;
	vm9 =	vgt.f32 v31, $5.000000000e-01;
	v53 =	vmin.f32 v54, v13  }
0x1a9: {  	s9 =	simm.s32 $0x19040;
	v54 =	vmin.f32 v54, v18;
	v32 =	vmul.f32 v58, v32;
	v23 =	vpop (erf);
	v46 =	vmin.f32 v61, v14  }
0x1aa: {  	v57 =	vld [tilespmem:s9+$0xFFFFFFE0];
	v23 =	vmul.f32 v23, v36;
	vm7 =	vgt.f32 v38, $5.000000000e-01;
	v55 =	vmax.f32 v62, v12  }
0x1ab: {  	v47 =	vld [tilespmem:s1+$0xF020];
	v56 =	vmax.f32 v62, v17;
	vm13 =	vgt.f32 v32, $5.000000000e-01;
	v36 =	vadd.f32 v63, v15  }
0x1ac: {  	v59 =	vld [tilespmem:s9+$0xFFFFFFF0];
	v32 =	vmin.f32 v61, v19;
	v33 =	vadd.f32 v63, v20;
	v46 =	vsub.f32 v46, v55  }
0x1ad: {  	v55 =	vmax.f32 v50, v11;
	v50 =	vmax.f32 v50, v16;
	vm6 =	vmor vm7, vm13  }
0x1ae: {  	v60 =	vld [tilespmem:s9+$0x0];
	vm7 =	vgt.f32 v26, $5.000000000e-01;
	vm14 =	vgt.f32 v23, $5.000000000e-01;
	v56 =	vsub.f32 v32, v56  }
0x1af: {  	v26 =	vld [tilespmem:s9+$0x10];
	v50 =	vsub.f32 v54, v50;
	v34 =	vsel vm6, $0xF149F2CA, v57;
	vm6 =	vgt.f32 v37, $5.000000000e-01  }
0x1b0: {  	vm7 =	vmor vm7, vm14;
	v57 =	vld [tilespmem:s3+$0xF020];
	v46 =	vmax.f32 v46, $0.0e+00;
	vm15 =	vgt.f32 v34, v21  }
0x1b1: {  	v37 =	vsel vm7, $0xF149F2CA, v59;
	vm6 =	vmor vm6, vm9;
	v59 =	vmin.f32 v47, v14  }
0x1b2: {  	v47 =	vmin.f32 v47, v19;
	v23 =	vsel vm15, v34, v21;
	v22 =	vsel vm15, v22, v39  }
0x1b3: {  	v21 =	vsel vm15, v21, v23;
	v31 =	vsel vm15, v39, v22;
	v39 =	vsel vm6, $0xF149F2CA, v60  }
0x1b4: {  	vm6 =	vgt.f32 v37, v23;
	vm7 =	vgt.f32 v37, v21;
	v40 =	vsel vm5, $0xF149F2CA, v26  }
0x1b5: {  	v21 =	vsel vm7, v37, v21;
	v31 =	vsel vm7, v42, v31;
	v51 =	vmin.f32 v57, v14  }
0x1b6: {  	v62 =	vmin.f32 v57, v19;
	v21 =	vsel vm6, v23, v21;
	v31 =	vsel vm6, v22, v31  }
0x1b7: {  	v22 =	vsel vm6, v42, v22;
	v23 =	vsel vm6, v37, v23;
	v42 =	vld [tilespmem:s1+$0x20];
	vm6 =	vgt.f32 v39, v21  }
0x1b8: {  	vm5 =	vgt.f32 v39, v23;
	v21 =	vsel vm6, v39, v21;
	v26 =	vsel vm6, v43, v31;
	v31 =	vld [tilespmem:s1+$0x5020]  }
0x1b9: {  	v21 =	vsel vm5, v23, v21;
	v26 =	vsel vm5, v22, v26;
	v22 =	vsel vm5, v43, v22;
	v43 =	vld [tilespmem:s1+$0xA020]  }
0x1ba: {  	[tilespmem:s9+$0xFFFFFFF0] =	vst v37;
	v37 =	vmax.f32 v50, $0.0e+00;
	v23 =	vsel vm5, v39, v23;
	vm5 =	vgt.f32 v40, v21  }
0x1bb: {  	vm6 =	vgt.f32 v40, v23;
	v21 =	vsel vm5, v40, v21;
	v60 =	vsel vm5, v41, v26  }
0x1bc: {  	v58 =	vmax.f32 v42, v11;
	v42 =	vmax.f32 v42, v16;
	v26 =	vsel vm6, v23, v21  }
0x1bd: {  	v21 =	vsel vm6, v22, v60;
	v23 =	vsel vm6, v40, v23;
	v22 =	vsel vm6, v41, v22;
	v41 =	vld [tilespmem:s3+$0x5020]  }
0x1be: {  	v60 =	vmax.f32 v31, v12;
	v31 =	vmax.f32 v31, v17;
	v38 =	vmin.f32 v43, v13  }
0x1bf: {  	v43 =	vmin.f32 v43, v18;
	v63 =	vsub.f32 v59, v60;
	v59 =	vsub.f32 v53, v55  }
0x1c0: {  	v47 =	vsub.f32 v47, v31;
	v31 =	vmax.f32 v44, $0.0e+00;
	v60 =	vmax.f32 v45, $0.0e+00  }
0x1c1: {  	v38 =	vsub.f32 v38, v58;
	v42 =	vsub.f32 v43, v42;
	v32 =	vmul.f32 v60, v31  }
0x1c2: {  	[tilespmem:s9+$0xFFFFFFE0] =	vst v34;
	v34 =	vmax.f32 v59, $0.0e+00;
	v44 =	vmax.f32 v47, $0.0e+00;
	v61 =	vmax.f32 v41, v12  }
0x1c3: {  	v41 =	vmax.f32 v41, v17;
	v43 =	vmax.f32 v42, $0.0e+00;
	v30 =	vsub.f32 v30, v32  }
0x1c4: {  	v51 =	vsub.f32 v51, v61;
	v61 =	vmax.f32 v49, $0.0e+00;
	v41 =	vsub.f32 v62, v41  }
0x1c5: {  	v62 =	vmax.f32 v52, $0.0e+00;
	v31 =	vmul.f32 v61, v35;
	v35 =	vmax.f32 v38, $0.0e+00  }
0x1c6: {  	[tilespmem:s9+$0x10] =	vst v40;
	v38 =	vmax.f32 v63, $0.0e+00;
	v63 =	vmax.f32 v56, $0.0e+00;
	v40 =	vmul.f32 v46, v62  }
0x1c7: {  	[tilespmem:s9+$0x0] =	vst v39;
	s1 =	simm.s32 $0x4;
	s3 =	simm.s32 $0xB0;
	v42 =	vmax.f32 v51, $0.0e+00;
	v41 =	vmax.f32 v41, $0.0e+00;
	v39 =	vmul.f32 v63, v48  }
.LBB2_10:
0x1c8: {  	s4 =	sadd.s32 s3, s10;
	v45 =	vmul.f32 v38, v35;
	v43 =	vmul.f32 v44, v43;
	v24 =	vsub.f32 v24, v31  }
0x1c9: {  	s11 =	sand.u32 $0x70, s3;
	v42 =	vmul.f32 v42, v34;
	s5 =	sand.u32 $0xFF80, s4;
	v28 =	vsub.f32 v28, v40;
	v30 =	vadd.f32 $9.999999930e-09, v30  }
0x1ca: {  	v44 =	vmul.f32 v41, v37;
	v27 =	vsub.f32 v27, v39;
	s11 =	sor.u32 s11, s5;
	v24 =	vadd.f32 $9.999999930e-09, v24  }
0x1cb: {  	v29 =	vsub.f32 v29, v45;
	v34 =	vld [tilespmem:s11+$0x14020];
	v28 =	vadd.f32 $9.999999930e-09, v28;
	(erf) = vrcp.f32 v30  }
0x1cc: {  	v30 =	vsub.f32 v36, v42;
	v27 =	vadd.f32 $9.999999930e-09, v27;
	v35 =	vld [tilespmem:s11+$0x20];
	(erf) = vrcp.f32 v24  }
0x1cd: {  	s14 =	sadd.s32 $0xFFFFFFF0, s4;
	s5 =	sadd.s32 $0xFFFFFFF0, s3;
	v24 =	vsub.f32 v33, v44;
	v29 =	vadd.f32 $9.999999930e-09, v29;
	v37 =	vld [tilespmem:s11+$0xA020];
	(erf) = vrcp.f32 v28  }
0x1ce: {  	s8 =	sand.u32 $0xFF80, s14;
	v25 =	vsub.f32 v25, v43;
	s5 =	sand.u32 $0x60, s5;
	v28 =	vadd.f32 $9.999999930e-09, v30;
	v38 =	vld [tilespmem:s11+$0xF020];
	(erf) = vrcp.f32 v27  }
0x1cf: {  	s5 =	sor.u32 s5, s8;
	v24 =	vadd.f32 $9.999999930e-09, v24;
	v46 =	vld [tilespmem:s11+$0x5020];
	(erf) = vrcp.f32 v29  }
0x1d0: {  	s8 =	sadd.s32 $0xFFFFFFE0, s3;
	v25 =	vadd.f32 $9.999999930e-09, v25;
	v33 =	vor.u32 s30, v3;
	s30 =	smov.u32 s4;
	s11 =	sadd.s32 $0xFFFFFFE0, s4;
	v27 =	vld [tilespmem:s5+$0x14020];
	(erf) = vrcp.f32 v28  }
0x1d1: {  	v47 =	vor.u32 s2, v3;
	v48 =	vor.u32 s31, v3;
	s31 =	smov.u32 s14;
	s8 =	sand.u32 $0x50, s8;
	s4 =	sand.u32 $0xFF80, s11;
	(erf) = vrcp.f32 v24  }
0x1d2: {  	v30 =	vadd.f32 v34, v15;
	s2 =	smov.u32 s11;
	s4 =	sor.u32 s8, s4;
	v24 =	vadd.f32 v34, v20;
	(erf) = vrcp.f32 v25  }
0x1d3: {  	v34 =	vmax.f32 v35, v11;
	v29 =	vmin.f32 v37, v13;
	v25 =	vld [tilespmem:s4+$0x14020];
	v49 =	vmin.f32 v38, v14  }
0x1d4: {  	v51 =	vmax.f32 v35, v16;
	v37 =	vmin.f32 v37, v18;
	v36 =	vld [tilespmem:s5+$0xA020];
	v50 =	vmax.f32 v46, v12;
	v52 =	vpop (erf)  }
0x1d5: {  	v38 =	vmin.f32 v38, v19;
	v41 =	vld [tilespmem:s5+$0x20];
	v28 =	vadd.f32 v27, v15;
	v27 =	vadd.f32 v27, v20;
	v53 =	vpop (erf)  }
0x1d6: {  	v35 =	vsub.f32 v29, v34;
	v29 =	vmax.f32 v46, v17;
	v34 =	vsub.f32 v49, v50;
	v46 =	vpop (erf)  }
0x1d7: {  	v37 =	vsub.f32 v37, v51;
	v38 =	vsub.f32 v38, v29;
	v49 =	vor.u32 s0, v3;
	v50 =	vpop (erf)  }
0x1d8: {  	v51 =	vmul.f32 v52, v32;
	v29 =	vadd.f32 v25, v15;
	v25 =	vadd.f32 v25, v20;
	v52 =	vpop (erf)  }
0x1d9: {  	s9 =	sadd.s32 $0x40, s9;
	v55 =	vmul.f32 v53, v31;
	v40 =	vmul.f32 v46, v40;
	v32 =	vmin.f32 v36, v13;
	v46 =	vpop (erf)  }
0x1da: {  	v39 =	vmul.f32 v50, v39;
	v53 =	vmax.f32 v41, v11;
	v54 =	vld [tilespmem:s9+$0xFFFFFFE0];
	v42 =	vmul.f32 v46, v42;
	v46 =	vpop (erf)  }
0x1db: {  	vm5 =	vgt.f32 v51, $5.000000000e-01;
	vm6 =	vgt.f32 v55, $5.000000000e-01;
	v44 =	vmul.f32 v46, v44;
	v46 =	vld [tilespmem:s9+$0xFFFFFFF0];
	v31 =	vpop (erf)  }
0x1dc: {  	v45 =	vmul.f32 v52, v45;
	vm5 =	vmor vm5, vm6;
	v31 =	vmul.f32 v31, v43  }
0x1dd: {  	vm8 =	vgt.f32 v40, $5.000000000e-01;
	vm6 =	vgt.f32 v42, $5.000000000e-01;
	vm7 =	vgt.f32 v44, $5.000000000e-01  }
0x1de: {  	vm6 =	vmor vm6, vm7;
	vm7 =	vgt.f32 v45, $5.000000000e-01;
	vm9 =	vgt.f32 v31, $5.000000000e-01;
	v31 =	vld [tilespmem:s9+$0x0]  }
0x1df: {  	v40 =	vsel vm6, $0xF149F2CA, v54;
	vm6 =	vmor vm7, vm9;
	vm7 =	vgt.f32 v39, $5.000000000e-01  }
0x1e0: {  	[tilespmem:s9+$0xFFFFFFE0] =	vst v40;
	vm9 =	vgt.f32 v40, v26;
	v39 =	vsel vm6, $0xF149F2CA, v46;
	vm6 =	vmor vm8, vm7  }
0x1e1: {  	vm7 =	vgt.f32 v40, v23;
	v26 =	vsel vm9, v40, v26;
	v21 =	vsel vm9, v49, v21;
	[tilespmem:s9+$0xFFFFFFF0] =	vst v39;
	v42 =	vld [tilespmem:s9+$0x10]  }
0x1e2: {  	s8 =	sadd.s32 $0xFFFFFFD0, s3;
	s0 =	sadd.s32 $0xFFFFFFD0, s30;
	v26 =	vsel vm7, v23, v26;
	v21 =	vsel vm7, v22, v21;
	v22 =	vsel vm7, v49, v22  }
0x1e3: {  	s8 =	sand.u32 $0x40, s8;
	s11 =	sand.u32 $0xFF80, s0;
	v23 =	vsel vm7, v40, v23;
	v43 =	vld [tilespmem:s5+$0x5020];
	vm7 =	vgt.f32 v39, v26;
	v31 =	vsel vm6, $0xF149F2CA, v31  }
0x1e4: {  	s8 =	sor.u32 s8, s11;
	vm6 =	vgt.f32 v39, v23;
	v40 =	vld [tilespmem:s5+$0xF020];
	v26 =	vsel vm7, v39, v26;
	v21 =	vsel vm7, v47, v21;
	[tilespmem:s9+$0x0] =	vst v31  }
0x1e5: {  	v44 =	vld [tilespmem:s8+$0x14020];
	v26 =	vsel vm6, v23, v26;
	v21 =	vsel vm6, v22, v21;
	v22 =	vsel vm6, v47, v22  }
0x1e6: {  	v23 =	vsel vm6, v39, v23;
	v45 =	vld [tilespmem:s4+$0x20];
	vm6 =	vgt.f32 v31, v26;
	v39 =	vsel vm5, $0xF149F2CA, v42  }
0x1e7: {  	vm5 =	vgt.f32 v31, v23;
	v42 =	vld [tilespmem:s4+$0x5020];
	v26 =	vsel vm6, v31, v26;
	v21 =	vsel vm6, v48, v21;
	[tilespmem:s9+$0x10] =	vst v39  }
0x1e8: {  	v46 =	vld [tilespmem:s4+$0xA020];
	v26 =	vsel vm5, v23, v26;
	v21 =	vsel vm5, v22, v21;
	v22 =	vsel vm5, v48, v22  }
0x1e9: {  	v23 =	vsel vm5, v31, v23;
	v47 =	vld [tilespmem:s4+$0xF020];
	v48 =	vmin.f32 v40, v14;
	vm5 =	vgt.f32 v39, v26  }
0x1ea: {  	vm6 =	vgt.f32 v39, v23;
	v31 =	vld [tilespmem:s8+$0x20];
	v26 =	vsel vm5, v39, v26;
	v21 =	vsel vm5, v33, v21  }
0x1eb: {  	v49 =	vld [tilespmem:s8+$0x5020];
	v26 =	vsel vm6, v23, v26;
	v21 =	vsel vm6, v22, v21;
	v23 =	vsel vm6, v39, v23  }
0x1ec: {  	v51 =	vmin.f32 v36, v18;
	v50 =	vmax.f32 v43, v12;
	v22 =	vsel vm6, v33, v22;
	v39 =	vld [tilespmem:s8+$0xA020]  }
0x1ed: {  	v41 =	vmax.f32 v41, v16;
	v43 =	vmax.f32 v43, v17;
	v40 =	vmin.f32 v40, v19;
	v52 =	vld [tilespmem:s8+$0xF020]  }
0x1ee: {  	v36 =	vadd.f32 v44, v15;
	v33 =	vadd.f32 v44, v20;
	v44 =	vmin.f32 v46, v13  }
0x1ef: {  	v54 =	vmax.f32 v45, v11;
	v56 =	vmax.f32 v42, v12;
	v55 =	vmin.f32 v47, v14  }
0x1f0: {  	v45 =	vmax.f32 v45, v16;
	v46 =	vmin.f32 v46, v18;
	v47 =	vmin.f32 v47, v19  }
0x1f1: {  	v42 =	vmax.f32 v42, v17;
	v58 =	vmax.f32 v31, v11;
	v57 =	vmin.f32 v39, v13  }
0x1f2: {  	v53 =	vsub.f32 v32, v53;
	v60 =	vmax.f32 v49, v12;
	v59 =	vmin.f32 v52, v14  }
0x1f3: {  	v41 =	vsub.f32 v51, v41;
	v32 =	vmin.f32 v39, v18;
	v39 =	vsub.f32 v48, v50  }
0x1f4: {  	v40 =	vsub.f32 v40, v43;
	v44 =	vsub.f32 v44, v54;
	v31 =	vmax.f32 v31, v16  }
0x1f5: {  	s1 =	sadd.s32 $0x4, s1;
	v45 =	vsub.f32 v46, v45;
	v48 =	vsub.f32 v55, v56;
	v43 =	vmin.f32 v52, v19  }
0x1f6: {  	p3 =	slt.u32 s1, $0x4C;
	v42 =	vsub.f32 v47, v42;
	v49 =	vmax.f32 v49, v17;
	v46 =	vsub.f32 v57, v58  }
0x1f7: {  	v50 =	vsub.f32 v32, v31;
	v31 =	vmax.f32 v35, $0.0e+00;
	v47 =	vsub.f32 v59, v60  }
0x1f8: {  	v32 =	vmax.f32 v34, $0.0e+00;
	v34 =	vmax.f32 v37, $0.0e+00;
	v35 =	vmax.f32 v38, $0.0e+00  }
0x1f9: {  	v49 =	vsub.f32 v43, v49;
	v32 =	vmul.f32 v32, v31;
	v31 =	vmul.f32 v35, v34  }
.Ltmp8:
0x1fa: {  	v51 =	vmax.f32 v53, $0.0e+00;
	v52 =	vmax.f32 v41, $0.0e+00;
	v39 =	vmax.f32 v39, $0.0e+00;
	(pc) =	sbr.rel @p3 .LBB2_10-.Ltmp8, $4  }
0x1fb: {  	v35 =	vmax.f32 v44, $0.0e+00;
	v38 =	vmax.f32 v48, $0.0e+00;
	v48 =	vmax.f32 v40, $0.0e+00  }
0x1fc: {  	v43 =	vmax.f32 v45, $0.0e+00;
	v44 =	vmax.f32 v42, $0.0e+00;
	v34 =	vmax.f32 v46, $0.0e+00  }
0x1fd: {  	v37 =	vmax.f32 v50, $0.0e+00;
	v42 =	vmax.f32 v47, $0.0e+00;
	v41 =	vmax.f32 v49, $0.0e+00  }
0x1fe: {  	s3 =	sadd.s32 $0x40, s3;
	v40 =	vmul.f32 v39, v51;
	v39 =	vmul.f32 v48, v52;
	v30 =	vsub.f32 v30, v32  }
0x1ff: {  	v11 =	vmul.f32 v38, v35;
	v12 =	vmul.f32 v44, v43;
	v13 =	vsub.f32 v24, v31  }
0x200: {  	v14 =	vmul.f32 v42, v34;
	v15 =	vsub.f32 v28, v40;
	v16 =	vadd.f32 $9.999999930e-09, v30  }
0x201: {  	v17 =	vmul.f32 v41, v37;
	v18 =	vsub.f32 v27, v39;
	v13 =	vadd.f32 $9.999999930e-09, v13  }
0x202: {  	v19 =	vsub.f32 v29, v11;
	v15 =	vadd.f32 $9.999999930e-09, v15;
	(erf) = vrcp.f32 v16  }
0x203: {  	v41 =	vsub.f32 v36, v14;
	v18 =	vadd.f32 $9.999999930e-09, v18;
	(erf) = vrcp.f32 v13  }
0x204: {  	v13 =	vsub.f32 v33, v17;
	v19 =	vadd.f32 $9.999999930e-09, v19;
	(erf) = vrcp.f32 v15  }
0x205: {  	v15 =	vadd.f32 $9.999999930e-09, v41;
	(erf) = vrcp.f32 v18  }
0x206: {  	v42 =	vsub.f32 v25, v12;
	v13 =	vadd.f32 $9.999999930e-09, v13;
	(erf) = vrcp.f32 v19  }
0x207: {  	(erf) = vrcp.f32 v15  }
0x208: {  	v15 =	vadd.f32 $9.999999930e-09, v42;
	(erf) = vrcp.f32 v13;
	_ =	sdelay $0x1  }
0x209: {  	(erf) = vrcp.f32 v15  }
0x20a: {  	v13 =	vpop (erf)  }
0x20b: {  	v15 =	vpop (erf)  }
0x20c: {  	v43 =	vpop (erf)  }
0x20d: {  	v18 =	vpop (erf)  }
0x20e: {  	v19 =	vpop (erf)  }
0x20f: {  	s1 =	sadd.s32 $0x40, s9;
	v20 =	vpop (erf)  }
0x210: {  	v44 =	vld [tilespmem:s1+$0xFFFFFFE0];
	v13 =	vmul.f32 v13, v32;
	v45 =	vpop (erf)  }
0x211: {  	v14 =	vmul.f32 v20, v14;
	v17 =	vmul.f32 v45, v17  }
0x212: {  	v46 =	vld [tilespmem:s1+$0xFFFFFFF0];
	v16 =	vmul.f32 v43, v40;
	v11 =	vmul.f32 v19, v11;
	v47 =	vpop (erf)  }
0x213: {  	v12 =	vmul.f32 v47, v12;
	vm5 =	vgt.f32 v14, $5.000000000e-01;
	vm6 =	vgt.f32 v17, $5.000000000e-01  }
0x214: {  	v48 =	vld [tilespmem:s1+$0x0];
	v14 =	vmul.f32 v15, v31;
	v15 =	vmul.f32 v18, v39;
	vm5 =	vmor vm5, vm6  }
0x215: {  	vm6 =	vgt.f32 v11, $5.000000000e-01;
	vm7 =	vgt.f32 v12, $5.000000000e-01;
	v12 =	vsel vm5, $0xF149F2CA, v44  }
0x216: {  	vm8 =	vgt.f32 v16, $5.000000000e-01;
	v11 =	vld [tilespmem:s1+$0x10];
	vm6 =	vmor vm6, vm7;
	vm5 =	vgt.f32 v12, v23  }
0x217: {  	vm7 =	vgt.f32 v15, $5.000000000e-01;
	v15 =	vsel vm6, $0xF149F2CA, v46;
	v49 =	vsel vm5, v12, v23  }
0x218: {  	vm9 =	vgt.f32 v13, $5.000000000e-01;
	vm7 =	vmor vm8, vm7;
	vm6 =	vgt.f32 v15, v49  }
0x219: {  	vm15 =	vgt.f32 v14, $5.000000000e-01;
	v13 =	vsel vm7, $0xF149F2CA, v48;
	v14 =	vsel vm6, v15, v49  }
0x21a: {  	vm8 =	vmor vm9, vm15;
	vm7 =	vgt.f32 v13, v14  }
0x21b: {  	v50 =	vsel vm8, $0xF149F2CA, v11;
	v51 =	vsel vm7, v13, v14  }
0x21c: {  	vm8 =	vgt.f32 v50, v51  }
0x21d: {  	v52 =	vsel vm8, v50, v51  }
0x21e: {  	(xrf0) =	vmax.scan.msk.f32 $0xffff, v52;
	_ =	sdelay $0x2  }
0x21f: {  	[tilespmem:s1+$0xFFFFFFE0] =	vst v12  }
0x220: {  	[tilespmem:s1+$0xFFFFFFF0] =	vst v15  }
0x221: {  	[tilespmem:s1+$0x0] =	vst v13  }
0x222: {  	[tilespmem:s1+$0x10] =	vst v50;
	v11, _, _ =	vpop (xrf0)  }
0x223: {  	[tilespmem:$0x196A0] =	vst v11  }
0x224: {  	v53 =	vor.u32 s0, v3;
	v11 =	vld.idx.msk [tilespmem:v4+s21+$0x0], $0xffff  }
0x225: {  	v54 =	vor.u32 s2, v3;
	v55 =	vsel vm5, v53, v22  }
0x226: {  	v56 =	vor.u32 s31, v3;
	v57 =	vsel vm6, v54, v55  }
0x227: {  	v58 =	vor.u32 s30, v3;
	v59 =	vsel vm7, v56, v57  }
0x228: {  	v60 =	vsel vm8, v58, v59  }
0x229: {  	v61 =	vsub.s32 $0x80000000, v60;
	vm9 =	veq.f32 v52, v11  }
0x22a: {  	v32 =	vnsel vm9, $0x40000000, v61  }
0x22b: {  	(xrf0) =	vmax.scan.msk.u32 $0xffff, v32;
	_ =	sdelay $0x4  }
0x22c: {  	vm10 =	vgt.f32 v12, v26  }
0x22d: {  	v12 =	vsel vm10, v12, v26;
	v62, _, _ =	vpop (xrf0)  }
0x22e: {  	v12 =	vsel vm5, v23, v12;
	v63 =	vxor.u32 $0x80000000, v62  }
0x22f: {  	vm11 =	vgt.f32 v15, v12;
	[tilespmem:$0x19720] =	vst v63  }
0x230: {  	v12 =	vsel vm11, v15, v12;
	v15 =	vld.idx.msk [tilespmem:v4+s22+$0x0], $0xffff  }
0x231: {  	v12 =	vsel vm6, v49, v12  }
0x232: {  	vm12 =	vgt.f32 v13, v12  }
0x233: {  	v12 =	vsel vm12, v13, v12  }
0x234: {  	v13 =	vsel vm7, v14, v12  }
0x235: {  	vm13 =	vgt.f32 v50, v13;
	v12 =	vsub.s32 $0x0, v15  }
0x236: {  	v13 =	vsel vm13, v50, v13;
	vm14 =	veq.s32 v60, v12  }
0x237: {  	v13 =	vsel vm8, v51, v13;
	vm9 =	vmand vm9, vm14  }
0x238: {  	v14 =	vsel vm9, v13, v52  }
0x239: {  	(xrf0) =	vmax.scan.msk.f32 $0xffff, v14;
	_ =	sdelay $0x3  }
0x23a: {  	v13 =	vsel vm10, v53, v21  }
0x23b: {  	v13 =	vsel vm5, v22, v13  }
0x23c: {  	v13 =	vsel vm11, v54, v13;
	v15, _, _ =	vpop (xrf0)  }
0x23d: {  	v13 =	vsel vm6, v55, v13;
	[tilespmem:$0x196A0] =	vst v15  }
0x23e: {  	v15 =	vsel vm12, v56, v13;
	v13 =	vld.idx.msk [tilespmem:v4+s21+$0x0], $0xffff  }
0x23f: {  	v15 =	vsel vm7, v57, v15  }
0x240: {  	v15 =	vsel vm13, v58, v15  }
0x241: {  	v15 =	vsel vm8, v59, v15  }
0x242: {  	v15 =	vsel vm9, v15, v60  }
0x243: {  	vm5 =	veq.f32 v14, v13;
	v14 =	vsub.s32 $0x80000000, v15  }
0x244: {  	v14 =	vnsel vm5, $0x40000000, v14  }
0x245: {  	(xrf0) =	vmax.scan.msk.u32 $0xffff, v14;
	_ =	sdelay $0x2  }
.Ltmp9:
0x246: {  	_ = 	snop;
	(pc) =	sbr.rel .LBB2_13-.Ltmp9, $3  }
0x247: {  	_ =	sdelay $0x1  }
0x248: {  	v14, _, _ =	vpop (xrf0)  }
0x249: {  	v14 =	vxor.u32 $0x80000000, v14  }
.LBB2_12:
0x24a: {  	_ =	sdelay $0x2  }
0x24b: {  	[tilespmem:$0x196A0] =	vst v0  }
0x24c: {  	v11 =	vld.idx.msk [tilespmem:v4+s21+$0x0], $0xffff;
	[tilespmem:$0x19720] =	vst v1  }
0x24d: {  	v12 =	vld.idx.msk [tilespmem:v4+s22+$0x0], $0xffff;
	_ =	sdelay $0x3  }
0x24e: {  	[tilespmem:$0x196A0] =	vst v0  }
0x24f: {  	v14 =	vmov v1;
	v13 =	vld.idx.msk [tilespmem:v4+s21+$0x0], $0xffff;
	v12 =	vsub.s32 $0x0, v12  }
.LBB2_13:
0x250: {  	_ =	sdelay $0x2  }
0x251: {  	[tilespmem:$0x19720] =	vst v14  }
0x252: {  	v14 =	vld.idx.msk [tilespmem:v4+s22+$0x0], $0xffff;
	_ =	sdelay $0x2  }
0x253: {  	v11 =	vnsel vm4, $0x0, v11  }
0x254: {  	v11 =	vsel vm0, v11, v12  }
0x255: {  	v11 =	vsel vm1, v11, v13;
	v12 =	vsub.s32 $0x0, v14  }
0x256: {  	v11 =	vsel vm2, v11, v12  }
0x257: {  	[tilespmem:$0x19620] =	vst v11  }
0x258: {  	[spmem:s13] =	stream.linear.scatter [tilespmem:s23], [sflag:$0x1], $0x10, $0x38;
	[tilespmem:$0x1AAA0] =	vst v63  }
0x259: {  	_ =	swait.ge [sflag:s16], $0x10  }
0x25a: {  	[sflag:s16] =	ssyncset.done $0x0  }
0x25b: {  	[sflag:s16] =	ssyncadd.s32 $0xFFFFFFF0  }
0x25c: {  	[bflag:$0x0] =	sbarrier.arrive $0xFFFF  }
0x25d: {  	[tilespmem:s24], [sflag:$0x1] =	stream.linear.gather [spmem:s7], $0x100, $0x38;
	[tilespmem:$0x1AAA0] =	vst v63  }
0x25e: {  	_ =	swait.ge [sflag:s16], $0x100  }
0x25f: {  	[sflag:s16] =	ssyncset.done $0x0  }
0x260: {  	[sflag:s16] =	ssyncadd.s32 $0xFFFFFF00  }
0x261: {  	v12 =	vld.idx.msk [tilespmem:v7+s24+$0x0], $0xffff  }
0x262: {  	v13 =	vld.idx.msk [tilespmem:v8+s24+$0x0], $0xffff;
	_ =	sdelay $0x4  }
0x263: {  	v7 =	vmax.f32 v12, v13  }
0x264: {  	(xrf0) =	vmax.scan.msk.f32 $0xffff, v7;
	_ =	sdelay $0x5  }
0x265: {  	v14 =	vld.idx.msk [tilespmem:v9+s24+$0x0], $0xffff;
	v7, _, _ =	vpop (xrf0)  }
0x266: {  	v15 =	vld.idx.msk [tilespmem:v10+s24+$0x0], $0xffff;
	[tilespmem:$0x196A0] =	vst v7  }
0x267: {  	v17 =	vld.idx.msk [tilespmem:v4+s21+$0x0], $0xffff;
	_ =	sdelay $0x4  }
0x268: {  	vm5 =	veq.f32 v12, v17;
	vm6 =	veq.f32 v13, v17  }
0x269: {  	v7 =	vnsel vm5, $0x40000000, v14;
	v8 =	vnsel vm6, $0x40000000, v15  }
0x26a: {  	vm5 =	vlt.s32 v7, v8  }
0x26b: {  	v7 =	vsel vm5, v7, v8  }
0x26c: {  	v7 =	vsub.s32 $0x80000000, v7  }
0x26d: {  	(xrf0) =	vmax.scan.msk.u32 $0xffff, v7;
	_ =	sdelay $0x5  }
0x26e: {  	v7, _, _ =	vpop (xrf0)  }
0x26f: {  	v7 =	vxor.u32 $0x80000000, v7  }
0x270: {  	[tilespmem:$0x19720] =	vst v7  }
0x271: {  	v7 =	vld.idx.msk [tilespmem:v4+s22+$0x0], $0xffff;
	_ =	sdelay $0x4  }
0x272: {  	v18 =	vsub.s32 $0x0, v7  }
0x273: {  	vm5 =	vgt.s32 v18, $0x0  }
0x274: {  	v7 =	vnsel vm5, $0x0, v18  }
0x275: {  	v11 =	vmin.u32 v7, $0x4FFF;
	_ =	sdelay $0x2  }
0x276: {  	vm5 =	vgt.s32 v14, $0x0  }
0x277: {  	v8 =	vnsel vm5, $0x0, v14  }
0x278: {  	v16 =	vmin.u32 v8, $0x4FFF;
	v7 =	vld.idx.msk [tilespmem:v11+s15+$0x0], $0xffff  }
0x279: {  	v8 =	vld.idx.msk [tilespmem:v11+s17+$0x0], $0xffff  }
0x27a: {  	v9 =	vld.idx.msk [tilespmem:v11+s18+$0x0], $0xffff  }
0x27b: {  	vm5 =	vgt.s32 v15, $0x0;
	v10 =	vld.idx.msk [tilespmem:v11+s19+$0x0], $0xffff  }
0x27c: {  	v19 =	vnsel vm5, $0x0, v15;
	v11 =	vld.idx.msk [tilespmem:v11+s25+$0x0], $0xffff  }
0x27d: {  	v19 =	vmin.u32 v19, $0x4FFF;
	v20 =	vld.idx.msk [tilespmem:v16+s15+$0x0], $0xffff  }
0x27e: {  	v21 =	vld.idx.msk [tilespmem:v16+s17+$0x0], $0xffff  }
0x27f: {  	v22 =	vld.idx.msk [tilespmem:v16+s18+$0x0], $0xffff  }
0x280: {  	v23 =	vld.idx.msk [tilespmem:v16+s19+$0x0], $0xffff  }
0x281: {  	v16 =	vld.idx.msk [tilespmem:v16+s25+$0x0], $0xffff  }
0x282: {  	v24 =	vld.idx.msk [tilespmem:v19+s15+$0x0], $0xffff  }
0x283: {  	v25 =	vld.idx.msk [tilespmem:v19+s17+$0x0], $0xffff  }
0x284: {  	v26 =	vld.idx.msk [tilespmem:v19+s18+$0x0], $0xffff;
	v22 =	vmin.f32 v22, v9  }
0x285: {  	v27 =	vld.idx.msk [tilespmem:v19+s19+$0x0], $0xffff;
	v20 =	vmax.f32 v20, v7;
	v58 =	vmin.f32 v23, v10;
	v21 =	vmax.f32 v21, v8  }
0x286: {  	v20 =	vsub.f32 v22, v20;
	v21 =	vsub.f32 v58, v21;
	_ =	sdelay $0x1  }
0x287: {  	v16 =	vadd.f32 v16, v11;
	v20 =	vmax.f32 v20, $0.0e+00;
	v21 =	vmax.f32 v21, $0.0e+00  }
0x288: {  	v19 =	vld.idx.msk [tilespmem:v19+s25+$0x0], $0xffff;
	v59 =	vmin.f32 v26, v9;
	v60 =	vmax.f32 v24, v7;
	v20 =	vmul.f32 v21, v20  }
0x289: {  	v61 =	vmin.f32 v27, v10;
	v25 =	vmax.f32 v25, v8;
	v62 =	vsub.f32 v59, v60  }
0x28a: {  	v63 =	vsub.f32 v61, v25;
	v16 =	vsub.f32 v16, v20;
	_ =	sdelay $0x1  }
0x28b: {  	v21 =	vmax.f32 v62, $0.0e+00;
	v22 =	vmax.f32 v63, $0.0e+00;
	v16 =	vadd.f32 $9.999999930e-09, v16  }
0x28c: {  	v19 =	vadd.f32 v19, v11;
	v21 =	vmul.f32 v22, v21  }
0x28d: {  	(erf) = vrcp.f32 v16  }
0x28e: {  	v19 =	vsub.f32 v19, v21;
	_ =	sdelay $0x1  }
0x28f: {  	v16 =	vadd.f32 $9.999999930e-09, v19;
	_ =	sdelay $0x1  }
0x290: {  	(erf) = vrcp.f32 v16;
	_ =	sdelay $0x3  }
0x291: {  	v16 =	vpop (erf)  }
0x292: {  	v16 =	vmul.f32 v16, v20;
	_ =	sdelay $0x3  }
0x293: {  	vm5 =	vgt.f32 v16, $5.000000000e-01;
	v16 =	vpop (erf)  }
0x294: {  	vm7 =	vgt.f32 v12, $-5.000000080e+29;
	v16 =	vmul.f32 v16, v21  }
0x295: {  	vm6 =	vne.s32 v14, v18;
	vm8 =	vne.s32 v15, v18;
	vm5 =	vmneg vm5  }
0x296: {  	vm5 =	vmand vm6, vm5;
	vm6 =	vgt.f32 v13, $-5.000000080e+29;
	vm9 =	vgt.f32 v16, $5.000000000e-01  }
0x297: {  	vm14 =	vmneg vm7;
	vm6 =	vmand vm6, vm8;
	vm9 =	vmneg vm9  }
0x298: {  	vm8 =	vmor vm5, vm14;
	vm6 =	vmand vm6, vm9  }
0x299: {  	vm8 =	vmor vm8, vm6  }
0x29a: {  	v16 =	vsel vm8, $0xFFFFFFFF, v6  }
0x29b: {  	vm5 =	vmand vm7, vm5;
	v16 =	vxor.u32 $0x80000000, v16  }
0x29c: {  	v12 =	vnsel vm5, $0xF149F2CA, v12;
	v13 =	vnsel vm6, $0xF149F2CA, v13;
	(xrf0) =	vmax.scan.msk.u32 $0xffff, v16  }
0x29d: {  	v16 =	vmax.f32 v12, v13  }
0x29e: {  	(xrf0) =	vmax.scan.msk.f32 $0xffff, v16;
	_ =	sdelay $0x3  }
0x29f: {  	v16, _, _ =	vpop (xrf0)  }
0x2a0: {  	v16 =	vxor.u32 $0x80000000, v16  }
0x2a1: {  	v19, _, _ =	vpop (xrf0);
	[tilespmem:$0x19720] =	vst v16  }
0x2a2: {  	v16 =	vld.idx.msk [tilespmem:v4+s22+$0x0], $0xffff;
	[tilespmem:$0x196A0] =	vst v19  }
0x2a3: {  	v20 =	vld.idx.msk [tilespmem:v4+s21+$0x0], $0xffff;
	_ =	sdelay $0x4  }
0x2a4: {  	vm7 =	veq.f32 v12, v20;
	vm15 =	veq.f32 v13, v20  }
0x2a5: {  	vm5 =	vmand vm5, vm7;
	vm6 =	vmand vm6, vm15  }
0x2a6: {  	v12 =	vnsel vm5, $0x40000000, v14;
	v13 =	vnsel vm6, $0x40000000, v15  }
0x2a7: {  	vm5 =	vlt.s32 v12, v13  }
0x2a8: {  	v12 =	vsel vm5, v12, v13  }
0x2a9: {  	(v2sf) =	vpush v17, $0x0;
	v12 =	vsub.s32 $0x80000000, v12  }
0x2aa: {  	(v2sf) =	vpush v16, $0x0;
	(xrf0) =	vmax.scan.msk.u32 $0xffff, v12  }
0x2ab: {  	(v2sf) =	vpush v20, $0x0;
	_ =	sdelay $0x4  }
0x2ac: {  	v12, _, _ =	vpop (xrf0)  }
0x2ad: {  	v12 =	vxor.u32 $0x80000000, v12  }
0x2ae: {  	[tilespmem:$0x19720] =	vst v12  }
0x2af: {  	v12 =	vld.idx.msk [tilespmem:v4+s22+$0x0], $0xffff;
	_ =	sdelay $0x3  }
0x2b0: {  	s0 =	simm.s32 $0x1  }
0x2b1: {  	s1 =	simm.s32 $0x1;
	s0 =	simm.s32 @!p1 $0x0;
	s30 =	spop (v2sf);
	v19 =	vsub.s32 $0x0, v12  }
0x2b2: {  	s1 =	simm.s32 @!p2 $0x0;
	s0 =	sadd.s32 s0, s29;
	s2 =	spop (v2sf);
	vm5 =	vgt.s32 v19, $0x0  }
0x2b3: {  	s29 =	sadd.s32 s1, s0;
	s31 =	spop (v2sf);
	v12 =	vnsel vm5, $0x0, v19  }
0x2b4: {  	p3 =	sgt.s32 @!p0 s29, $0x12B;
	p1 =	sgt.f32 s30, $-5.000000080e+29;
	p5 =	sgt.f32 s31, $-5.000000080e+29;
	v16 =	vmin.u32 v12, $0x4FFF  }
0x2b5: {  	p4 =	por p3, p0  }
0x2b6: {  	p4 =	sgt.f32 @!p4 s30, $-5.000000080e+29;
	p2 =	por !p5, !p1  }
0x2b7: {  	p5 =	sgt.u32 s2, $0x80000000;
	p2 =	por !p2, !p2  }
0x2b8: {  	p3 =	por @!p0 !p4, p3;
	p2 =	por !p2, !p5  }
0x2b9: {  	p6 =	slt.s32 s29, $0x12B;
	p3 =	por p3, p0;
	p2 =	por !p2, !p2;
	v12 =	vld.idx.msk [tilespmem:v16+s15+$0x0], $0xffff  }
0x2ba: {  	vm5 =	vmmov @!p3 $0x1;
	p4 =	por !p6, !p2;
	v13 =	vld.idx.msk [tilespmem:v16+s17+$0x0], $0xffff  }
0x2bb: {  	v21 =	vnsel @!p3 vm5, $0x0, v7;
	vm5 =	vcmask @!p3 $0x314;
	p4 =	por !p4, !p4;
	v14 =	vld.idx.msk [tilespmem:v16+s18+$0x0], $0xffff  }
0x2bc: {  	v21 =	vsel @!p3 vm5, v21, v8;
	vm5 =	vcmask @!p3 $0x714;
	p4 =	por !p4, p0;
	v15 =	vld.idx.msk [tilespmem:v16+s19+$0x0], $0xffff  }
0x2bd: {  	vm6 =	vcmask @!p3 $0xB14;
	v21 =	vsel @!p3 vm5, v21, v9;
	vm5 =	vmmov @!p4 $0x1  }
0x2be: {  	v21 =	vsel @!p3 vm6, v21, v10;
	vm6 =	vcmask @!p3 $0xF14;
	v12 =	vpsel !p2, $0xC0A00000, v12  }
0x2bf: {  	v13 =	vpsel !p2, $0xC0A00000, v13;
	v22 =	vnsel @!p4 vm5, $0x0, v12;
	vm5 =	vcmask @!p4 $0x314  }
.Ltmp10:
0x2c0: {  	v14 =	vpsel !p2, $0xC0A00000, v14;
	v22 =	vsel @!p4 vm5, v22, v13;
	vm5 =	vcmask @!p4 $0x714;
	(pc) =	sbr.rel @!p1 .LBB2_17-.Ltmp10, $4  }
0x2c1: {  	s0 =	sshll.u32 @!p3 s29, $0x6;
	v15 =	vpsel !p2, $0xC0A00000, v15;
	v22 =	vsel @!p4 vm5, v22, v14;
	vm5 =	vcmask @!p4 $0xB14  }
0x2c2: {  	s0 =	sshra.s32 @!p3 s0, $0x2;
	s1 =	sshll.u32 @!p4 s29, $0x6;
	v17 =	vsel @!p3 vm6, v21, v17;
	v21 =	vsel @!p4 vm5, v22, v15;
	vm5 =	vcmask @!p4 $0xF14  }
0x2c3: {  	v16 =	vld.idx.msk [tilespmem:v16+s25+$0x0], $0xffff;
	[tilespmem:s0+$0x197A0] =	vst @!p3 v17;
	s0 =	sshra.s32 @!p4 s1, $0x2;
	v17 =	vsel @!p4 vm5, v21, v20  }
0x2c4: {  	[tilespmem:s0+$0x197B0] =	vst @!p4 v17  }
0x2c5: {  	vm5 =	vmmov vm3;
	v17 =	vsub.s32 v18, v2  }
0x2c6: {  	v18 =	vsub.s32 v19, v2;
	vm5 =	vmneg @p2 vm5;
	vm6 =	vlt.u32 v17, $0x500  }
0x2c7: {  	vm7 =	vgt.s32 v17, $0x0;
	vm8 =	vlt.u32 v18, $0x500;
	vm6 =	vmand vm6, vm4  }
0x2c8: {  	v17 =	vnsel vm7, $0x0, v17;
	vm5 =	vmand vm8, vm5;
	vm7 =	vgt.s32 v18, $0x0  }
0x2c9: {  	v19 =	vmin.u32 v17, $0x4FF;
	vm5 =	vmand vm5, vm4;
	v17 =	vnsel vm7, $0x0, v18  }
0x2ca: {  	v18 =	vmin.u32 v17, $0x4FF;
	_ =	sdelay $0x2  }
0x2cb: {  	s0 =	simm.s32 $0x30;
	s1 =	sadd.s32 $0x30, s10;
	v17 =	vimm.f32 $-1.000000020e+30  }
0x2cc: {  	s2 =	sand.u32 $0xFF80, s1;
	s0 =	sand.u32 $0x70, s0;
	[tilespmem:v19+s20+$0x0] =	vst.idx.msk vm6, v17  }
0x2cd: {  	s0 =	sor.u32 s0, s2;
	[tilespmem:v18+s20+$0x0] =	vst.idx.msk vm5, v17  }
0x2ce: {  	v18 =	vld [tilespmem:s0+$0x14020]  }
0x2cf: {  	v19 =	vld [tilespmem:s0+$0x20]  }
0x2d0: {  	s9 =	simm.s32 $0x20;
	s3 =	sadd.s32 $0xFFFFFFF0, s1;
	v20 =	vld [tilespmem:s0+$0xA020]  }
0x2d1: {  	s5 =	sand.u32 $0xFF80, s3;
	s2 =	sand.u32 $0x60, s9;
	v21 =	vld [tilespmem:s0+$0xF020]  }
0x2d2: {  	s2 =	sor.u32 s2, s5;
	v22 =	vld [tilespmem:s0+$0x5020]  }
0x2d3: {  	v23 =	vld [tilespmem:s2+$0x14020]  }
0x2d4: {  	v25 =	vld [tilespmem:s2+$0xA020]  }
0x2d5: {  	v26 =	vld [tilespmem:s2+$0x20]  }
0x2d6: {  	s8 =	simm.s32 $0x10;
	s4 =	sadd.s32 $0xFFFFFFE0, s1;
	v27 =	vld [tilespmem:s2+$0x5020]  }
0x2d7: {  	v60 =	vimm.s32 $0x40000000;
	s14 =	sand.u32 $0x50, s8;
	s11 =	sand.u32 $0xFF80, s4;
	v28 =	vld [tilespmem:s2+$0xF020];
	v29 =	vadd.f32 v18, v11  }
0x2d8: {  	s5 =	sor.u32 s14, s11;
	v18 =	vadd.f32 v18, v16;
	v30 =	vmin.f32 v20, v9;
	v32 =	vmax.f32 v19, v7  }
0x2d9: {  	v24 =	vld [tilespmem:s5+$0x14020];
	v33 =	vmin.f32 v21, v10;
	v34 =	vmax.f32 v22, v8;
	v20 =	vmin.f32 v20, v14  }
0x2da: {  	s26 =	simm.s32 $0x0;
	s0 =	sadd.s32 $0xFFFFFFD0, s1;
	v61 =	vld [tilespmem:s5+$0xA020];
	v19 =	vmax.f32 v19, v12;
	v36 =	vadd.f32 v23, v11;
	v23 =	vadd.f32 v23, v16  }
0x2db: {  	s8 =	sand.u32 $0x40, s26;
	v35 =	vld [tilespmem:s5+$0x20];
	s9 =	sand.u32 $0xFF80, s0;
	v21 =	vmin.f32 v21, v15;
	v22 =	vmax.f32 v22, v13;
	v38 =	vmin.f32 v25, v9  }
0x2dc: {  	v37 =	vld [tilespmem:s5+$0x5020];
	s8 =	sor.u32 s8, s9;
	v39 =	vmax.f32 v26, v7;
	v41 =	vmin.f32 v28, v10;
	v43 =	vmax.f32 v27, v8  }
0x2dd: {  	v31 =	vld [tilespmem:s8+$0x14020];
	v25 =	vmin.f32 v25, v14;
	v26 =	vmax.f32 v26, v12;
	v28 =	vmin.f32 v28, v15  }
0x2de: {  	v62 =	vld [tilespmem:s8+$0x20];
	v27 =	vmax.f32 v27, v13;
	v30 =	vsub.f32 v30, v32;
	v33 =	vsub.f32 v33, v34  }
0x2df: {  	v42 =	vld [tilespmem:s8+$0xA020];
	v46 =	vmin.f32 v61, v9;
	v19 =	vsub.f32 v20, v19;
	v21 =	vsub.f32 v21, v22  }
0x2e0: {  	v44 =	vld [tilespmem:s8+$0xF020];
	v47 =	vmax.f32 v35, v7;
	v22 =	vadd.f32 v24, v11;
	v24 =	vadd.f32 v24, v16  }
0x2e1: {  	v40 =	vld [tilespmem:s8+$0x5020];
	v35 =	vmax.f32 v35, v12;
	v38 =	vsub.f32 v38, v39;
	v41 =	vsub.f32 v41, v43  }
0x2e2: {  	v32 =	vmin.f32 v61, v14;
	v25 =	vsub.f32 v25, v26;
	v47 =	vsub.f32 v46, v47  }
0x2e3: {  	v49 =	vmax.f32 v37, v8;
	v27 =	vsub.f32 v28, v27;
	v32 =	vsub.f32 v32, v35  }
0x2e4: {  	v37 =	vmax.f32 v37, v13;
	v45 =	vadd.f32 v31, v11;
	v31 =	vadd.f32 v31, v16  }
0x2e5: {  	v50 =	vmin.f32 v42, v9;
	v51 =	vmax.f32 v62, v7;
	v52 =	vmin.f32 v44, v10  }
0x2e6: {  	v53 =	vmax.f32 v40, v8;
	v63 =	vmin.f32 v42, v14;
	v26 =	vmax.f32 v62, v12  }
0x2e7: {  	v28 =	vmin.f32 v44, v15;
	v40 =	vmax.f32 v40, v13;
	v30 =	vmax.f32 v30, $0.0e+00  }
0x2e8: {  	v33 =	vmax.f32 v33, $0.0e+00;
	v19 =	vmax.f32 v19, $0.0e+00;
	v21 =	vmax.f32 v21, $0.0e+00  }
0x2e9: {  	v20 =	vld [tilespmem:s5+$0xF020];
	v57 =	vmax.f32 v41, $0.0e+00;
	v25 =	vmax.f32 v25, $0.0e+00;
	v34 =	vmax.f32 v47, $0.0e+00  }
0x2ea: {  	v27 =	vmax.f32 v27, $0.0e+00;
	v55 =	vsub.f32 v50, v51;
	v56 =	vsub.f32 v52, v53  }
0x2eb: {  	v62 =	vor.u32 s4, v3;
	v26 =	vsub.f32 v63, v26;
	v28 =	vsub.f32 v28, v40  }
0x2ec: {  	v30 =	vmul.f32 v33, v30;
	v19 =	vmul.f32 v21, v19;
	v21 =	vmax.f32 v38, $0.0e+00  }
0x2ed: {  	v32 =	vmax.f32 v32, $0.0e+00;
	v27 =	vmul.f32 v27, v25;
	v63 =	vor.u32 s3, v3  }
0x2ee: {  	v33 =	vmul.f32 v57, v21;
	v48 =	vmin.f32 v20, v10;
	v20 =	vmin.f32 v20, v15  }
0x2ef: {  	v35 =	vmax.f32 v55, $0.0e+00;
	v26 =	vmax.f32 v26, $0.0e+00;
	v21 =	vsub.f32 v29, v30  }
0x2f0: {  	s31 =	sadd.s32 $0x70, s10;
	s11 =	simm.s32 $0x70;
	v28 =	vmax.f32 v28, $0.0e+00;
	v18 =	vsub.f32 v18, v19;
	v54 =	vsub.f32 v48, v49  }
0x2f1: {  	s14 =	sand.u32 $0xFF80, s31;
	s2 =	sand.u32 $0x70, s11;
	v20 =	vsub.f32 v20, v37;
	v37 =	vmax.f32 v56, $0.0e+00;
	v28 =	vmul.f32 v28, v26  }
0x2f2: {  	s26 =	sor.u32 s2, s14;
	v59 =	vmul.f32 v37, v35;
	v21 =	vadd.f32 $9.999999930e-09, v21;
	v58 =	vmax.f32 v54, $0.0e+00  }
0x2f3: {  	v20 =	vmax.f32 v20, $0.0e+00;
	v26 =	vsub.f32 v31, v28;
	v31 =	vld [tilespmem:s26+$0xA020];
	v29 =	vmul.f32 v58, v34  }
0x2f4: {  	v18 =	vadd.f32 $9.999999930e-09, v18;
	v32 =	vmul.f32 v20, v32;
	v20 =	vsub.f32 v36, v33  }
0x2f5: {  	s2 =	sadd.s32 $0xFFFFFFF0, s31;
	s9 =	simm.s32 $0x60;
	v23 =	vsub.f32 v23, v27;
	(erf) = vrcp.f32 v21;
	v21 =	vld [tilespmem:s26+$0x14020];
	v22 =	vsub.f32 v22, v29  }
0x2f6: {  	s11 =	sand.u32 $0xFF80, s2;
	s5 =	sand.u32 $0x60, s9;
	v25 =	vsub.f32 v45, v59;
	(erf) = vrcp.f32 v18;
	v18 =	vld [tilespmem:s26+$0x20];
	v20 =	vadd.f32 $9.999999930e-09, v20  }
0x2f7: {  	s5 =	sor.u32 s5, s11;
	v23 =	vadd.f32 $9.999999930e-09, v23;
	v37 =	vor.u32 s1, v3;
	v22 =	vadd.f32 $9.999999930e-09, v22  }
0x2f8: {  	v44 =	vld [tilespmem:s5+$0xA020];
	(erf) = vrcp.f32 v20;
	v20 =	vadd.f32 $9.999999930e-09, v25;
	v48 =	vmin.f32 v31, v9  }
0x2f9: {  	v47 =	vld [tilespmem:s5+$0x20];
	v31 =	vmin.f32 v31, v14;
	(erf) = vrcp.f32 v23;
	v23 =	vsub.f32 v24, v32  }
0x2fa: {  	v61 =	vld [tilespmem:s5+$0x14020];
	v24 =	vadd.f32 $9.999999930e-09, v26;
	v26 =	vadd.f32 v21, v11;
	(erf) = vrcp.f32 v22  }
0x2fb: {  	v25 =	vld [tilespmem:s26+$0xF020];
	v49 =	vmax.f32 v18, v7;
	v18 =	vmax.f32 v18, v12;
	v23 =	vadd.f32 $9.999999930e-09, v23  }
0x2fc: {  	s14 =	simm.s32 $0x50;
	s9 =	sadd.s32 $0xFFFFFFE0, s31;
	v22 =	vld [tilespmem:s26+$0x5020];
	(erf) = vrcp.f32 v20;
	v20 =	vadd.f32 v21, v16;
	v40 =	vsub.f32 v48, v49  }
0x2fd: {  	s8 =	sand.u32 $0x50, s14;
	s26 =	sand.u32 $0xFF80, s9;
	v31 =	vsub.f32 v31, v18;
	v18 =	vor.u32 s0, v3;
	(erf) = vrcp.f32 v24  }
0x2fe: {  	s11 =	sor.u32 s8, s26;
	v48 =	vmin.f32 v44, v9;
	v49 =	vmax.f32 v47, v7;
	v44 =	vmin.f32 v44, v14  }
0x2ff: {  	v47 =	vmax.f32 v47, v12;
	v21 =	vld [tilespmem:s11+$0x14020];
	v24 =	vadd.f32 v61, v11;
	(erf) = vrcp.f32 v23  }
0x300: {  	v48 =	vsub.f32 v48, v49;
	v44 =	vsub.f32 v44, v47;
	v50 =	vmin.f32 v25, v10;
	v51 =	vpop (erf)  }
0x301: {  	v38 =	vld [tilespmem:s11+$0x20];
	v23 =	vadd.f32 v61, v16;
	v53 =	vpop (erf);
	v52 =	vmax.f32 v22, v8;
	v22 =	vmax.f32 v22, v13  }
0x302: {  	s14 =	simm.s32 $0x40;
	s1 =	sadd.s32 $0xFFFFFFD0, s31;
	v25 =	vmin.f32 v25, v15;
	v61 =	vld [tilespmem:s11+$0xF020];
	v31 =	vmax.f32 v31, $0.0e+00;
	v30 =	vmul.f32 v51, v30;
	v54 =	vpop (erf)  }
0x303: {  	s4 =	sand.u32 $0x40, s14;
	s26 =	sand.u32 $0xFF80, s1;
	v44 =	vmax.f32 v44, $0.0e+00;
	v19 =	vmul.f32 v53, v19;
	v41 =	vsub.f32 v50, v52;
	v55 =	vpop (erf)  }
0x304: {  	s4 =	sor.u32 s4, s26;
	v45 =	vsub.f32 v25, v22;
	vm5 =	vgt.f32 v30, $5.000000000e-01;
	v25 =	vadd.f32 v21, v11;
	v22 =	vpop (erf)  }
0x305: {  	s0 =	simm.s32 $0x19040;
	v50 =	vld [tilespmem:s4+$0xA020];
	v21 =	vadd.f32 v21, v16;
	vm6 =	vgt.f32 v19, $5.000000000e-01;
	v33 =	vmul.f32 v54, v33;
	v56 =	vpop (erf)  }
0x306: {  	v57 =	vld [tilespmem:s0+$0xFFFFFFE0];
	vm5 =	vmor vm5, vm6;
	v54 =	vmax.f32 v38, v7;
	v38 =	vmax.f32 v38, v12;
	v58 =	vpop (erf)  }
0x307: {  	v43 =	vmin.f32 v61, v15;
	v34 =	vmul.f32 v56, v59;
	v28 =	vmul.f32 v58, v28  }
0x308: {  	v27 =	vmul.f32 v55, v27;
	v55 =	vmin.f32 v61, v10;
	v22 =	vmul.f32 v22, v29;
	v59 =	vld [tilespmem:s0+$0xFFFFFFF0];
	v19 =	vpop (erf)  }
0x309: {  	v19 =	vmul.f32 v19, v32;
	vm7 =	vgt.f32 v34, $5.000000000e-01;
	vm13 =	vgt.f32 v28, $5.000000000e-01  }
0x30a: {  	vm9 =	vgt.f32 v27, $5.000000000e-01;
	v61 =	vmin.f32 v50, v9;
	v28 =	vld [tilespmem:s0+$0x0];
	vm6 =	vmor vm7, vm13  }
0x30b: {  	vm7 =	vgt.f32 v22, $5.000000000e-01;
	vm14 =	vgt.f32 v19, $5.000000000e-01;
	v30 =	vsel vm6, $0xF149F2CA, v57  }
0x30c: {  	v29 =	vld [tilespmem:s5+$0x5020];
	v50 =	vmin.f32 v50, v14;
	vm7 =	vmor vm7, vm14;
	vm15 =	vgt.f32 v30, v17  }
0x30d: {  	vm6 =	vgt.f32 v33, $5.000000000e-01;
	v33 =	vsel vm7, $0xF149F2CA, v59;
	v19 =	vsel vm15, v30, v17  }
0x30e: {  	v22 =	vld [tilespmem:s0+$0x10];
	vm6 =	vmor vm6, vm9;
	v18 =	vsel vm15, v18, v60;
	v17 =	vsel vm15, v17, v19  }
0x30f: {  	v27 =	vsel vm15, v60, v18;
	v35 =	vsel vm6, $0xF149F2CA, v28;
	v28 =	vld [tilespmem:s5+$0xF020];
	vm7 =	vgt.f32 v33, v17  }
0x310: {  	vm6 =	vgt.f32 v33, v19;
	v60 =	vld [tilespmem:s4+$0x14020];
	v17 =	vsel vm7, v33, v17;
	v27 =	vsel vm7, v62, v27  }
0x311: {  	v52 =	vmax.f32 v29, v13;
	v17 =	vsel vm6, v19, v17;
	v27 =	vsel vm6, v18, v27  }
0x312: {  	v39 =	vld [tilespmem:s11+$0xA020];
	v18 =	vsel vm6, v62, v18;
	v19 =	vsel vm6, v33, v19;
	vm6 =	vgt.f32 v35, v17  }
0x313: {  	v53 =	vld [tilespmem:s4+$0xF020];
	v36 =	vsel vm5, $0xF149F2CA, v22;
	vm5 =	vgt.f32 v35, v19;
	v17 =	vsel vm6, v35, v17  }
0x314: {  	v22 =	vsel vm6, v63, v27;
	v42 =	vmin.f32 v28, v10;
	v28 =	vmin.f32 v28, v15  }
0x315: {  	v32 =	vadd.f32 v60, v11;
	v17 =	vsel vm5, v19, v17;
	v22 =	vsel vm5, v18, v22  }
0x316: {  	v18 =	vsel vm5, v63, v18;
	v19 =	vsel vm5, v35, v19;
	v63 =	vmax.f32 v29, v8  }
0x317: {  	v29 =	vadd.f32 v60, v16;
	v60 =	vmin.f32 v39, v9;
	v39 =	vmin.f32 v39, v14  }
0x318: {  	v46 =	vld [tilespmem:s4+$0x20];
	v52 =	vsub.f32 v28, v52;
	v28 =	vmin.f32 v53, v15;
	vm5 =	vgt.f32 v36, v17  }
0x319: {  	v27 =	vld [tilespmem:s11+$0x5020];
	vm6 =	vgt.f32 v36, v19;
	v42 =	vsub.f32 v42, v63;
	v63 =	vmin.f32 v53, v10  }
0x31a: {  	v34 =	vsub.f32 v60, v54;
	v38 =	vsub.f32 v39, v38;
	v17 =	vsel vm5, v36, v17  }
0x31b: {  	v60 =	vmax.f32 v41, $0.0e+00;
	v62 =	vsel vm5, v37, v22;
	v22 =	vsel vm6, v19, v17  }
0x31c: {  	v17 =	vsel vm6, v18, v62;
	v19 =	vsel vm6, v36, v19;
	v18 =	vsel vm6, v37, v18  }
0x31d: {  	v37 =	vld [tilespmem:s4+$0x5020];
	v62 =	vmax.f32 v46, v7;
	v46 =	vmax.f32 v46, v12;
	v42 =	vmax.f32 v42, $0.0e+00  }
0x31e: {  	v39 =	vmax.f32 v38, $0.0e+00;
	v56 =	vmax.f32 v27, v8;
	v27 =	vmax.f32 v27, v13  }
0x31f: {  	v59 =	vsub.f32 v61, v62;
	v46 =	vsub.f32 v50, v46;
	v61 =	vmax.f32 v45, $0.0e+00  }
0x320: {  	[tilespmem:s0+$0xFFFFFFE0] =	vst v30;
	v62 =	vmax.f32 v48, $0.0e+00;
	v58 =	vsub.f32 v55, v56;
	v43 =	vsub.f32 v43, v27  }
0x321: {  	[tilespmem:s0+$0x10] =	vst v36;
	v27 =	vmax.f32 v40, $0.0e+00;
	v36 =	vmul.f32 v42, v62;
	v30 =	vmax.f32 v59, $0.0e+00  }
0x322: {  	[tilespmem:s0+$0xFFFFFFF0] =	vst v33;
	v33 =	vmax.f32 v46, $0.0e+00;
	v57 =	vmax.f32 v37, v8;
	v37 =	vmax.f32 v37, v13  }
0x323: {  	v40 =	vmax.f32 v43, $0.0e+00;
	v47 =	vsub.f32 v63, v57;
	v37 =	vsub.f32 v28, v37  }
0x324: {  	v28 =	vmul.f32 v60, v27;
	v27 =	vmul.f32 v61, v31;
	v63 =	vmax.f32 v52, $0.0e+00  }
0x325: {  	[tilespmem:s0+$0x0] =	vst v35;
	v31 =	vmax.f32 v34, $0.0e+00;
	v34 =	vmax.f32 v58, $0.0e+00;
	v35 =	vmul.f32 v63, v44  }
0x326: {  	s3 =	simm.s32 $0x4;
	s4 =	simm.s32 $0xB0;
	v38 =	vmax.f32 v47, $0.0e+00;
	v37 =	vmax.f32 v37, $0.0e+00;
	v26 =	vsub.f32 v26, v28  }
.LBB2_15:
0x327: {  	s5 =	sadd.s32 s4, s10;
	v41 =	vmul.f32 v34, v31;
	v39 =	vmul.f32 v40, v39;
	v20 =	vsub.f32 v20, v27  }
0x328: {  	s11 =	sand.u32 $0x70, s4;
	v38 =	vmul.f32 v38, v30;
	s8 =	sand.u32 $0xFF80, s5;
	v24 =	vsub.f32 v24, v36;
	v26 =	vadd.f32 $9.999999930e-09, v26  }
0x329: {  	v40 =	vmul.f32 v37, v33;
	v23 =	vsub.f32 v23, v35;
	s8 =	sor.u32 s11, s8;
	v20 =	vadd.f32 $9.999999930e-09, v20  }
0x32a: {  	v25 =	vsub.f32 v25, v41;
	v30 =	vld [tilespmem:s8+$0x14020];
	v24 =	vadd.f32 $9.999999930e-09, v24;
	(erf) = vrcp.f32 v26  }
0x32b: {  	v26 =	vsub.f32 v32, v38;
	v23 =	vadd.f32 $9.999999930e-09, v23;
	v31 =	vld [tilespmem:s8+$0x20];
	(erf) = vrcp.f32 v20  }
0x32c: {  	s14 =	sadd.s32 $0xFFFFFFF0, s5;
	s11 =	sadd.s32 $0xFFFFFFF0, s4;
	v20 =	vsub.f32 v29, v40;
	v25 =	vadd.f32 $9.999999930e-09, v25;
	v33 =	vld [tilespmem:s8+$0xA020];
	(erf) = vrcp.f32 v24  }
0x32d: {  	s26 =	sand.u32 $0xFF80, s14;
	v21 =	vsub.f32 v21, v39;
	s11 =	sand.u32 $0x60, s11;
	v24 =	vadd.f32 $9.999999930e-09, v26;
	v34 =	vld [tilespmem:s8+$0xF020];
	(erf) = vrcp.f32 v23  }
0x32e: {  	s11 =	sor.u32 s11, s26;
	v20 =	vadd.f32 $9.999999930e-09, v20;
	v42 =	vld [tilespmem:s8+$0x5020];
	(erf) = vrcp.f32 v25  }
0x32f: {  	s26 =	sadd.s32 $0xFFFFFFE0, s5;
	v21 =	vadd.f32 $9.999999930e-09, v21;
	v29 =	vor.u32 s31, v3;
	s31 =	smov.u32 s5;
	s8 =	sadd.s32 $0xFFFFFFE0, s4;
	v23 =	vld [tilespmem:s11+$0x14020];
	(erf) = vrcp.f32 v24  }
0x330: {  	v43 =	vor.u32 s9, v3;
	v44 =	vor.u32 s2, v3;
	s2 =	smov.u32 s14;
	s5 =	sand.u32 $0xFF80, s26;
	s8 =	sand.u32 $0x50, s8;
	(erf) = vrcp.f32 v20  }
0x331: {  	s9 =	smov.u32 s26;
	v26 =	vadd.f32 v30, v11;
	s5 =	sor.u32 s8, s5;
	v20 =	vadd.f32 v30, v16;
	(erf) = vrcp.f32 v21  }
0x332: {  	v30 =	vmax.f32 v31, v7;
	v25 =	vmin.f32 v33, v9;
	v21 =	vld [tilespmem:s5+$0x14020];
	v45 =	vmin.f32 v34, v10  }
0x333: {  	v47 =	vmax.f32 v31, v12;
	v33 =	vmin.f32 v33, v14;
	v32 =	vld [tilespmem:s11+$0xA020];
	v46 =	vmax.f32 v42, v8;
	v48 =	vpop (erf)  }
0x334: {  	v34 =	vmin.f32 v34, v15;
	v37 =	vld [tilespmem:s11+$0x20];
	v24 =	vadd.f32 v23, v11;
	v23 =	vadd.f32 v23, v16;
	v49 =	vpop (erf)  }
0x335: {  	v31 =	vsub.f32 v25, v30;
	v25 =	vmax.f32 v42, v13;
	v30 =	vsub.f32 v45, v46;
	v42 =	vpop (erf)  }
0x336: {  	v33 =	vsub.f32 v33, v47;
	v34 =	vsub.f32 v34, v25;
	v45 =	vor.u32 s1, v3;
	v46 =	vpop (erf)  }
0x337: {  	v47 =	vmul.f32 v48, v28;
	v25 =	vadd.f32 v21, v11;
	v21 =	vadd.f32 v21, v16;
	v48 =	vpop (erf)  }
0x338: {  	s0 =	sadd.s32 $0x40, s0;
	v51 =	vmul.f32 v49, v27;
	v36 =	vmul.f32 v42, v36;
	v28 =	vmin.f32 v32, v9;
	v42 =	vpop (erf)  }
0x339: {  	v35 =	vmul.f32 v46, v35;
	v49 =	vmax.f32 v37, v7;
	v50 =	vld [tilespmem:s0+$0xFFFFFFE0];
	v38 =	vmul.f32 v42, v38;
	v42 =	vpop (erf)  }
0x33a: {  	vm5 =	vgt.f32 v47, $5.000000000e-01;
	vm6 =	vgt.f32 v51, $5.000000000e-01;
	v40 =	vmul.f32 v42, v40;
	v42 =	vld [tilespmem:s0+$0xFFFFFFF0];
	v27 =	vpop (erf)  }
0x33b: {  	v41 =	vmul.f32 v48, v41;
	vm5 =	vmor vm5, vm6;
	v27 =	vmul.f32 v27, v39  }
0x33c: {  	vm8 =	vgt.f32 v36, $5.000000000e-01;
	vm6 =	vgt.f32 v38, $5.000000000e-01;
	vm7 =	vgt.f32 v40, $5.000000000e-01  }
0x33d: {  	vm6 =	vmor vm6, vm7;
	vm7 =	vgt.f32 v41, $5.000000000e-01;
	vm9 =	vgt.f32 v27, $5.000000000e-01;
	v27 =	vld [tilespmem:s0+$0x0]  }
0x33e: {  	v36 =	vsel vm6, $0xF149F2CA, v50;
	vm6 =	vmor vm7, vm9;
	vm7 =	vgt.f32 v35, $5.000000000e-01  }
0x33f: {  	[tilespmem:s0+$0xFFFFFFE0] =	vst v36;
	vm9 =	vgt.f32 v36, v22;
	v35 =	vsel vm6, $0xF149F2CA, v42;
	vm6 =	vmor vm8, vm7  }
0x340: {  	vm7 =	vgt.f32 v36, v19;
	v22 =	vsel vm9, v36, v22;
	v17 =	vsel vm9, v45, v17;
	[tilespmem:s0+$0xFFFFFFF0] =	vst v35;
	v38 =	vld [tilespmem:s0+$0x10]  }
0x341: {  	s8 =	sadd.s32 $0xFFFFFFD0, s4;
	s1 =	sadd.s32 $0xFFFFFFD0, s31;
	v22 =	vsel vm7, v19, v22;
	v17 =	vsel vm7, v18, v17;
	v18 =	vsel vm7, v45, v18  }
0x342: {  	s8 =	sand.u32 $0x40, s8;
	s14 =	sand.u32 $0xFF80, s1;
	v19 =	vsel vm7, v36, v19;
	v39 =	vld [tilespmem:s11+$0x5020];
	vm7 =	vgt.f32 v35, v22;
	v27 =	vsel vm6, $0xF149F2CA, v27  }
0x343: {  	s8 =	sor.u32 s8, s14;
	vm6 =	vgt.f32 v35, v19;
	v36 =	vld [tilespmem:s11+$0xF020];
	v22 =	vsel vm7, v35, v22;
	v17 =	vsel vm7, v43, v17;
	[tilespmem:s0+$0x0] =	vst v27  }
0x344: {  	v40 =	vld [tilespmem:s8+$0x14020];
	v22 =	vsel vm6, v19, v22;
	v17 =	vsel vm6, v18, v17;
	v18 =	vsel vm6, v43, v18  }
0x345: {  	v19 =	vsel vm6, v35, v19;
	v41 =	vld [tilespmem:s5+$0x20];
	vm6 =	vgt.f32 v27, v22;
	v35 =	vsel vm5, $0xF149F2CA, v38  }
0x346: {  	vm5 =	vgt.f32 v27, v19;
	v38 =	vld [tilespmem:s5+$0x5020];
	v22 =	vsel vm6, v27, v22;
	v17 =	vsel vm6, v44, v17;
	[tilespmem:s0+$0x10] =	vst v35  }
0x347: {  	v42 =	vld [tilespmem:s5+$0xA020];
	v22 =	vsel vm5, v19, v22;
	v17 =	vsel vm5, v18, v17;
	v18 =	vsel vm5, v44, v18  }
0x348: {  	v19 =	vsel vm5, v27, v19;
	v43 =	vld [tilespmem:s5+$0xF020];
	v44 =	vmin.f32 v36, v10;
	vm5 =	vgt.f32 v35, v22  }
0x349: {  	vm6 =	vgt.f32 v35, v19;
	v27 =	vld [tilespmem:s8+$0x20];
	v22 =	vsel vm5, v35, v22;
	v17 =	vsel vm5, v29, v17  }
0x34a: {  	v45 =	vld [tilespmem:s8+$0x5020];
	v22 =	vsel vm6, v19, v22;
	v17 =	vsel vm6, v18, v17;
	v19 =	vsel vm6, v35, v19  }
0x34b: {  	v47 =	vmin.f32 v32, v14;
	v46 =	vmax.f32 v39, v8;
	v18 =	vsel vm6, v29, v18;
	v35 =	vld [tilespmem:s8+$0xA020]  }
0x34c: {  	v37 =	vmax.f32 v37, v12;
	v39 =	vmax.f32 v39, v13;
	v36 =	vmin.f32 v36, v15;
	v48 =	vld [tilespmem:s8+$0xF020]  }
0x34d: {  	v32 =	vadd.f32 v40, v11;
	v29 =	vadd.f32 v40, v16;
	v40 =	vmin.f32 v42, v9  }
0x34e: {  	v50 =	vmax.f32 v41, v7;
	v52 =	vmax.f32 v38, v8;
	v51 =	vmin.f32 v43, v10  }
0x34f: {  	v41 =	vmax.f32 v41, v12;
	v42 =	vmin.f32 v42, v14;
	v43 =	vmin.f32 v43, v15  }
0x350: {  	v38 =	vmax.f32 v38, v13;
	v54 =	vmax.f32 v27, v7;
	v53 =	vmin.f32 v35, v9  }
0x351: {  	v49 =	vsub.f32 v28, v49;
	v56 =	vmax.f32 v45, v8;
	v55 =	vmin.f32 v48, v10  }
0x352: {  	v37 =	vsub.f32 v47, v37;
	v28 =	vmin.f32 v35, v14;
	v35 =	vsub.f32 v44, v46  }
0x353: {  	v36 =	vsub.f32 v36, v39;
	v40 =	vsub.f32 v40, v50;
	v27 =	vmax.f32 v27, v12  }
0x354: {  	s3 =	sadd.s32 $0x4, s3;
	v41 =	vsub.f32 v42, v41;
	v44 =	vsub.f32 v51, v52;
	v39 =	vmin.f32 v48, v15  }
0x355: {  	p3 =	slt.u32 s3, $0x4C;
	v38 =	vsub.f32 v43, v38;
	v45 =	vmax.f32 v45, v13;
	v42 =	vsub.f32 v53, v54  }
0x356: {  	v46 =	vsub.f32 v28, v27;
	v27 =	vmax.f32 v31, $0.0e+00;
	v43 =	vsub.f32 v55, v56  }
0x357: {  	v28 =	vmax.f32 v30, $0.0e+00;
	v30 =	vmax.f32 v33, $0.0e+00;
	v31 =	vmax.f32 v34, $0.0e+00  }
0x358: {  	v45 =	vsub.f32 v39, v45;
	v28 =	vmul.f32 v28, v27;
	v27 =	vmul.f32 v31, v30  }
.Ltmp11:
0x359: {  	v47 =	vmax.f32 v49, $0.0e+00;
	v48 =	vmax.f32 v37, $0.0e+00;
	v35 =	vmax.f32 v35, $0.0e+00;
	(pc) =	sbr.rel @p3 .LBB2_15-.Ltmp11, $4  }
0x35a: {  	v31 =	vmax.f32 v40, $0.0e+00;
	v34 =	vmax.f32 v44, $0.0e+00;
	v44 =	vmax.f32 v36, $0.0e+00  }
0x35b: {  	v39 =	vmax.f32 v41, $0.0e+00;
	v40 =	vmax.f32 v38, $0.0e+00;
	v30 =	vmax.f32 v42, $0.0e+00  }
0x35c: {  	v33 =	vmax.f32 v46, $0.0e+00;
	v38 =	vmax.f32 v43, $0.0e+00;
	v37 =	vmax.f32 v45, $0.0e+00  }
0x35d: {  	s4 =	sadd.s32 $0x40, s4;
	v36 =	vmul.f32 v35, v47;
	v35 =	vmul.f32 v44, v48;
	v26 =	vsub.f32 v26, v28  }
0x35e: {  	v7 =	vmul.f32 v34, v31;
	v8 =	vmul.f32 v40, v39;
	v9 =	vsub.f32 v20, v27  }
0x35f: {  	v10 =	vmul.f32 v38, v30;
	v11 =	vsub.f32 v24, v36;
	v12 =	vadd.f32 $9.999999930e-09, v26  }
0x360: {  	v13 =	vmul.f32 v37, v33;
	v14 =	vsub.f32 v23, v35;
	v9 =	vadd.f32 $9.999999930e-09, v9  }
0x361: {  	v15 =	vsub.f32 v25, v7;
	v11 =	vadd.f32 $9.999999930e-09, v11;
	(erf) = vrcp.f32 v12  }
0x362: {  	v41 =	vsub.f32 v32, v10;
	v14 =	vadd.f32 $9.999999930e-09, v14;
	(erf) = vrcp.f32 v9  }
0x363: {  	v9 =	vsub.f32 v29, v13;
	v15 =	vadd.f32 $9.999999930e-09, v15;
	(erf) = vrcp.f32 v11  }
0x364: {  	v11 =	vadd.f32 $9.999999930e-09, v41;
	(erf) = vrcp.f32 v14  }
0x365: {  	v42 =	vsub.f32 v21, v8;
	v9 =	vadd.f32 $9.999999930e-09, v9;
	(erf) = vrcp.f32 v15  }
0x366: {  	(erf) = vrcp.f32 v11  }
0x367: {  	v11 =	vadd.f32 $9.999999930e-09, v42;
	(erf) = vrcp.f32 v9;
	_ =	sdelay $0x1  }
0x368: {  	(erf) = vrcp.f32 v11  }
0x369: {  	v9 =	vpop (erf)  }
0x36a: {  	v11 =	vpop (erf)  }
0x36b: {  	v43 =	vpop (erf)  }
0x36c: {  	v14 =	vpop (erf)  }
0x36d: {  	v15 =	vpop (erf)  }
0x36e: {  	s0 =	sadd.s32 $0x40, s0;
	v16 =	vpop (erf)  }
0x36f: {  	v44 =	vld [tilespmem:s0+$0xFFFFFFE0];
	v9 =	vmul.f32 v9, v28;
	v45 =	vpop (erf)  }
0x370: {  	v10 =	vmul.f32 v16, v10;
	v13 =	vmul.f32 v45, v13  }
0x371: {  	v46 =	vld [tilespmem:s0+$0xFFFFFFF0];
	v12 =	vmul.f32 v43, v36;
	v7 =	vmul.f32 v15, v7;
	v47 =	vpop (erf)  }
0x372: {  	v8 =	vmul.f32 v47, v8;
	vm5 =	vgt.f32 v10, $5.000000000e-01;
	vm6 =	vgt.f32 v13, $5.000000000e-01  }
0x373: {  	v48 =	vld [tilespmem:s0+$0x0];
	v10 =	vmul.f32 v11, v27;
	v11 =	vmul.f32 v14, v35;
	vm5 =	vmor vm5, vm6  }
0x374: {  	vm6 =	vgt.f32 v7, $5.000000000e-01;
	vm7 =	vgt.f32 v8, $5.000000000e-01;
	v8 =	vsel vm5, $0xF149F2CA, v44  }
0x375: {  	vm8 =	vgt.f32 v12, $5.000000000e-01;
	v7 =	vld [tilespmem:s0+$0x10];
	vm6 =	vmor vm6, vm7;
	vm5 =	vgt.f32 v8, v19  }
0x376: {  	vm7 =	vgt.f32 v11, $5.000000000e-01;
	v11 =	vsel vm6, $0xF149F2CA, v46;
	v49 =	vsel vm5, v8, v19  }
0x377: {  	vm9 =	vgt.f32 v9, $5.000000000e-01;
	vm7 =	vmor vm8, vm7;
	vm6 =	vgt.f32 v11, v49  }
0x378: {  	vm15 =	vgt.f32 v10, $5.000000000e-01;
	v9 =	vsel vm7, $0xF149F2CA, v48;
	v10 =	vsel vm6, v11, v49  }
0x379: {  	vm8 =	vmor vm9, vm15;
	vm7 =	vgt.f32 v9, v10  }
0x37a: {  	v50 =	vsel vm8, $0xF149F2CA, v7;
	v51 =	vsel vm7, v9, v10  }
0x37b: {  	vm8 =	vgt.f32 v50, v51  }
0x37c: {  	v52 =	vsel vm8, v50, v51  }
0x37d: {  	(xrf0) =	vmax.scan.msk.f32 $0xffff, v52;
	_ =	sdelay $0x2  }
0x37e: {  	[tilespmem:s0+$0xFFFFFFE0] =	vst v8  }
0x37f: {  	[tilespmem:s0+$0xFFFFFFF0] =	vst v11  }
0x380: {  	[tilespmem:s0+$0x0] =	vst v9  }
0x381: {  	[tilespmem:s0+$0x10] =	vst v50;
	v7, _, _ =	vpop (xrf0)  }
0x382: {  	[tilespmem:$0x196A0] =	vst v7  }
0x383: {  	v53 =	vor.u32 s1, v3;
	v7 =	vld.idx.msk [tilespmem:v4+s21+$0x0], $0xffff  }
0x384: {  	v54 =	vor.u32 s9, v3;
	v55 =	vsel vm5, v53, v18  }
0x385: {  	v56 =	vor.u32 s2, v3;
	v57 =	vsel vm6, v54, v55  }
0x386: {  	v58 =	vor.u32 s31, v3;
	v59 =	vsel vm7, v56, v57  }
0x387: {  	v60 =	vsel vm8, v58, v59  }
0x388: {  	v61 =	vsub.s32 $0x80000000, v60;
	vm9 =	veq.f32 v52, v7  }
0x389: {  	v28 =	vnsel vm9, $0x40000000, v61  }
0x38a: {  	(xrf0) =	vmax.scan.msk.u32 $0xffff, v28;
	_ =	sdelay $0x4  }
0x38b: {  	vm10 =	vgt.f32 v8, v22  }
0x38c: {  	v8 =	vsel vm10, v8, v22;
	v62, _, _ =	vpop (xrf0)  }
0x38d: {  	v8 =	vsel vm5, v19, v8;
	v63 =	vxor.u32 $0x80000000, v62  }
0x38e: {  	vm11 =	vgt.f32 v11, v8;
	[tilespmem:$0x19720] =	vst v63  }
0x38f: {  	v8 =	vsel vm11, v11, v8;
	v11 =	vld.idx.msk [tilespmem:v4+s22+$0x0], $0xffff  }
0x390: {  	v8 =	vsel vm6, v49, v8  }
0x391: {  	vm12 =	vgt.f32 v9, v8  }
0x392: {  	v8 =	vsel vm12, v9, v8  }
0x393: {  	v9 =	vsel vm7, v10, v8  }
0x394: {  	vm13 =	vgt.f32 v50, v9;
	v8 =	vsub.s32 $0x0, v11  }
0x395: {  	v9 =	vsel vm13, v50, v9;
	vm14 =	veq.s32 v60, v8  }
0x396: {  	v9 =	vsel vm8, v51, v9;
	vm9 =	vmand vm9, vm14  }
0x397: {  	v10 =	vsel vm9, v9, v52  }
0x398: {  	(xrf0) =	vmax.scan.msk.f32 $0xffff, v10;
	_ =	sdelay $0x3  }
0x399: {  	v9 =	vsel vm10, v53, v17  }
0x39a: {  	v9 =	vsel vm5, v18, v9  }
0x39b: {  	v9 =	vsel vm11, v54, v9;
	v11, _, _ =	vpop (xrf0)  }
0x39c: {  	v9 =	vsel vm6, v55, v9;
	[tilespmem:$0x196A0] =	vst v11  }
0x39d: {  	v11 =	vsel vm12, v56, v9;
	v9 =	vld.idx.msk [tilespmem:v4+s21+$0x0], $0xffff  }
0x39e: {  	v11 =	vsel vm7, v57, v11  }
0x39f: {  	v11 =	vsel vm13, v58, v11  }
0x3a0: {  	v11 =	vsel vm8, v59, v11  }
0x3a1: {  	v11 =	vsel vm9, v11, v60  }
0x3a2: {  	vm5 =	veq.f32 v10, v9;
	v10 =	vsub.s32 $0x80000000, v11  }
0x3a3: {  	v10 =	vnsel vm5, $0x40000000, v10  }
0x3a4: {  	(xrf0) =	vmax.scan.msk.u32 $0xffff, v10;
	_ =	sdelay $0x2  }
.Ltmp12:
0x3a5: {  	_ = 	snop;
	(pc) =	sbr.rel .LBB2_18-.Ltmp12, $3  }
0x3a6: {  	_ =	sdelay $0x1  }
0x3a7: {  	v10, _, _ =	vpop (xrf0)  }
0x3a8: {  	v10 =	vxor.u32 $0x80000000, v10  }
.LBB2_20:
0x3a9: {  	_ =	sfence.sel $0x180000  }
0x3aa: {  	[bflag:$0x0] =	sbarrier.arrive $0xFFFF  }
0x3ab: {  	_ =	strace $0x90000047  }
0x3ac: {  	s0 =	stileid.u32;
	[bflag:$0x2] =	sbarrier.arrive $0xFFFF  }
0x3ad: {  	p0 =	sne.s32 s0, $0x0;
	s0 =	rddreg [dreg:$0x8]  }
0x3ae: {  	s0 =	sadd.s32 @!p0 $0x100000, s0  }
0x3af: {  	[sflag:s0] =	ssyncadd.tile.s32 @!p0 $0x1;
	_ =	shalt  }
.Lfunc_end2:
_tile_overlayer_lowered:
.L_overlay_start_2:
0x3b0: {  	(tag) =	ssettag $0x2  }
0x3b1: {  	s0 =	rddreg [dreg:$0x0];
	s2 =	stileid.u32  }
0x3b2: {  	s1 =	rddreg [dreg:$0x1];
	p0 =	sne.s32 s2, $0x0  }
0x3b3: {  	s3 =	rddreg [dreg:$0x2];
	[bflag:$0x3] =	sbarrier.arrive $0xFFFF;
	s2 =	simm.s32 @!p0 $0x1C01  }
0x3b4: {  	[timem:s3], [sflag:s2] =	dma.local @!p0 [hbm:s0], s1  }
0x3b5: {  	s0 =	simm.s32 @!p0 $0x1  }
0x3b6: {  	_ =	swait.ge @!p0 [sflag:s0], s1  }
0x3b7: {  	s1 =	ssub.s32 @!p0 $0x0, s1;
	[sflag:s0] =	ssyncset.done @!p0 $0x0  }
0x3b8: {  	[sflag:s0] =	ssyncadd.s32 @!p0 s1  }
0x3b9: {  	[bflag:$0x3] =	sbarrier.arrive $0xFFFF  }
0x3ba: {  	_ =	shalt  }

</sc_bundles>
